<compile_context>
chip_gen: v7x
topology: tpu7x:2x2x1
jax: 0.10.2.dev20260603
libtpu: 0.0.44.dev20260713+nightly
codegen_flags: <defaults>
</compile_context>

<pallas_src>
import functools

import jax
import jax.numpy as jnp
from jax import lax
from jax.experimental import pallas as pl
from jax.experimental.pallas import tpu as pltpu
from jax.experimental.pallas import tpu_sc as plsc

LANES = 16
P = 4
FC = 256
XBLK = 128


def _pack_body(lgt_ref, l_ref, r_ref, lr_ref, ab_ref, cd_ref):
    om = 0.5 + 0.5 * jnp.sin(lgt_ref[...])
    w00 = om[0:1]
    w01 = om[1:2]
    w10 = om[2:3]
    w11 = om[3:4]
    a = w00
    b = w10 - w00
    c = w01 - w00
    d = (w00 - w01) + (w11 - w10)
    lr_ref[...] = l_ref[...] | (r_ref[...] << 16)

    def pack_pair(lo, hi):
        lo16 = lax.bitcast_convert_type(lo.astype(jnp.bfloat16), jnp.uint16)
        hi16 = lax.bitcast_convert_type(hi.astype(jnp.bfloat16), jnp.uint16)
        return (lo16.astype(jnp.int32) | (hi16.astype(jnp.int32) << 16))

    ab_ref[...] = pack_pair(a, b)
    cd_ref[...] = pack_pair(c, d)


def _pack_metadata(logits, left, right):
    out_f = left.shape[0]
    lgt = logits.T
    shp = jax.ShapeDtypeStruct((1, out_f), jnp.int32)
    lr, ab, cd = pl.pallas_call(
        _pack_body,
        out_shape=(shp, shp, shp),
    )(lgt, left.reshape(1, out_f), right.reshape(1, out_f))
    return lr.reshape(-1), ab.reshape(-1), cd.reshape(-1)


def _pack_x_body(lo_ref, hi_ref, xp_ref):
    lo = lax.bitcast_convert_type(
        lo_ref[...].astype(jnp.bfloat16), jnp.uint16)
    hi = lax.bitcast_convert_type(
        hi_ref[...].astype(jnp.bfloat16), jnp.uint16)
    xp_ref[...] = (lo.astype(jnp.int32) | (hi.astype(jnp.int32) << 16))


def _pack_x(x):
    batch, in_f = x.shape
    grid = batch // 2 // XBLK
    return pl.pallas_call(
        _pack_x_body,
        grid=(grid,),
        in_specs=[
            pl.BlockSpec((XBLK, in_f), lambda i: (i, 0)),
            pl.BlockSpec((XBLK, in_f), lambda i: (i + grid, 0)),
        ],
        out_specs=pl.BlockSpec((XBLK, in_f), lambda i: (i, 0)),
        out_shape=jax.ShapeDtypeStruct((batch // 2, in_f), jnp.int32),
    )(x, x)


@functools.partial(jax.jit, static_argnames=("batch", "in_f", "out_f"))
def _run_sc(xp, lr, ab, cd, *, batch, in_f, out_f):
    info = plsc.get_sparse_core_info()
    nc, ns = info.num_cores, info.num_subcores
    nw = nc * ns
    pairs_per = (batch // 2) // nw
    n_gp = pairs_per // (2 * P)
    n_chunks = out_f // FC
    jsteps = FC // LANES
    assert pairs_per == n_gp * 2 * P and out_f == n_chunks * FC

    mesh = plsc.VectorSubcoreMesh(core_axis_name="c", subcore_axis_name="s")

    @functools.partial(
        pl.kernel,
        mesh=mesh,
        compiler_params=pltpu.CompilerParams(
            needs_layout_passes=False, disable_bounds_checks=True),
        out_type=jax.ShapeDtypeStruct((batch, out_f), jnp.float32),
        scratch_types=[
            pltpu.VMEM((out_f,), jnp.int32),
            pltpu.VMEM((out_f,), jnp.int32),
            pltpu.VMEM((out_f,), jnp.int32),
        ]
        + [pltpu.VMEM((in_f,), jnp.int32) for _ in range(2 * P)]
        + [pltpu.VMEM((2 * P, FC), jnp.float32) for _ in range(2)]
        + [pltpu.SemaphoreType.DMA for _ in range(4)],
    )
    def sc_kernel(xp_hbm, lr_hbm, ab_hbm, cd_hbm, out_hbm,
                  lr_v, ab_v, cd_v,
                  x00, x01, x02, x03, x10, x11, x12, x13,
                  ob0, ob1, sx0, sx1, so0, so1):
        xbufs = ((x00, x01, x02, x03), (x10, x11, x12, x13))
        obufs = (ob0, ob1)
        sxs = (sx0, sx1)
        sos = (so0, so1)
        wid = lax.axis_index("s") * nc + lax.axis_index("c")
        pair_base = wid * pairs_per

        pltpu.sync_copy(lr_hbm, lr_v)
        pltpu.sync_copy(ab_hbm, ab_v)
        pltpu.sync_copy(cd_hbm, cd_v)

        def fetch_group(pair0, bufs, sem):
            for q in range(P):
                pltpu.async_copy(xp_hbm.at[pair0 + q], bufs[q], sem)

        def wait_group(bufs, sem):
            for q in range(P):
                pltpu.make_async_copy(xp_hbm.at[0], bufs[q], sem).wait()

        half = batch // 2

        def send_out(q, pair0, c):
            pltpu.async_copy(
                obufs[q].at[pl.ds(0, P), :],
                out_hbm.at[pl.ds(pair0, P), pl.ds(c * FC, FC)], sos[q])
            pltpu.async_copy(
                obufs[q].at[pl.ds(P, P), :],
                out_hbm.at[pl.ds(half + pair0, P), pl.ds(c * FC, FC)], sos[q])

        def wait_out(q, pair0):
            for h in (0, 1):
                pltpu.make_async_copy(
                    obufs[q].at[pl.ds(0, P), :],
                    out_hbm.at[pl.ds(pair0, P), pl.ds(0, FC)],
                    sos[q]).wait()

        fetch_group(pair_base, xbufs[0], sxs[0])

        def gp_body(gp, _):
            for hp in (0, 1):
                g = gp * 2 + hp
                pair0 = pair_base + g * P
                if hp == 0:
                    fetch_group(pair0 + P, xbufs[1], sxs[1])
                else:
                    @pl.when(gp < n_gp - 1)
                    def _prefetch():
                        fetch_group(pair0 + P, xbufs[0], sxs[0])
                wait_group(xbufs[hp], sxs[hp])

                def chunk_body(ci, _, hp=hp, pair0=pair0):
                    for par in (0, 1):
                        c = ci * 2 + par
                        ob = obufs[par]
                        if hp == 1:
                            wait_out(par, pair0)
                        else:
                            @pl.when((gp > 0) | (c >= 2))
                            def _wait_prev():
                                wait_out(par, pair0)

                        @plsc.parallel_loop(0, jsteps, step=1, unroll=2)
                        def j_body(jj, ob=ob, c=c, hp=hp):
                            base = c * FC + jj * LANES
                            vlr = lr_v[pl.ds(base, LANES)]
                            il = vlr & 0xFFFF
                            ir = lax.shift_right_logical(vlr, 16)
                            vab = ab_v[pl.ds(base, LANES)]
                            vcd = cd_v[pl.ds(base, LANES)]
                            ca = plsc.bitcast((vab & 0xFFFF) | (vab << 16),
                                              jnp.bfloat16)
                            cb = plsc.bitcast(
                                lax.shift_right_logical(vab, 16)
                                | (vab & jnp.int32(-65536)), jnp.bfloat16)
                            cc = plsc.bitcast((vcd & 0xFFFF) | (vcd << 16),
                                              jnp.bfloat16)
                            cdv = plsc.bitcast(
                                lax.shift_right_logical(vcd, 16)
                                | (vcd & jnp.int32(-65536)), jnp.bfloat16)
                            for q in range(P):
                                lv = plsc.bitcast(
                                    plsc.load_gather(xbufs[hp][q], [il]),
                                    jnp.bfloat16)
                                rv = plsc.bitcast(
                                    plsc.load_gather(xbufs[hp][q], [ir]),
                                    jnp.bfloat16)
                                res = (ca + cb * lv) + (cc + cdv * lv) * rv
                                ev, od = plsc.unpack(
                                    res, format=plsc.PackFormat.INTERLEAVED)
                                ob[q, pl.ds(jj * LANES, LANES)] = ev
                                ob[P + q, pl.ds(jj * LANES, LANES)] = od
                        send_out(par, pair0, c)
                    return _
                lax.fori_loop(0, n_chunks // 2, chunk_body, None)
            return _

        lax.fori_loop(0, n_gp, gp_body, None)
        for q in (0, 1):
            wait_out(q, pair_base)

    return sc_kernel(xp, lr, ab, cd)


def kernel(x, logits, left_indices, right_indices):
    batch, in_f = x.shape
    out_f = left_indices.shape[0]
    lr, ab, cd = _pack_metadata(logits, left_indices, right_indices)
    xp = _pack_x(x)
    return _run_sc(xp, lr, ab, cd,
                   batch=batch, in_f=in_f, out_f=out_f)

# --- scband reference (transcript-rebuilt; emitter-appended) ---
"""Pipeline reference for scband-input-wise-logic-layer-8203387535793 (READ-ONLY COPY).

The authoritative reference and input builder live on the scoring server;
editing this copy changes nothing except your own understanding.
"""

import jax, jax.numpy as jnp
import numpy as np

IN_FEATURES = 8192
OUT_FEATURES = 16384
BATCH = 4096
MU = 1.2
SIGMA = 0.25


def setup_inputs(seed: int = 0) -> dict:
    key = jax.random.key(seed)
    kx, kl, kr, kw = jax.random.split(key, 4)
    x = jax.random.uniform(kx, (BATCH, IN_FEATURES), dtype=jnp.float32)
    left = jax.random.randint(kl, (OUT_FEATURES,), 0, IN_FEATURES, dtype=jnp.int32)
    right = jax.random.randint(kr, (OUT_FEATURES,), 0, IN_FEATURES, dtype=jnp.int32)
    same = left == right
    right = jnp.where(same, (right + 1) % IN_FEATURES, right)
    # residual_init with sinusoidal heavy-tail parameters (mu=1.2, sigma=0.25)
    means = jnp.array([-MU, -MU, MU, MU], dtype=jnp.float32)
    logits = jax.random.normal(kw, (OUT_FEATURES, 4), dtype=jnp.float32) * SIGMA + means[None, :]
    return {"x": x, "logits": logits, "left_indices": left, "right_indices": right}


def reference(x, logits, left_indices, right_indices):
    # _coefficients (sinusoidal, discrete=False)
    omega = 0.5 + 0.5 * jnp.sin(logits)
    # index_select along feature dim (gather)
    left = jnp.take(x, left_indices, axis=1)
    right = jnp.take(x, right_indices, axis=1)
    w00 = omega[:, 0][None, :]
    w01 = omega[:, 1][None, :]
    w10 = omega[:, 2][None, :]
    w11 = omega[:, 3][None, :]
    return ((1.0 - left) * (1.0 - right) * w00
            + (1.0 - left) * right * w01
            + left * (1.0 - right) * w10
            + left * right * w11)

if __name__ == "__main__":
    import jax
    _d = setup_inputs()
    print(jax.jit(kernel)(*tuple(_d.values())))

</pallas_src>

<mosaic_0001>
#map = affine_map<(d0, d1) -> (0, 0)>
#map1 = affine_map<(d0, d1) -> (0)>
module attributes {stable_mosaic.version = 14 : i64} {
  func.func @sc_kernel(%arg0: i32, %arg1: i32, %arg2: memref<2048x8192xi32, #tpu.memory_space<hbm>>, %arg3: memref<16384xi32, #tpu.memory_space<hbm>>, %arg4: memref<16384xi32, #tpu.memory_space<hbm>>, %arg5: memref<16384xi32, #tpu.memory_space<hbm>>, %arg6: memref<4096x16384xf32, #tpu.memory_space<hbm>>, %arg7: memref<16384xi32, #tpu.memory_space<vmem>>, %arg8: memref<16384xi32, #tpu.memory_space<vmem>>, %arg9: memref<16384xi32, #tpu.memory_space<vmem>>, %arg10: memref<8192xi32, #tpu.memory_space<vmem>>, %arg11: memref<8192xi32, #tpu.memory_space<vmem>>, %arg12: memref<8192xi32, #tpu.memory_space<vmem>>, %arg13: memref<8192xi32, #tpu.memory_space<vmem>>, %arg14: memref<8192xi32, #tpu.memory_space<vmem>>, %arg15: memref<8192xi32, #tpu.memory_space<vmem>>, %arg16: memref<8192xi32, #tpu.memory_space<vmem>>, %arg17: memref<8192xi32, #tpu.memory_space<vmem>>, %arg18: memref<8x256xf32, #tpu.memory_space<vmem>>, %arg19: memref<8x256xf32, #tpu.memory_space<vmem>>, %arg20: memref<!tpu.dma_semaphore, #tpu.memory_space<semaphore_mem>>, %arg21: memref<!tpu.dma_semaphore, #tpu.memory_space<semaphore_mem>>, %arg22: memref<!tpu.dma_semaphore, #tpu.memory_space<semaphore_mem>>, %arg23: memref<!tpu.dma_semaphore, #tpu.memory_space<semaphore_mem>>) attributes {dimension_semantics = [#tpu.dimension_semantics<core_parallel>, #tpu.dimension_semantics<subcore_parallel>], iteration_bounds = array<i64: 2, 16>, scalar_prefetch = 0 : i64, scratch_operands = 17 : i64, tpu.core_type = #tpu.core_type<sc_vector_subcore>, window_params = [{transform_indices = #map}, {transform_indices = #map1}, {transform_indices = #map1}, {transform_indices = #map1}, {transform_indices = #map}]} {
    %mul3A = arith.constant 2 : i32
    %mul3A_0 = arith.muli %arg1, %mul3A : i32
    %add3A = arith.addi %mul3A_0, %arg0 : i32
    %mul3A_1 = arith.constant 64 : i32
    %mul3A_2 = arith.muli %add3A, %mul3A_1 : i32
    "tpu.region"() ({
      %run_scoped3A = tpu.sem_alloc : memref<!tpu.dma_semaphore, #tpu.memory_space<semaphore_mem>>
      tpu.enqueue_dma source(%arg3 : memref<16384xi32, #tpu.memory_space<hbm>>) target(%arg7 : memref<16384xi32, #tpu.memory_space<vmem>>) target_semaphore(%run_scoped3A : memref<!tpu.dma_semaphore, #tpu.memory_space<semaphore_mem>>)
      tpu.wait_dma2 semaphore(%run_scoped3A : memref<!tpu.dma_semaphore, #tpu.memory_space<semaphore_mem>>) src(%arg3 : memref<16384xi32, #tpu.memory_space<hbm>>) dst(%arg7 : memref<16384xi32, #tpu.memory_space<vmem>>)
      tpu.yield
    }) : () -> ()
    "tpu.region"() ({
      %run_scoped3A = tpu.sem_alloc : memref<!tpu.dma_semaphore, #tpu.memory_space<semaphore_mem>>
      tpu.enqueue_dma source(%arg4 : memref<16384xi32, #tpu.memory_space<hbm>>) target(%arg8 : memref<16384xi32, #tpu.memory_space<vmem>>) target_semaphore(%run_scoped3A : memref<!tpu.dma_semaphore, #tpu.memory_space<semaphore_mem>>)
      tpu.wait_dma2 semaphore(%run_scoped3A : memref<!tpu.dma_semaphore, #tpu.memory_space<semaphore_mem>>) src(%arg4 : memref<16384xi32, #tpu.memory_space<hbm>>) dst(%arg8 : memref<16384xi32, #tpu.memory_space<vmem>>)
      tpu.yield
    }) : () -> ()
    "tpu.region"() ({
      %run_scoped3A = tpu.sem_alloc : memref<!tpu.dma_semaphore, #tpu.memory_space<semaphore_mem>>
      tpu.enqueue_dma source(%arg5 : memref<16384xi32, #tpu.memory_space<hbm>>) target(%arg9 : memref<16384xi32, #tpu.memory_space<vmem>>) target_semaphore(%run_scoped3A : memref<!tpu.dma_semaphore, #tpu.memory_space<semaphore_mem>>)
      tpu.wait_dma2 semaphore(%run_scoped3A : memref<!tpu.dma_semaphore, #tpu.memory_space<semaphore_mem>>) src(%arg5 : memref<16384xi32, #tpu.memory_space<hbm>>) dst(%arg9 : memref<16384xi32, #tpu.memory_space<vmem>>)
      tpu.yield
    }) : () -> ()
    %add3A_3 = arith.constant 0 : i32
    %add3A_4 = arith.addi %mul3A_2, %add3A_3 : i32
    %dma_start3A = arith.constant 0 : i32
    %dma_start3A_5 = tpu.memref_slice %arg2[%add3A_4, %dma_start3A] : memref<2048x8192xi32, #tpu.memory_space<hbm>> -> memref<1x8192xi32, #tpu.memory_space<hbm>>
    %dma_start3A_6 = tpu.memref_squeeze %dma_start3A_5 : memref<1x8192xi32, #tpu.memory_space<hbm>> -> memref<8192xi32, #tpu.memory_space<hbm>>
    %dma_start3A_7 = arith.constant 0 : i32
    %dma_start3A_8 = tpu.memref_slice %arg2[%add3A_4, %dma_start3A_7] : memref<2048x8192xi32, #tpu.memory_space<hbm>> -> memref<1x8192xi32, #tpu.memory_space<hbm>>
    %dma_start3A_9 = tpu.memref_squeeze %dma_start3A_8 : memref<1x8192xi32, #tpu.memory_space<hbm>> -> memref<8192xi32, #tpu.memory_space<hbm>>
    tpu.enqueue_dma source(%dma_start3A_9 : memref<8192xi32, #tpu.memory_space<hbm>>) target(%arg10 : memref<8192xi32, #tpu.memory_space<vmem>>) target_semaphore(%arg20 : memref<!tpu.dma_semaphore, #tpu.memory_space<semaphore_mem>>)
    %add3A_10 = arith.constant 1 : i32
    %add3A_11 = arith.addi %mul3A_2, %add3A_10 : i32
    %dma_start3A_12 = arith.constant 0 : i32
    %dma_start3A_13 = tpu.memref_slice %arg2[%add3A_11, %dma_start3A_12] : memref<2048x8192xi32, #tpu.memory_space<hbm>> -> memref<1x8192xi32, #tpu.memory_space<hbm>>
    %dma_start3A_14 = tpu.memref_squeeze %dma_start3A_13 : memref<1x8192xi32, #tpu.memory_space<hbm>> -> memref<8192xi32, #tpu.memory_space<hbm>>
    %dma_start3A_15 = arith.constant 0 : i32
    %dma_start3A_16 = tpu.memref_slice %arg2[%add3A_11, %dma_start3A_15] : memref<2048x8192xi32, #tpu.memory_space<hbm>> -> memref<1x8192xi32, #tpu.memory_space<hbm>>
    %dma_start3A_17 = tpu.memref_squeeze %dma_start3A_16 : memref<1x8192xi32, #tpu.memory_space<hbm>> -> memref<8192xi32, #tpu.memory_space<hbm>>
    tpu.enqueue_dma source(%dma_start3A_17 : memref<8192xi32, #tpu.memory_space<hbm>>) target(%arg11 : memref<8192xi32, #tpu.memory_space<vmem>>) target_semaphore(%arg20 : memref<!tpu.dma_semaphore, #tpu.memory_space<semaphore_mem>>)
    %add3A_18 = arith.constant 2 : i32
    %add3A_19 = arith.addi %mul3A_2, %add3A_18 : i32
    %dma_start3A_20 = arith.constant 0 : i32
    %dma_start3A_21 = tpu.memref_slice %arg2[%add3A_19, %dma_start3A_20] : memref<2048x8192xi32, #tpu.memory_space<hbm>> -> memref<1x8192xi32, #tpu.memory_space<hbm>>
    %dma_start3A_22 = tpu.memref_squeeze %dma_start3A_21 : memref<1x8192xi32, #tpu.memory_space<hbm>> -> memref<8192xi32, #tpu.memory_space<hbm>>
    %dma_start3A_23 = arith.constant 0 : i32
    %dma_start3A_24 = tpu.memref_slice %arg2[%add3A_19, %dma_start3A_23] : memref<2048x8192xi32, #tpu.memory_space<hbm>> -> memref<1x8192xi32, #tpu.memory_space<hbm>>
    %dma_start3A_25 = tpu.memref_squeeze %dma_start3A_24 : memref<1x8192xi32, #tpu.memory_space<hbm>> -> memref<8192xi32, #tpu.memory_space<hbm>>
    tpu.enqueue_dma source(%dma_start3A_25 : memref<8192xi32, #tpu.memory_space<hbm>>) target(%arg12 : memref<8192xi32, #tpu.memory_space<vmem>>) target_semaphore(%arg20 : memref<!tpu.dma_semaphore, #tpu.memory_space<semaphore_mem>>)
    %add3A_26 = arith.constant 3 : i32
    %add3A_27 = arith.addi %mul3A_2, %add3A_26 : i32
    %dma_start3A_28 = arith.constant 0 : i32
    %dma_start3A_29 = tpu.memref_slice %arg2[%add3A_27, %dma_start3A_28] : memref<2048x8192xi32, #tpu.memory_space<hbm>> -> memref<1x8192xi32, #tpu.memory_space<hbm>>
    %dma_start3A_30 = tpu.memref_squeeze %dma_start3A_29 : memref<1x8192xi32, #tpu.memory_space<hbm>> -> memref<8192xi32, #tpu.memory_space<hbm>>
    %dma_start3A_31 = arith.constant 0 : i32
    %dma_start3A_32 = tpu.memref_slice %arg2[%add3A_27, %dma_start3A_31] : memref<2048x8192xi32, #tpu.memory_space<hbm>> -> memref<1x8192xi32, #tpu.memory_space<hbm>>
    %dma_start3A_33 = tpu.memref_squeeze %dma_start3A_32 : memref<1x8192xi32, #tpu.memory_space<hbm>> -> memref<8192xi32, #tpu.memory_space<hbm>>
    tpu.enqueue_dma source(%dma_start3A_33 : memref<8192xi32, #tpu.memory_space<hbm>>) target(%arg13 : memref<8192xi32, #tpu.memory_space<vmem>>) target_semaphore(%arg20 : memref<!tpu.dma_semaphore, #tpu.memory_space<semaphore_mem>>)
    %scan3A = arith.constant 0 : i32
    %scan3A_34 = arith.constant 8 : i32
    %scan3A_35 = arith.addi %scan3A, %scan3A_34 : i32
    %scan3A_36 = arith.constant 1 : i32
    scf.for %scan3A_77 = %scan3A to %scan3A_35 step %scan3A_36  : i32 {
      %mul3A_78 = arith.constant 2 : i32
      %mul3A_79 = arith.muli %scan3A_77, %mul3A_78 : i32
      %add3A_80 = arith.constant 0 : i32
      %add3A_81 = arith.addi %mul3A_79, %add3A_80 : i32
      %mul3A_82 = arith.constant 4 : i32
      %mul3A_83 = arith.muli %add3A_81, %mul3A_82 : i32
      %add3A_84 = arith.addi %mul3A_2, %mul3A_83 : i32
      %add3A_85 = arith.constant 4 : i32
      %add3A_86 = arith.addi %add3A_84, %add3A_85 : i32
      %add3A_87 = arith.constant 0 : i32
      %add3A_88 = arith.addi %add3A_86, %add3A_87 : i32
      %dma_start3A_89 = arith.constant 0 : i32
      %dma_start3A_90 = tpu.memref_slice %arg2[%add3A_88, %dma_start3A_89] : memref<2048x8192xi32, #tpu.memory_space<hbm>> -> memref<1x8192xi32, #tpu.memory_space<hbm>>
      %dma_start3A_91 = tpu.memref_squeeze %dma_start3A_90 : memref<1x8192xi32, #tpu.memory_space<hbm>> -> memref<8192xi32, #tpu.memory_space<hbm>>
      %dma_start3A_92 = arith.constant 0 : i32
      %dma_start3A_93 = tpu.memref_slice %arg2[%add3A_88, %dma_start3A_92] : memref<2048x8192xi32, #tpu.memory_space<hbm>> -> memref<1x8192xi32, #tpu.memory_space<hbm>>
      %dma_start3A_94 = tpu.memref_squeeze %dma_start3A_93 : memref<1x8192xi32, #tpu.memory_space<hbm>> -> memref<8192xi32, #tpu.memory_space<hbm>>
      tpu.enqueue_dma source(%dma_start3A_94 : memref<8192xi32, #tpu.memory_space<hbm>>) target(%arg14 : memref<8192xi32, #tpu.memory_space<vmem>>) target_semaphore(%arg21 : memref<!tpu.dma_semaphore, #tpu.memory_space<semaphore_mem>>)
      %add3A_95 = arith.constant 1 : i32
      %add3A_96 = arith.addi %add3A_86, %add3A_95 : i32
      %dma_start3A_97 = arith.constant 0 : i32
      %dma_start3A_98 = tpu.memref_slice %arg2[%add3A_96, %dma_start3A_97] : memref<2048x8192xi32, #tpu.memory_space<hbm>> -> memref<1x8192xi32, #tpu.memory_space<hbm>>
      %dma_start3A_99 = tpu.memref_squeeze %dma_start3A_98 : memref<1x8192xi32, #tpu.memory_space<hbm>> -> memref<8192xi32, #tpu.memory_space<hbm>>
      %dma_start3A_100 = arith.constant 0 : i32
      %dma_start3A_101 = tpu.memref_slice %arg2[%add3A_96, %dma_start3A_100] : memref<2048x8192xi32, #tpu.memory_space<hbm>> -> memref<1x8192xi32, #tpu.memory_space<hbm>>
      %dma_start3A_102 = tpu.memref_squeeze %dma_start3A_101 : memref<1x8192xi32, #tpu.memory_space<hbm>> -> memref<8192xi32, #tpu.memory_space<hbm>>
      tpu.enqueue_dma source(%dma_start3A_102 : memref<8192xi32, #tpu.memory_space<hbm>>) target(%arg15 : memref<8192xi32, #tpu.memory_space<vmem>>) target_semaphore(%arg21 : memref<!tpu.dma_semaphore, #tpu.memory_space<semaphore_mem>>)
      %add3A_103 = arith.constant 2 : i32
      %add3A_104 = arith.addi %add3A_86, %add3A_103 : i32
      %dma_start3A_105 = arith.constant 0 : i32
      %dma_start3A_106 = tpu.memref_slice %arg2[%add3A_104, %dma_start3A_105] : memref<2048x8192xi32, #tpu.memory_space<hbm>> -> memref<1x8192xi32, #tpu.memory_space<hbm>>
      %dma_start3A_107 = tpu.memref_squeeze %dma_start3A_106 : memref<1x8192xi32, #tpu.memory_space<hbm>> -> memref<8192xi32, #tpu.memory_space<hbm>>
      %dma_start3A_108 = arith.constant 0 : i32
      %dma_start3A_109 = tpu.memref_slice %arg2[%add3A_104, %dma_start3A_108] : memref<2048x8192xi32, #tpu.memory_space<hbm>> -> memref<1x8192xi32, #tpu.memory_space<hbm>>
      %dma_start3A_110 = tpu.memref_squeeze %dma_start3A_109 : memref<1x8192xi32, #tpu.memory_space<hbm>> -> memref<8192xi32, #tpu.memory_space<hbm>>
      tpu.enqueue_dma source(%dma_start3A_110 : memref<8192xi32, #tpu.memory_space<hbm>>) target(%arg16 : memref<8192xi32, #tpu.memory_space<vmem>>) target_semaphore(%arg21 : memref<!tpu.dma_semaphore, #tpu.memory_space<semaphore_mem>>)
      %add3A_111 = arith.constant 3 : i32
      %add3A_112 = arith.addi %add3A_86, %add3A_111 : i32
      %dma_start3A_113 = arith.constant 0 : i32
      %dma_start3A_114 = tpu.memref_slice %arg2[%add3A_112, %dma_start3A_113] : memref<2048x8192xi32, #tpu.memory_space<hbm>> -> memref<1x8192xi32, #tpu.memory_space<hbm>>
      %dma_start3A_115 = tpu.memref_squeeze %dma_start3A_114 : memref<1x8192xi32, #tpu.memory_space<hbm>> -> memref<8192xi32, #tpu.memory_space<hbm>>
      %dma_start3A_116 = arith.constant 0 : i32
      %dma_start3A_117 = tpu.memref_slice %arg2[%add3A_112, %dma_start3A_116] : memref<2048x8192xi32, #tpu.memory_space<hbm>> -> memref<1x8192xi32, #tpu.memory_space<hbm>>
      %dma_start3A_118 = tpu.memref_squeeze %dma_start3A_117 : memref<1x8192xi32, #tpu.memory_space<hbm>> -> memref<8192xi32, #tpu.memory_space<hbm>>
      tpu.enqueue_dma source(%dma_start3A_118 : memref<8192xi32, #tpu.memory_space<hbm>>) target(%arg17 : memref<8192xi32, #tpu.memory_space<vmem>>) target_semaphore(%arg21 : memref<!tpu.dma_semaphore, #tpu.memory_space<semaphore_mem>>)
      %dma_wait3A_119 = arith.constant 0 : i32
      %dma_wait3A_120 = arith.constant 0 : i32
      %dma_wait3A_121 = tpu.memref_slice %arg2[%dma_wait3A_119, %dma_wait3A_120] : memref<2048x8192xi32, #tpu.memory_space<hbm>> -> memref<1x8192xi32, #tpu.memory_space<hbm>>
      %dma_wait3A_122 = tpu.memref_squeeze %dma_wait3A_121 : memref<1x8192xi32, #tpu.memory_space<hbm>> -> memref<8192xi32, #tpu.memory_space<hbm>>
      %dma_wait3A_123 = arith.constant 0 : i32
      %dma_wait3A_124 = tpu.memref_slice %arg2[%dma_wait3A_119, %dma_wait3A_123] : memref<2048x8192xi32, #tpu.memory_space<hbm>> -> memref<1x8192xi32, #tpu.memory_space<hbm>>
      %dma_wait3A_125 = tpu.memref_squeeze %dma_wait3A_124 : memref<1x8192xi32, #tpu.memory_space<hbm>> -> memref<8192xi32, #tpu.memory_space<hbm>>
      tpu.wait_dma2 semaphore(%arg20 : memref<!tpu.dma_semaphore, #tpu.memory_space<semaphore_mem>>) src(%dma_wait3A_125 : memref<8192xi32, #tpu.memory_space<hbm>>) dst(%arg10 : memref<8192xi32, #tpu.memory_space<vmem>>)
      %dma_wait3A_126 = arith.constant 0 : i32
      %dma_wait3A_127 = arith.constant 0 : i32
      %dma_wait3A_128 = tpu.memref_slice %arg2[%dma_wait3A_126, %dma_wait3A_127] : memref<2048x8192xi32, #tpu.memory_space<hbm>> -> memref<1x8192xi32, #tpu.memory_space<hbm>>
      %dma_wait3A_129 = tpu.memref_squeeze %dma_wait3A_128 : memref<1x8192xi32, #tpu.memory_space<hbm>> -> memref<8192xi32, #tpu.memory_space<hbm>>
      %dma_wait3A_130 = arith.constant 0 : i32
      %dma_wait3A_131 = tpu.memref_slice %arg2[%dma_wait3A_126, %dma_wait3A_130] : memref<2048x8192xi32, #tpu.memory_space<hbm>> -> memref<1x8192xi32, #tpu.memory_space<hbm>>
      %dma_wait3A_132 = tpu.memref_squeeze %dma_wait3A_131 : memref<1x8192xi32, #tpu.memory_space<hbm>> -> memref<8192xi32, #tpu.memory_space<hbm>>
      tpu.wait_dma2 semaphore(%arg20 : memref<!tpu.dma_semaphore, #tpu.memory_space<semaphore_mem>>) src(%dma_wait3A_132 : memref<8192xi32, #tpu.memory_space<hbm>>) dst(%arg11 : memref<8192xi32, #tpu.memory_space<vmem>>)
      %dma_wait3A_133 = arith.constant 0 : i32
      %dma_wait3A_134 = arith.constant 0 : i32
      %dma_wait3A_135 = tpu.memref_slice %arg2[%dma_wait3A_133, %dma_wait3A_134] : memref<2048x8192xi32, #tpu.memory_space<hbm>> -> memref<1x8192xi32, #tpu.memory_space<hbm>>
      %dma_wait3A_136 = tpu.memref_squeeze %dma_wait3A_135 : memref<1x8192xi32, #tpu.memory_space<hbm>> -> memref<8192xi32, #tpu.memory_space<hbm>>
      %dma_wait3A_137 = arith.constant 0 : i32
      %dma_wait3A_138 = tpu.memref_slice %arg2[%dma_wait3A_133, %dma_wait3A_137] : memref<2048x8192xi32, #tpu.memory_space<hbm>> -> memref<1x8192xi32, #tpu.memory_space<hbm>>
      %dma_wait3A_139 = tpu.memref_squeeze %dma_wait3A_138 : memref<1x8192xi32, #tpu.memory_space<hbm>> -> memref<8192xi32, #tpu.memory_space<hbm>>
      tpu.wait_dma2 semaphore(%arg20 : memref<!tpu.dma_semaphore, #tpu.memory_space<semaphore_mem>>) src(%dma_wait3A_139 : memref<8192xi32, #tpu.memory_space<hbm>>) dst(%arg12 : memref<8192xi32, #tpu.memory_space<vmem>>)
      %dma_wait3A_140 = arith.constant 0 : i32
      %dma_wait3A_141 = arith.constant 0 : i32
      %dma_wait3A_142 = tpu.memref_slice %arg2[%dma_wait3A_140, %dma_wait3A_141] : memref<2048x8192xi32, #tpu.memory_space<hbm>> -> memref<1x8192xi32, #tpu.memory_space<hbm>>
      %dma_wait3A_143 = tpu.memref_squeeze %dma_wait3A_142 : memref<1x8192xi32, #tpu.memory_space<hbm>> -> memref<8192xi32, #tpu.memory_space<hbm>>
      %dma_wait3A_144 = arith.constant 0 : i32
      %dma_wait3A_145 = tpu.memref_slice %arg2[%dma_wait3A_140, %dma_wait3A_144] : memref<2048x8192xi32, #tpu.memory_space<hbm>> -> memref<1x8192xi32, #tpu.memory_space<hbm>>
      %dma_wait3A_146 = tpu.memref_squeeze %dma_wait3A_145 : memref<1x8192xi32, #tpu.memory_space<hbm>> -> memref<8192xi32, #tpu.memory_space<hbm>>
      tpu.wait_dma2 semaphore(%arg20 : memref<!tpu.dma_semaphore, #tpu.memory_space<semaphore_mem>>) src(%dma_wait3A_146 : memref<8192xi32, #tpu.memory_space<hbm>>) dst(%arg13 : memref<8192xi32, #tpu.memory_space<vmem>>)
      %scan3A_147 = arith.constant 0 : i32
      %scan3A_148 = arith.constant 32 : i32
      %scan3A_149 = arith.addi %scan3A_147, %scan3A_148 : i32
      %scan3A_150 = arith.constant 1 : i32
      scf.for %scan3A_194 = %scan3A_147 to %scan3A_149 step %scan3A_150  : i32 {
        %mul3A_195 = arith.constant 2 : i32
        %mul3A_196 = arith.muli %scan3A_194, %mul3A_195 : i32
        %add3A_197 = arith.constant 0 : i32
        %add3A_198 = arith.addi %mul3A_196, %add3A_197 : i32
        %gt3A = arith.constant 0 : i32
        %gt3A_199 = arith.cmpi sgt, %scan3A_77, %gt3A : i32
        %ge3A = arith.constant 2 : i32
        %ge3A_200 = arith.cmpi sge, %add3A_198, %ge3A : i32
        %or3A = arith.ori %gt3A_199, %ge3A_200 : i1
        %convert_element_type3A_201 = arith.extui %or3A : i1 to i32
        %cond3A_202 = arith.constant 0 : i32
        %cond3A_203 = arith.cmpi ne, %convert_element_type3A_201, %cond3A_202 : i32
        scf.if %cond3A_203 {
          %dma_wait3A_265 = arith.constant 0 : i32
          %dma_wait3A_266 = arith.constant 0 : i32
          %dma_wait3A_267 = tpu.memref_slice %arg18[%dma_wait3A_265, %dma_wait3A_266] : memref<8x256xf32, #tpu.memory_space<vmem>> -> memref<4x256xf32, #tpu.memory_space<vmem>>
          %dma_wait3A_268 = arith.constant 0 : i32
          %dma_wait3A_269 = tpu.memref_slice %arg6[%add3A_84, %dma_wait3A_268] : memref<4096x16384xf32, #tpu.memory_space<hbm>> -> memref<4x256xf32, #tpu.memory_space<hbm>>
          %dma_wait3A_270 = arith.constant 0 : i32
          %dma_wait3A_271 = tpu.memref_slice %arg6[%add3A_84, %dma_wait3A_270] : memref<4096x16384xf32, #tpu.memory_space<hbm>> -> memref<4x256xf32, #tpu.memory_space<hbm>>
          %dma_wait3A_272 = arith.constant 0 : i32
          %dma_wait3A_273 = arith.constant 0 : i32
          %dma_wait3A_274 = tpu.memref_slice %arg18[%dma_wait3A_272, %dma_wait3A_273] : memref<8x256xf32, #tpu.memory_space<vmem>> -> memref<4x256xf32, #tpu.memory_space<vmem>>
          tpu.wait_dma2 semaphore(%arg22 : memref<!tpu.dma_semaphore, #tpu.memory_space<semaphore_mem>>) src(%dma_wait3A_274 : memref<4x256xf32, #tpu.memory_space<vmem>>) dst(%dma_wait3A_271 : memref<4x256xf32, #tpu.memory_space<hbm>>)
          %dma_wait3A_275 = arith.constant 0 : i32
          %dma_wait3A_276 = arith.constant 0 : i32
          %dma_wait3A_277 = tpu.memref_slice %arg18[%dma_wait3A_275, %dma_wait3A_276] : memref<8x256xf32, #tpu.memory_space<vmem>> -> memref<4x256xf32, #tpu.memory_space<vmem>>
          %dma_wait3A_278 = arith.constant 0 : i32
          %dma_wait3A_279 = tpu.memref_slice %arg6[%add3A_84, %dma_wait3A_278] : memref<4096x16384xf32, #tpu.memory_space<hbm>> -> memref<4x256xf32, #tpu.memory_space<hbm>>
          %dma_wait3A_280 = arith.constant 0 : i32
          %dma_wait3A_281 = tpu.memref_slice %arg6[%add3A_84, %dma_wait3A_280] : memref<4096x16384xf32, #tpu.memory_space<hbm>> -> memref<4x256xf32, #tpu.memory_space<hbm>>
          %dma_wait3A_282 = arith.constant 0 : i32
          %dma_wait3A_283 = arith.constant 0 : i32
          %dma_wait3A_284 = tpu.memref_slice %arg18[%dma_wait3A_282, %dma_wait3A_283] : memref<8x256xf32, #tpu.memory_space<vmem>> -> memref<4x256xf32, #tpu.memory_space<vmem>>
          tpu.wait_dma2 semaphore(%arg22 : memref<!tpu.dma_semaphore, #tpu.memory_space<semaphore_mem>>) src(%dma_wait3A_284 : memref<4x256xf32, #tpu.memory_space<vmem>>) dst(%dma_wait3A_281 : memref<4x256xf32, #tpu.memory_space<hbm>>)
        } else {
        }
        %parallel_loop3A = arith.constant 0 : i32
        %parallel_loop3A_204 = arith.constant 16 : i32
        %parallel_loop3A_205 = arith.constant 1 : i32
        scf.for %parallel_loop3A_265 = %parallel_loop3A to %parallel_loop3A_204 step %parallel_loop3A_205  : i32 {
          %parallel_loop3A_266 = arith.constant 256 : i32
          %parallel_loop3A_267 = arith.muli %add3A_198, %parallel_loop3A_266 : i32
          %parallel_loop3A_268 = arith.constant 16 : i32
          %parallel_loop3A_269 = arith.muli %parallel_loop3A_265, %parallel_loop3A_268 : i32
          %parallel_loop3A_270 = arith.addi %parallel_loop3A_267, %parallel_loop3A_269 : i32
          %parallel_loop3A_271 = arith.index_cast %parallel_loop3A_270 : i32 to index
          %parallel_loop3A_272 = tpu.vector_load %arg7[%parallel_loop3A_271] {strides = array<i32>} : memref<16384xi32, #tpu.memory_space<vmem>>, vector<16xi32>,
          %parallel_loop3A_273 = arith.constant 65535 : i32
          %parallel_loop3A_274 = vector.broadcast %parallel_loop3A_273 : i32 to vector<16xi32>
          %parallel_loop3A_275 = arith.andi %parallel_loop3A_272, %parallel_loop3A_274 : vector<16xi32>
          %parallel_loop3A_276 = arith.constant 16 : i32
          %parallel_loop3A_277 = vector.broadcast %parallel_loop3A_276 : i32 to vector<16xi32>
          %parallel_loop3A_278 = arith.shrui %parallel_loop3A_272, %parallel_loop3A_277 : vector<16xi32>
          %parallel_loop3A_279 = arith.index_cast %parallel_loop3A_270 : i32 to index
          %parallel_loop3A_280 = tpu.vector_load %arg8[%parallel_loop3A_279] {strides = array<i32>} : memref<16384xi32, #tpu.memory_space<vmem>>, vector<16xi32>,
          %parallel_loop3A_281 = arith.index_cast %parallel_loop3A_270 : i32 to index
          %parallel_loop3A_282 = tpu.vector_load %arg9[%parallel_loop3A_281] {strides = array<i32>} : memref<16384xi32, #tpu.memory_space<vmem>>, vector<16xi32>,
          %parallel_loop3A_283 = arith.constant 65535 : i32
          %parallel_loop3A_284 = vector.broadcast %parallel_loop3A_283 : i32 to vector<16xi32>
          %parallel_loop3A_285 = arith.andi %parallel_loop3A_280, %parallel_loop3A_284 : vector<16xi32>
          %parallel_loop3A_286 = arith.constant 16 : i32
          %parallel_loop3A_287 = vector.broadcast %parallel_loop3A_286 : i32 to vector<16xi32>
          %parallel_loop3A_288 = arith.shli %parallel_loop3A_280, %parallel_loop3A_287 : vector<16xi32>
          %parallel_loop3A_289 = arith.ori %parallel_loop3A_285, %parallel_loop3A_288 : vector<16xi32>
          %parallel_loop3A_290 = vector.bitcast %parallel_loop3A_289 : vector<16xi32> to vector<32xbf16>
          %parallel_loop3A_291 = arith.constant 16 : i32
          %parallel_loop3A_292 = vector.broadcast %parallel_loop3A_291 : i32 to vector<16xi32>
          %parallel_loop3A_293 = arith.shrui %parallel_loop3A_280, %parallel_loop3A_292 : vector<16xi32>
          %parallel_loop3A_294 = arith.constant -65536 : i32
          %parallel_loop3A_295 = vector.broadcast %parallel_loop3A_294 : i32 to vector<16xi32>
          %parallel_loop3A_296 = arith.andi %parallel_loop3A_280, %parallel_loop3A_295 : vector<16xi32>
          %parallel_loop3A_297 = arith.ori %parallel_loop3A_293, %parallel_loop3A_296 : vector<16xi32>
          %parallel_loop3A_298 = vector.bitcast %parallel_loop3A_297 : vector<16xi32> to vector<32xbf16>
          %parallel_loop3A_299 = arith.constant 65535 : i32
          %parallel_loop3A_300 = vector.broadcast %parallel_loop3A_299 : i32 to vector<16xi32>
          %parallel_loop3A_301 = arith.andi %parallel_loop3A_282, %parallel_loop3A_300 : vector<16xi32>
          %parallel_loop3A_302 = arith.constant 16 : i32
          %parallel_loop3A_303 = vector.broadcast %parallel_loop3A_302 : i32 to vector<16xi32>
          %parallel_loop3A_304 = arith.shli %parallel_loop3A_282, %parallel_loop3A_303 : vector<16xi32>
          %parallel_loop3A_305 = arith.ori %parallel_loop3A_301, %parallel_loop3A_304 : vector<16xi32>
          %parallel_loop3A_306 = vector.bitcast %parallel_loop3A_305 : vector<16xi32> to vector<32xbf16>
          %parallel_loop3A_307 = arith.constant 16 : i32
          %parallel_loop3A_308 = vector.broadcast %parallel_loop3A_307 : i32 to vector<16xi32>
          %parallel_loop3A_309 = arith.shrui %parallel_loop3A_282, %parallel_loop3A_308 : vector<16xi32>
          %parallel_loop3A_310 = arith.constant -65536 : i32
          %parallel_loop3A_311 = vector.broadcast %parallel_loop3A_310 : i32 to vector<16xi32>
          %parallel_loop3A_312 = arith.andi %parallel_loop3A_282, %parallel_loop3A_311 : vector<16xi32>
          %parallel_loop3A_313 = arith.ori %parallel_loop3A_309, %parallel_loop3A_312 : vector<16xi32>
          %parallel_loop3A_314 = vector.bitcast %parallel_loop3A_313 : vector<16xi32> to vector<32xbf16>
          %parallel_loop3A_315 = tpu.vector_load_idx %arg10[%parallel_loop3A_275] : memref<8192xi32, #tpu.memory_space<vmem>>[vector<16xi32>], vector<16xi32>,
          %parallel_loop3A_316 = vector.bitcast %parallel_loop3A_315 : vector<16xi32> to vector<32xbf16>
          %parallel_loop3A_317 = tpu.vector_load_idx %arg10[%parallel_loop3A_278] : memref<8192xi32, #tpu.memory_space<vmem>>[vector<16xi32>], vector<16xi32>,
          %parallel_loop3A_318 = vector.bitcast %parallel_loop3A_317 : vector<16xi32> to vector<32xbf16>
          %parallel_loop3A_319 = arith.mulf %parallel_loop3A_298, %parallel_loop3A_316 : vector<32xbf16>
          %parallel_loop3A_320 = arith.addf %parallel_loop3A_290, %parallel_loop3A_319 : vector<32xbf16>
          %parallel_loop3A_321 = arith.mulf %parallel_loop3A_314, %parallel_loop3A_316 : vector<32xbf16>
          %parallel_loop3A_322 = arith.addf %parallel_loop3A_306, %parallel_loop3A_321 : vector<32xbf16>
          %parallel_loop3A_323 = arith.mulf %parallel_loop3A_322, %parallel_loop3A_318 : vector<32xbf16>
          %parallel_loop3A_324 = arith.addf %parallel_loop3A_320, %parallel_loop3A_323 : vector<32xbf16>
          %parallel_loop3A_325 = tpu.unpack_subelements %parallel_loop3A_324, 0 {pack_format = #tpu.pack_format<interleaved>} : vector<32xbf16> -> vector<16xf32>
          %parallel_loop3A_326 = tpu.unpack_subelements %parallel_loop3A_324, 1 {pack_format = #tpu.pack_format<interleaved>} : vector<32xbf16> -> vector<16xf32>
          %parallel_loop3A_327 = arith.constant 16 : i32
          %parallel_loop3A_328 = arith.muli %parallel_loop3A_265, %parallel_loop3A_327 : i32
          %parallel_loop3A_329 = arith.constant 0 : i32
          %parallel_loop3A_330 = arith.index_cast %parallel_loop3A_329 : i32 to index
          %parallel_loop3A_331 = arith.index_cast %parallel_loop3A_328 : i32 to index
          %parallel_loop3A_332 = tpu.vector_load %arg18[%parallel_loop3A_330, %parallel_loop3A_331] {strides = array<i32>} : memref<8x256xf32, #tpu.memory_space<vmem>>, vector<16xf32>,
          tpu.vector_store %arg18[%parallel_loop3A_330, %parallel_loop3A_331], %parallel_loop3A_325 {strides = array<i32>} : memref<8x256xf32, #tpu.memory_space<vmem>>, vector<16xf32>,
          %parallel_loop3A_333 = arith.constant 16 : i32
          %parallel_loop3A_334 = arith.muli %parallel_loop3A_265, %parallel_loop3A_333 : i32
          %parallel_loop3A_335 = arith.constant 4 : i32
          %parallel_loop3A_336 = arith.index_cast %parallel_loop3A_335 : i32 to index
          %parallel_loop3A_337 = arith.index_cast %parallel_loop3A_334 : i32 to index
          %parallel_loop3A_338 = tpu.vector_load %arg18[%parallel_loop3A_336, %parallel_loop3A_337] {strides = array<i32>} : memref<8x256xf32, #tpu.memory_space<vmem>>, vector<16xf32>,
          tpu.vector_store %arg18[%parallel_loop3A_336, %parallel_loop3A_337], %parallel_loop3A_326 {strides = array<i32>} : memref<8x256xf32, #tpu.memory_space<vmem>>, vector<16xf32>,
          %parallel_loop3A_339 = tpu.vector_load_idx %arg11[%parallel_loop3A_275] : memref<8192xi32, #tpu.memory_space<vmem>>[vector<16xi32>], vector<16xi32>,
          %parallel_loop3A_340 = vector.bitcast %parallel_loop3A_339 : vector<16xi32> to vector<32xbf16>
          %parallel_loop3A_341 = tpu.vector_load_idx %arg11[%parallel_loop3A_278] : memref<8192xi32, #tpu.memory_space<vmem>>[vector<16xi32>], vector<16xi32>,
          %parallel_loop3A_342 = vector.bitcast %parallel_loop3A_341 : vector<16xi32> to vector<32xbf16>
          %parallel_loop3A_343 = arith.mulf %parallel_loop3A_298, %parallel_loop3A_340 : vector<32xbf16>
          %parallel_loop3A_344 = arith.addf %parallel_loop3A_290, %parallel_loop3A_343 : vector<32xbf16>
          %parallel_loop3A_345 = arith.mulf %parallel_loop3A_314, %parallel_loop3A_340 : vector<32xbf16>
          %parallel_loop3A_346 = arith.addf %parallel_loop3A_306, %parallel_loop3A_345 : vector<32xbf16>
          %parallel_loop3A_347 = arith.mulf %parallel_loop3A_346, %parallel_loop3A_342 : vector<32xbf16>
          %parallel_loop3A_348 = arith.addf %parallel_loop3A_344, %parallel_loop3A_347 : vector<32xbf16>
          %parallel_loop3A_349 = tpu.unpack_subelements %parallel_loop3A_348, 0 {pack_format = #tpu.pack_format<interleaved>} : vector<32xbf16> -> vector<16xf32>
          %parallel_loop3A_350 = tpu.unpack_subelements %parallel_loop3A_348, 1 {pack_format = #tpu.pack_format<interleaved>} : vector<32xbf16> -> vector<16xf32>
          %parallel_loop3A_351 = arith.constant 16 : i32
          %parallel_loop3A_352 = arith.muli %parallel_loop3A_265, %parallel_loop3A_351 : i32
          %parallel_loop3A_353 = arith.constant 1 : i32
          %parallel_loop3A_354 = arith.index_cast %parallel_loop3A_353 : i32 to index
          %parallel_loop3A_355 = arith.index_cast %parallel_loop3A_352 : i32 to index
          %parallel_loop3A_356 = tpu.vector_load %arg18[%parallel_loop3A_354, %parallel_loop3A_355] {strides = array<i32>} : memref<8x256xf32, #tpu.memory_space<vmem>>, vector<16xf32>,
          tpu.vector_store %arg18[%parallel_loop3A_354, %parallel_loop3A_355], %parallel_loop3A_349 {strides = array<i32>} : memref<8x256xf32, #tpu.memory_space<vmem>>, vector<16xf32>,
          %parallel_loop3A_357 = arith.constant 16 : i32
          %parallel_loop3A_358 = arith.muli %parallel_loop3A_265, %parallel_loop3A_357 : i32
          %parallel_loop3A_359 = arith.constant 5 : i32
          %parallel_loop3A_360 = arith.index_cast %parallel_loop3A_359 : i32 to index
          %parallel_loop3A_361 = arith.index_cast %parallel_loop3A_358 : i32 to index
          %parallel_loop3A_362 = tpu.vector_load %arg18[%parallel_loop3A_360, %parallel_loop3A_361] {strides = array<i32>} : memref<8x256xf32, #tpu.memory_space<vmem>>, vector<16xf32>,
          tpu.vector_store %arg18[%parallel_loop3A_360, %parallel_loop3A_361], %parallel_loop3A_350 {strides = array<i32>} : memref<8x256xf32, #tpu.memory_space<vmem>>, vector<16xf32>,
          %parallel_loop3A_363 = tpu.vector_load_idx %arg12[%parallel_loop3A_275] : memref<8192xi32, #tpu.memory_space<vmem>>[vector<16xi32>], vector<16xi32>,
          %parallel_loop3A_364 = vector.bitcast %parallel_loop3A_363 : vector<16xi32> to vector<32xbf16>
          %parallel_loop3A_365 = tpu.vector_load_idx %arg12[%parallel_loop3A_278] : memref<8192xi32, #tpu.memory_space<vmem>>[vector<16xi32>], vector<16xi32>,
          %parallel_loop3A_366 = vector.bitcast %parallel_loop3A_365 : vector<16xi32> to vector<32xbf16>
          %parallel_loop3A_367 = arith.mulf %parallel_loop3A_298, %parallel_loop3A_364 : vector<32xbf16>
          %parallel_loop3A_368 = arith.addf %parallel_loop3A_290, %parallel_loop3A_367 : vector<32xbf16>
          %parallel_loop3A_369 = arith.mulf %parallel_loop3A_314, %parallel_loop3A_364 : vector<32xbf16>
          %parallel_loop3A_370 = arith.addf %parallel_loop3A_306, %parallel_loop3A_369 : vector<32xbf16>
          %parallel_loop3A_371 = arith.mulf %parallel_loop3A_370, %parallel_loop3A_366 : vector<32xbf16>
          %parallel_loop3A_372 = arith.addf %parallel_loop3A_368, %parallel_loop3A_371 : vector<32xbf16>
          %parallel_loop3A_373 = tpu.unpack_subelements %parallel_loop3A_372, 0 {pack_format = #tpu.pack_format<interleaved>} : vector<32xbf16> -> vector<16xf32>
          %parallel_loop3A_374 = tpu.unpack_subelements %parallel_loop3A_372, 1 {pack_format = #tpu.pack_format<interleaved>} : vector<32xbf16> -> vector<16xf32>
          %parallel_loop3A_375 = arith.constant 16 : i32
          %parallel_loop3A_376 = arith.muli %parallel_loop3A_265, %parallel_loop3A_375 : i32
          %parallel_loop3A_377 = arith.constant 2 : i32
          %parallel_loop3A_378 = arith.index_cast %parallel_loop3A_377 : i32 to index
          %parallel_loop3A_379 = arith.index_cast %parallel_loop3A_376 : i32 to index
          %parallel_loop3A_380 = tpu.vector_load %arg18[%parallel_loop3A_378, %parallel_loop3A_379] {strides = array<i32>} : memref<8x256xf32, #tpu.memory_space<vmem>>, vector<16xf32>,
          tpu.vector_store %arg18[%parallel_loop3A_378, %parallel_loop3A_379], %parallel_loop3A_373 {strides = array<i32>} : memref<8x256xf32, #tpu.memory_space<vmem>>, vector<16xf32>,
          %parallel_loop3A_381 = arith.constant 16 : i32
          %parallel_loop3A_382 = arith.muli %parallel_loop3A_265, %parallel_loop3A_381 : i32
          %parallel_loop3A_383 = arith.constant 6 : i32
          %parallel_loop3A_384 = arith.index_cast %parallel_loop3A_383 : i32 to index
          %parallel_loop3A_385 = arith.index_cast %parallel_loop3A_382 : i32 to index
          %parallel_loop3A_386 = tpu.vector_load %arg18[%parallel_loop3A_384, %parallel_loop3A_385] {strides = array<i32>} : memref<8x256xf32, #tpu.memory_space<vmem>>, vector<16xf32>,
          tpu.vector_store %arg18[%parallel_loop3A_384, %parallel_loop3A_385], %parallel_loop3A_374 {strides = array<i32>} : memref<8x256xf32, #tpu.memory_space<vmem>>, vector<16xf32>,
          %parallel_loop3A_387 = tpu.vector_load_idx %arg13[%parallel_loop3A_275] : memref<8192xi32, #tpu.memory_space<vmem>>[vector<16xi32>], vector<16xi32>,
          %parallel_loop3A_388 = vector.bitcast %parallel_loop3A_387 : vector<16xi32> to vector<32xbf16>
          %parallel_loop3A_389 = tpu.vector_load_idx %arg13[%parallel_loop3A_278] : memref<8192xi32, #tpu.memory_space<vmem>>[vector<16xi32>], vector<16xi32>,
          %parallel_loop3A_390 = vector.bitcast %parallel_loop3A_389 : vector<16xi32> to vector<32xbf16>
          %parallel_loop3A_391 = arith.mulf %parallel_loop3A_298, %parallel_loop3A_388 : vector<32xbf16>
          %parallel_loop3A_392 = arith.addf %parallel_loop3A_290, %parallel_loop3A_391 : vector<32xbf16>
          %parallel_loop3A_393 = arith.mulf %parallel_loop3A_314, %parallel_loop3A_388 : vector<32xbf16>
          %parallel_loop3A_394 = arith.addf %parallel_loop3A_306, %parallel_loop3A_393 : vector<32xbf16>
          %parallel_loop3A_395 = arith.mulf %parallel_loop3A_394, %parallel_loop3A_390 : vector<32xbf16>
          %parallel_loop3A_396 = arith.addf %parallel_loop3A_392, %parallel_loop3A_395 : vector<32xbf16>
          %parallel_loop3A_397 = tpu.unpack_subelements %parallel_loop3A_396, 0 {pack_format = #tpu.pack_format<interleaved>} : vector<32xbf16> -> vector<16xf32>
          %parallel_loop3A_398 = tpu.unpack_subelements %parallel_loop3A_396, 1 {pack_format = #tpu.pack_format<interleaved>} : vector<32xbf16> -> vector<16xf32>
          %parallel_loop3A_399 = arith.constant 16 : i32
          %parallel_loop3A_400 = arith.muli %parallel_loop3A_265, %parallel_loop3A_399 : i32
          %parallel_loop3A_401 = arith.constant 3 : i32
          %parallel_loop3A_402 = arith.index_cast %parallel_loop3A_401 : i32 to index
          %parallel_loop3A_403 = arith.index_cast %parallel_loop3A_400 : i32 to index
          %parallel_loop3A_404 = tpu.vector_load %arg18[%parallel_loop3A_402, %parallel_loop3A_403] {strides = array<i32>} : memref<8x256xf32, #tpu.memory_space<vmem>>, vector<16xf32>,
          tpu.vector_store %arg18[%parallel_loop3A_402, %parallel_loop3A_403], %parallel_loop3A_397 {strides = array<i32>} : memref<8x256xf32, #tpu.memory_space<vmem>>, vector<16xf32>,
          %parallel_loop3A_405 = arith.constant 16 : i32
          %parallel_loop3A_406 = arith.muli %parallel_loop3A_265, %parallel_loop3A_405 : i32
          %parallel_loop3A_407 = arith.constant 7 : i32
          %parallel_loop3A_408 = arith.index_cast %parallel_loop3A_407 : i32 to index
          %parallel_loop3A_409 = arith.index_cast %parallel_loop3A_406 : i32 to index
          %parallel_loop3A_410 = tpu.vector_load %arg18[%parallel_loop3A_408, %parallel_loop3A_409] {strides = array<i32>} : memref<8x256xf32, #tpu.memory_space<vmem>>, vector<16xf32>,
          tpu.vector_store %arg18[%parallel_loop3A_408, %parallel_loop3A_409], %parallel_loop3A_398 {strides = array<i32>} : memref<8x256xf32, #tpu.memory_space<vmem>>, vector<16xf32>,
        } {sc.loop_unroll_factor = 2 : i64, sc.parallel_access}
        %mul3A_206 = arith.constant 256 : i32
        %mul3A_207 = arith.muli %add3A_198, %mul3A_206 : i32
        %dma_start3A_208 = arith.constant 0 : i32
        %dma_start3A_209 = arith.constant 0 : i32
        %dma_start3A_210 = tpu.memref_slice %arg18[%dma_start3A_208, %dma_start3A_209] : memref<8x256xf32, #tpu.memory_space<vmem>> -> memref<4x256xf32, #tpu.memory_space<vmem>>
        %dma_start3A_211 = tpu.memref_slice %arg6[%add3A_84, %mul3A_207] : memref<4096x16384xf32, #tpu.memory_space<hbm>> -> memref<4x256xf32, #tpu.memory_space<hbm>>
        %dma_start3A_212 = tpu.memref_slice %arg6[%add3A_84, %mul3A_207] : memref<4096x16384xf32, #tpu.memory_space<hbm>> -> memref<4x256xf32, #tpu.memory_space<hbm>>
        %dma_start3A_213 = arith.constant 0 : i32
        %dma_start3A_214 = arith.constant 0 : i32
        %dma_start3A_215 = tpu.memref_slice %arg18[%dma_start3A_213, %dma_start3A_214] : memref<8x256xf32, #tpu.memory_space<vmem>> -> memref<4x256xf32, #tpu.memory_space<vmem>>
        tpu.enqueue_dma source(%dma_start3A_215 : memref<4x256xf32, #tpu.memory_space<vmem>>) target(%dma_start3A_212 : memref<4x256xf32, #tpu.memory_space<hbm>>) target_semaphore(%arg22 : memref<!tpu.dma_semaphore, #tpu.memory_space<semaphore_mem>>)
        %add3A_216 = arith.constant 2048 : i32
        %add3A_217 = arith.addi %add3A_216, %add3A_84 : i32
        %mul3A_218 = arith.constant 256 : i32
        %mul3A_219 = arith.muli %add3A_198, %mul3A_218 : i32
        %dma_start3A_220 = arith.constant 4 : i32
        %dma_start3A_221 = arith.constant 0 : i32
        %dma_start3A_222 = tpu.memref_slice %arg18[%dma_start3A_220, %dma_start3A_221] : memref<8x256xf32, #tpu.memory_space<vmem>> -> memref<4x256xf32, #tpu.memory_space<vmem>>
        %dma_start3A_223 = tpu.memref_slice %arg6[%add3A_217, %mul3A_219] : memref<4096x16384xf32, #tpu.memory_space<hbm>> -> memref<4x256xf32, #tpu.memory_space<hbm>>
        %dma_start3A_224 = tpu.memref_slice %arg6[%add3A_217, %mul3A_219] : memref<4096x16384xf32, #tpu.memory_space<hbm>> -> memref<4x256xf32, #tpu.memory_space<hbm>>
        %dma_start3A_225 = arith.constant 4 : i32
        %dma_start3A_226 = arith.constant 0 : i32
        %dma_start3A_227 = tpu.memref_slice %arg18[%dma_start3A_225, %dma_start3A_226] : memref<8x256xf32, #tpu.memory_space<vmem>> -> memref<4x256xf32, #tpu.memory_space<vmem>>
        tpu.enqueue_dma source(%dma_start3A_227 : memref<4x256xf32, #tpu.memory_space<vmem>>) target(%dma_start3A_224 : memref<4x256xf32, #tpu.memory_space<hbm>>) target_semaphore(%arg22 : memref<!tpu.dma_semaphore, #tpu.memory_space<semaphore_mem>>)
        %mul3A_228 = arith.constant 2 : i32
        %mul3A_229 = arith.muli %scan3A_194, %mul3A_228 : i32
        %add3A_230 = arith.constant 1 : i32
        %add3A_231 = arith.addi %mul3A_229, %add3A_230 : i32
        %gt3A_232 = arith.constant 0 : i32
        %gt3A_233 = arith.cmpi sgt, %scan3A_77, %gt3A_232 : i32
        %ge3A_234 = arith.constant 2 : i32
        %ge3A_235 = arith.cmpi sge, %add3A_231, %ge3A_234 : i32
        %or3A_236 = arith.ori %gt3A_233, %ge3A_235 : i1
        %convert_element_type3A_237 = arith.extui %or3A_236 : i1 to i32
        %cond3A_238 = arith.constant 0 : i32
        %cond3A_239 = arith.cmpi ne, %convert_element_type3A_237, %cond3A_238 : i32
        scf.if %cond3A_239 {
          %dma_wait3A_265 = arith.constant 0 : i32
          %dma_wait3A_266 = arith.constant 0 : i32
          %dma_wait3A_267 = tpu.memref_slice %arg19[%dma_wait3A_265, %dma_wait3A_266] : memref<8x256xf32, #tpu.memory_space<vmem>> -> memref<4x256xf32, #tpu.memory_space<vmem>>
          %dma_wait3A_268 = arith.constant 0 : i32
          %dma_wait3A_269 = tpu.memref_slice %arg6[%add3A_84, %dma_wait3A_268] : memref<4096x16384xf32, #tpu.memory_space<hbm>> -> memref<4x256xf32, #tpu.memory_space<hbm>>
          %dma_wait3A_270 = arith.constant 0 : i32
          %dma_wait3A_271 = tpu.memref_slice %arg6[%add3A_84, %dma_wait3A_270] : memref<4096x16384xf32, #tpu.memory_space<hbm>> -> memref<4x256xf32, #tpu.memory_space<hbm>>
          %dma_wait3A_272 = arith.constant 0 : i32
          %dma_wait3A_273 = arith.constant 0 : i32
          %dma_wait3A_274 = tpu.memref_slice %arg19[%dma_wait3A_272, %dma_wait3A_273] : memref<8x256xf32, #tpu.memory_space<vmem>> -> memref<4x256xf32, #tpu.memory_space<vmem>>
          tpu.wait_dma2 semaphore(%arg23 : memref<!tpu.dma_semaphore, #tpu.memory_space<semaphore_mem>>) src(%dma_wait3A_274 : memref<4x256xf32, #tpu.memory_space<vmem>>) dst(%dma_wait3A_271 : memref<4x256xf32, #tpu.memory_space<hbm>>)
          %dma_wait3A_275 = arith.constant 0 : i32
          %dma_wait3A_276 = arith.constant 0 : i32
          %dma_wait3A_277 = tpu.memref_slice %arg19[%dma_wait3A_275, %dma_wait3A_276] : memref<8x256xf32, #tpu.memory_space<vmem>> -> memref<4x256xf32, #tpu.memory_space<vmem>>
          %dma_wait3A_278 = arith.constant 0 : i32
          %dma_wait3A_279 = tpu.memref_slice %arg6[%add3A_84, %dma_wait3A_278] : memref<4096x16384xf32, #tpu.memory_space<hbm>> -> memref<4x256xf32, #tpu.memory_space<hbm>>
          %dma_wait3A_280 = arith.constant 0 : i32
          %dma_wait3A_281 = tpu.memref_slice %arg6[%add3A_84, %dma_wait3A_280] : memref<4096x16384xf32, #tpu.memory_space<hbm>> -> memref<4x256xf32, #tpu.memory_space<hbm>>
          %dma_wait3A_282 = arith.constant 0 : i32
          %dma_wait3A_283 = arith.constant 0 : i32
          %dma_wait3A_284 = tpu.memref_slice %arg19[%dma_wait3A_282, %dma_wait3A_283] : memref<8x256xf32, #tpu.memory_space<vmem>> -> memref<4x256xf32, #tpu.memory_space<vmem>>
          tpu.wait_dma2 semaphore(%arg23 : memref<!tpu.dma_semaphore, #tpu.memory_space<semaphore_mem>>) src(%dma_wait3A_284 : memref<4x256xf32, #tpu.memory_space<vmem>>) dst(%dma_wait3A_281 : memref<4x256xf32, #tpu.memory_space<hbm>>)
        } else {
        }
        %parallel_loop3A_240 = arith.constant 0 : i32
        %parallel_loop3A_241 = arith.constant 16 : i32
        %parallel_loop3A_242 = arith.constant 1 : i32
        scf.for %parallel_loop3A_265 = %parallel_loop3A_240 to %parallel_loop3A_241 step %parallel_loop3A_242  : i32 {
          %parallel_loop3A_266 = arith.constant 256 : i32
          %parallel_loop3A_267 = arith.muli %add3A_231, %parallel_loop3A_266 : i32
          %parallel_loop3A_268 = arith.constant 16 : i32
          %parallel_loop3A_269 = arith.muli %parallel_loop3A_265, %parallel_loop3A_268 : i32
          %parallel_loop3A_270 = arith.addi %parallel_loop3A_267, %parallel_loop3A_269 : i32
          %parallel_loop3A_271 = arith.index_cast %parallel_loop3A_270 : i32 to index
          %parallel_loop3A_272 = tpu.vector_load %arg7[%parallel_loop3A_271] {strides = array<i32>} : memref<16384xi32, #tpu.memory_space<vmem>>, vector<16xi32>,
          %parallel_loop3A_273 = arith.constant 65535 : i32
          %parallel_loop3A_274 = vector.broadcast %parallel_loop3A_273 : i32 to vector<16xi32>
          %parallel_loop3A_275 = arith.andi %parallel_loop3A_272, %parallel_loop3A_274 : vector<16xi32>
          %parallel_loop3A_276 = arith.constant 16 : i32
          %parallel_loop3A_277 = vector.broadcast %parallel_loop3A_276 : i32 to vector<16xi32>
          %parallel_loop3A_278 = arith.shrui %parallel_loop3A_272, %parallel_loop3A_277 : vector<16xi32>
          %parallel_loop3A_279 = arith.index_cast %parallel_loop3A_270 : i32 to index
          %parallel_loop3A_280 = tpu.vector_load %arg8[%parallel_loop3A_279] {strides = array<i32>} : memref<16384xi32, #tpu.memory_space<vmem>>, vector<16xi32>,
          %parallel_loop3A_281 = arith.index_cast %parallel_loop3A_270 : i32 to index
          %parallel_loop3A_282 = tpu.vector_load %arg9[%parallel_loop3A_281] {strides = array<i32>} : memref<16384xi32, #tpu.memory_space<vmem>>, vector<16xi32>,
          %parallel_loop3A_283 = arith.constant 65535 : i32
          %parallel_loop3A_284 = vector.broadcast %parallel_loop3A_283 : i32 to vector<16xi32>
          %parallel_loop3A_285 = arith.andi %parallel_loop3A_280, %parallel_loop3A_284 : vector<16xi32>
          %parallel_loop3A_286 = arith.constant 16 : i32
          %parallel_loop3A_287 = vector.broadcast %parallel_loop3A_286 : i32 to vector<16xi32>
          %parallel_loop3A_288 = arith.shli %parallel_loop3A_280, %parallel_loop3A_287 : vector<16xi32>
          %parallel_loop3A_289 = arith.ori %parallel_loop3A_285, %parallel_loop3A_288 : vector<16xi32>
          %parallel_loop3A_290 = vector.bitcast %parallel_loop3A_289 : vector<16xi32> to vector<32xbf16>
          %parallel_loop3A_291 = arith.constant 16 : i32
          %parallel_loop3A_292 = vector.broadcast %parallel_loop3A_291 : i32 to vector<16xi32>
          %parallel_loop3A_293 = arith.shrui %parallel_loop3A_280, %parallel_loop3A_292 : vector<16xi32>
          %parallel_loop3A_294 = arith.constant -65536 : i32
          %parallel_loop3A_295 = vector.broadcast %parallel_loop3A_294 : i32 to vector<16xi32>
          %parallel_loop3A_296 = arith.andi %parallel_loop3A_280, %parallel_loop3A_295 : vector<16xi32>
          %parallel_loop3A_297 = arith.ori %parallel_loop3A_293, %parallel_loop3A_296 : vector<16xi32>
          %parallel_loop3A_298 = vector.bitcast %parallel_loop3A_297 : vector<16xi32> to vector<32xbf16>
          %parallel_loop3A_299 = arith.constant 65535 : i32
          %parallel_loop3A_300 = vector.broadcast %parallel_loop3A_299 : i32 to vector<16xi32>
          %parallel_loop3A_301 = arith.andi %parallel_loop3A_282, %parallel_loop3A_300 : vector<16xi32>
          %parallel_loop3A_302 = arith.constant 16 : i32
          %parallel_loop3A_303 = vector.broadcast %parallel_loop3A_302 : i32 to vector<16xi32>
          %parallel_loop3A_304 = arith.shli %parallel_loop3A_282, %parallel_loop3A_303 : vector<16xi32>
          %parallel_loop3A_305 = arith.ori %parallel_loop3A_301, %parallel_loop3A_304 : vector<16xi32>
          %parallel_loop3A_306 = vector.bitcast %parallel_loop3A_305 : vector<16xi32> to vector<32xbf16>
          %parallel_loop3A_307 = arith.constant 16 : i32
          %parallel_loop3A_308 = vector.broadcast %parallel_loop3A_307 : i32 to vector<16xi32>
          %parallel_loop3A_309 = arith.shrui %parallel_loop3A_282, %parallel_loop3A_308 : vector<16xi32>
          %parallel_loop3A_310 = arith.constant -65536 : i32
          %parallel_loop3A_311 = vector.broadcast %parallel_loop3A_310 : i32 to vector<16xi32>
          %parallel_loop3A_312 = arith.andi %parallel_loop3A_282, %parallel_loop3A_311 : vector<16xi32>
          %parallel_loop3A_313 = arith.ori %parallel_loop3A_309, %parallel_loop3A_312 : vector<16xi32>
          %parallel_loop3A_314 = vector.bitcast %parallel_loop3A_313 : vector<16xi32> to vector<32xbf16>
          %parallel_loop3A_315 = tpu.vector_load_idx %arg10[%parallel_loop3A_275] : memref<8192xi32, #tpu.memory_space<vmem>>[vector<16xi32>], vector<16xi32>,
          %parallel_loop3A_316 = vector.bitcast %parallel_loop3A_315 : vector<16xi32> to vector<32xbf16>
          %parallel_loop3A_317 = tpu.vector_load_idx %arg10[%parallel_loop3A_278] : memref<8192xi32, #tpu.memory_space<vmem>>[vector<16xi32>], vector<16xi32>,
          %parallel_loop3A_318 = vector.bitcast %parallel_loop3A_317 : vector<16xi32> to vector<32xbf16>
          %parallel_loop3A_319 = arith.mulf %parallel_loop3A_298, %parallel_loop3A_316 : vector<32xbf16>
          %parallel_loop3A_320 = arith.addf %parallel_loop3A_290, %parallel_loop3A_319 : vector<32xbf16>
          %parallel_loop3A_321 = arith.mulf %parallel_loop3A_314, %parallel_loop3A_316 : vector<32xbf16>
          %parallel_loop3A_322 = arith.addf %parallel_loop3A_306, %parallel_loop3A_321 : vector<32xbf16>
          %parallel_loop3A_323 = arith.mulf %parallel_loop3A_322, %parallel_loop3A_318 : vector<32xbf16>
          %parallel_loop3A_324 = arith.addf %parallel_loop3A_320, %parallel_loop3A_323 : vector<32xbf16>
          %parallel_loop3A_325 = tpu.unpack_subelements %parallel_loop3A_324, 0 {pack_format = #tpu.pack_format<interleaved>} : vector<32xbf16> -> vector<16xf32>
          %parallel_loop3A_326 = tpu.unpack_subelements %parallel_loop3A_324, 1 {pack_format = #tpu.pack_format<interleaved>} : vector<32xbf16> -> vector<16xf32>
          %parallel_loop3A_327 = arith.constant 16 : i32
          %parallel_loop3A_328 = arith.muli %parallel_loop3A_265, %parallel_loop3A_327 : i32
          %parallel_loop3A_329 = arith.constant 0 : i32
          %parallel_loop3A_330 = arith.index_cast %parallel_loop3A_329 : i32 to index
          %parallel_loop3A_331 = arith.index_cast %parallel_loop3A_328 : i32 to index
          %parallel_loop3A_332 = tpu.vector_load %arg19[%parallel_loop3A_330, %parallel_loop3A_331] {strides = array<i32>} : memref<8x256xf32, #tpu.memory_space<vmem>>, vector<16xf32>,
          tpu.vector_store %arg19[%parallel_loop3A_330, %parallel_loop3A_331], %parallel_loop3A_325 {strides = array<i32>} : memref<8x256xf32, #tpu.memory_space<vmem>>, vector<16xf32>,
          %parallel_loop3A_333 = arith.constant 16 : i32
          %parallel_loop3A_334 = arith.muli %parallel_loop3A_265, %parallel_loop3A_333 : i32
          %parallel_loop3A_335 = arith.constant 4 : i32
          %parallel_loop3A_336 = arith.index_cast %parallel_loop3A_335 : i32 to index
          %parallel_loop3A_337 = arith.index_cast %parallel_loop3A_334 : i32 to index
          %parallel_loop3A_338 = tpu.vector_load %arg19[%parallel_loop3A_336, %parallel_loop3A_337] {strides = array<i32>} : memref<8x256xf32, #tpu.memory_space<vmem>>, vector<16xf32>,
          tpu.vector_store %arg19[%parallel_loop3A_336, %parallel_loop3A_337], %parallel_loop3A_326 {strides = array<i32>} : memref<8x256xf32, #tpu.memory_space<vmem>>, vector<16xf32>,
          %parallel_loop3A_339 = tpu.vector_load_idx %arg11[%parallel_loop3A_275] : memref<8192xi32, #tpu.memory_space<vmem>>[vector<16xi32>], vector<16xi32>,
          %parallel_loop3A_340 = vector.bitcast %parallel_loop3A_339 : vector<16xi32> to vector<32xbf16>
          %parallel_loop3A_341 = tpu.vector_load_idx %arg11[%parallel_loop3A_278] : memref<8192xi32, #tpu.memory_space<vmem>>[vector<16xi32>], vector<16xi32>,
          %parallel_loop3A_342 = vector.bitcast %parallel_loop3A_341 : vector<16xi32> to vector<32xbf16>
          %parallel_loop3A_343 = arith.mulf %parallel_loop3A_298, %parallel_loop3A_340 : vector<32xbf16>
          %parallel_loop3A_344 = arith.addf %parallel_loop3A_290, %parallel_loop3A_343 : vector<32xbf16>
          %parallel_loop3A_345 = arith.mulf %parallel_loop3A_314, %parallel_loop3A_340 : vector<32xbf16>
          %parallel_loop3A_346 = arith.addf %parallel_loop3A_306, %parallel_loop3A_345 : vector<32xbf16>
          %parallel_loop3A_347 = arith.mulf %parallel_loop3A_346, %parallel_loop3A_342 : vector<32xbf16>
          %parallel_loop3A_348 = arith.addf %parallel_loop3A_344, %parallel_loop3A_347 : vector<32xbf16>
          %parallel_loop3A_349 = tpu.unpack_subelements %parallel_loop3A_348, 0 {pack_format = #tpu.pack_format<interleaved>} : vector<32xbf16> -> vector<16xf32>
          %parallel_loop3A_350 = tpu.unpack_subelements %parallel_loop3A_348, 1 {pack_format = #tpu.pack_format<interleaved>} : vector<32xbf16> -> vector<16xf32>
          %parallel_loop3A_351 = arith.constant 16 : i32
          %parallel_loop3A_352 = arith.muli %parallel_loop3A_265, %parallel_loop3A_351 : i32
          %parallel_loop3A_353 = arith.constant 1 : i32
          %parallel_loop3A_354 = arith.index_cast %parallel_loop3A_353 : i32 to index
          %parallel_loop3A_355 = arith.index_cast %parallel_loop3A_352 : i32 to index
          %parallel_loop3A_356 = tpu.vector_load %arg19[%parallel_loop3A_354, %parallel_loop3A_355] {strides = array<i32>} : memref<8x256xf32, #tpu.memory_space<vmem>>, vector<16xf32>,
          tpu.vector_store %arg19[%parallel_loop3A_354, %parallel_loop3A_355], %parallel_loop3A_349 {strides = array<i32>} : memref<8x256xf32, #tpu.memory_space<vmem>>, vector<16xf32>,
          %parallel_loop3A_357 = arith.constant 16 : i32
          %parallel_loop3A_358 = arith.muli %parallel_loop3A_265, %parallel_loop3A_357 : i32
          %parallel_loop3A_359 = arith.constant 5 : i32
          %parallel_loop3A_360 = arith.index_cast %parallel_loop3A_359 : i32 to index
          %parallel_loop3A_361 = arith.index_cast %parallel_loop3A_358 : i32 to index
          %parallel_loop3A_362 = tpu.vector_load %arg19[%parallel_loop3A_360, %parallel_loop3A_361] {strides = array<i32>} : memref<8x256xf32, #tpu.memory_space<vmem>>, vector<16xf32>,
          tpu.vector_store %arg19[%parallel_loop3A_360, %parallel_loop3A_361], %parallel_loop3A_350 {strides = array<i32>} : memref<8x256xf32, #tpu.memory_space<vmem>>, vector<16xf32>,
          %parallel_loop3A_363 = tpu.vector_load_idx %arg12[%parallel_loop3A_275] : memref<8192xi32, #tpu.memory_space<vmem>>[vector<16xi32>], vector<16xi32>,
          %parallel_loop3A_364 = vector.bitcast %parallel_loop3A_363 : vector<16xi32> to vector<32xbf16>
          %parallel_loop3A_365 = tpu.vector_load_idx %arg12[%parallel_loop3A_278] : memref<8192xi32, #tpu.memory_space<vmem>>[vector<16xi32>], vector<16xi32>,
          %parallel_loop3A_366 = vector.bitcast %parallel_loop3A_365 : vector<16xi32> to vector<32xbf16>
          %parallel_loop3A_367 = arith.mulf %parallel_loop3A_298, %parallel_loop3A_364 : vector<32xbf16>
          %parallel_loop3A_368 = arith.addf %parallel_loop3A_290, %parallel_loop3A_367 : vector<32xbf16>
          %parallel_loop3A_369 = arith.mulf %parallel_loop3A_314, %parallel_loop3A_364 : vector<32xbf16>
          %parallel_loop3A_370 = arith.addf %parallel_loop3A_306, %parallel_loop3A_369 : vector<32xbf16>
          %parallel_loop3A_371 = arith.mulf %parallel_loop3A_370, %parallel_loop3A_366 : vector<32xbf16>
          %parallel_loop3A_372 = arith.addf %parallel_loop3A_368, %parallel_loop3A_371 : vector<32xbf16>
          %parallel_loop3A_373 = tpu.unpack_subelements %parallel_loop3A_372, 0 {pack_format = #tpu.pack_format<interleaved>} : vector<32xbf16> -> vector<16xf32>
          %parallel_loop3A_374 = tpu.unpack_subelements %parallel_loop3A_372, 1 {pack_format = #tpu.pack_format<interleaved>} : vector<32xbf16> -> vector<16xf32>
          %parallel_loop3A_375 = arith.constant 16 : i32
          %parallel_loop3A_376 = arith.muli %parallel_loop3A_265, %parallel_loop3A_375 : i32
          %parallel_loop3A_377 = arith.constant 2 : i32
          %parallel_loop3A_378 = arith.index_cast %parallel_loop3A_377 : i32 to index
          %parallel_loop3A_379 = arith.index_cast %parallel_loop3A_376 : i32 to index
          %parallel_loop3A_380 = tpu.vector_load %arg19[%parallel_loop3A_378, %parallel_loop3A_379] {strides = array<i32>} : memref<8x256xf32, #tpu.memory_space<vmem>>, vector<16xf32>,
          tpu.vector_store %arg19[%parallel_loop3A_378, %parallel_loop3A_379], %parallel_loop3A_373 {strides = array<i32>} : memref<8x256xf32, #tpu.memory_space<vmem>>, vector<16xf32>,
          %parallel_loop3A_381 = arith.constant 16 : i32
          %parallel_loop3A_382 = arith.muli %parallel_loop3A_265, %parallel_loop3A_381 : i32
          %parallel_loop3A_383 = arith.constant 6 : i32
          %parallel_loop3A_384 = arith.index_cast %parallel_loop3A_383 : i32 to index
          %parallel_loop3A_385 = arith.index_cast %parallel_loop3A_382 : i32 to index
          %parallel_loop3A_386 = tpu.vector_load %arg19[%parallel_loop3A_384, %parallel_loop3A_385] {strides = array<i32>} : memref<8x256xf32, #tpu.memory_space<vmem>>, vector<16xf32>,
          tpu.vector_store %arg19[%parallel_loop3A_384, %parallel_loop3A_385], %parallel_loop3A_374 {strides = array<i32>} : memref<8x256xf32, #tpu.memory_space<vmem>>, vector<16xf32>,
          %parallel_loop3A_387 = tpu.vector_load_idx %arg13[%parallel_loop3A_275] : memref<8192xi32, #tpu.memory_space<vmem>>[vector<16xi32>], vector<16xi32>,
          %parallel_loop3A_388 = vector.bitcast %parallel_loop3A_387 : vector<16xi32> to vector<32xbf16>
          %parallel_loop3A_389 = tpu.vector_load_idx %arg13[%parallel_loop3A_278] : memref<8192xi32, #tpu.memory_space<vmem>>[vector<16xi32>], vector<16xi32>,
          %parallel_loop3A_390 = vector.bitcast %parallel_loop3A_389 : vector<16xi32> to vector<32xbf16>
          %parallel_loop3A_391 = arith.mulf %parallel_loop3A_298, %parallel_loop3A_388 : vector<32xbf16>
          %parallel_loop3A_392 = arith.addf %parallel_loop3A_290, %parallel_loop3A_391 : vector<32xbf16>
          %parallel_loop3A_393 = arith.mulf %parallel_loop3A_314, %parallel_loop3A_388 : vector<32xbf16>
          %parallel_loop3A_394 = arith.addf %parallel_loop3A_306, %parallel_loop3A_393 : vector<32xbf16>
          %parallel_loop3A_395 = arith.mulf %parallel_loop3A_394, %parallel_loop3A_390 : vector<32xbf16>
          %parallel_loop3A_396 = arith.addf %parallel_loop3A_392, %parallel_loop3A_395 : vector<32xbf16>
          %parallel_loop3A_397 = tpu.unpack_subelements %parallel_loop3A_396, 0 {pack_format = #tpu.pack_format<interleaved>} : vector<32xbf16> -> vector<16xf32>
          %parallel_loop3A_398 = tpu.unpack_subelements %parallel_loop3A_396, 1 {pack_format = #tpu.pack_format<interleaved>} : vector<32xbf16> -> vector<16xf32>
          %parallel_loop3A_399 = arith.constant 16 : i32
          %parallel_loop3A_400 = arith.muli %parallel_loop3A_265, %parallel_loop3A_399 : i32
          %parallel_loop3A_401 = arith.constant 3 : i32
          %parallel_loop3A_402 = arith.index_cast %parallel_loop3A_401 : i32 to index
          %parallel_loop3A_403 = arith.index_cast %parallel_loop3A_400 : i32 to index
          %parallel_loop3A_404 = tpu.vector_load %arg19[%parallel_loop3A_402, %parallel_loop3A_403] {strides = array<i32>} : memref<8x256xf32, #tpu.memory_space<vmem>>, vector<16xf32>,
          tpu.vector_store %arg19[%parallel_loop3A_402, %parallel_loop3A_403], %parallel_loop3A_397 {strides = array<i32>} : memref<8x256xf32, #tpu.memory_space<vmem>>, vector<16xf32>,
          %parallel_loop3A_405 = arith.constant 16 : i32
          %parallel_loop3A_406 = arith.muli %parallel_loop3A_265, %parallel_loop3A_405 : i32
          %parallel_loop3A_407 = arith.constant 7 : i32
          %parallel_loop3A_408 = arith.index_cast %parallel_loop3A_407 : i32 to index
          %parallel_loop3A_409 = arith.index_cast %parallel_loop3A_406 : i32 to index
          %parallel_loop3A_410 = tpu.vector_load %arg19[%parallel_loop3A_408, %parallel_loop3A_409] {strides = array<i32>} : memref<8x256xf32, #tpu.memory_space<vmem>>, vector<16xf32>,
          tpu.vector_store %arg19[%parallel_loop3A_408, %parallel_loop3A_409], %parallel_loop3A_398 {strides = array<i32>} : memref<8x256xf32, #tpu.memory_space<vmem>>, vector<16xf32>,
        } {sc.loop_unroll_factor = 2 : i64, sc.parallel_access}
        %mul3A_243 = arith.constant 256 : i32
        %mul3A_244 = arith.muli %add3A_231, %mul3A_243 : i32
        %dma_start3A_245 = arith.constant 0 : i32
        %dma_start3A_246 = arith.constant 0 : i32
        %dma_start3A_247 = tpu.memref_slice %arg19[%dma_start3A_245, %dma_start3A_246] : memref<8x256xf32, #tpu.memory_space<vmem>> -> memref<4x256xf32, #tpu.memory_space<vmem>>
        %dma_start3A_248 = tpu.memref_slice %arg6[%add3A_84, %mul3A_244] : memref<4096x16384xf32, #tpu.memory_space<hbm>> -> memref<4x256xf32, #tpu.memory_space<hbm>>
        %dma_start3A_249 = tpu.memref_slice %arg6[%add3A_84, %mul3A_244] : memref<4096x16384xf32, #tpu.memory_space<hbm>> -> memref<4x256xf32, #tpu.memory_space<hbm>>
        %dma_start3A_250 = arith.constant 0 : i32
        %dma_start3A_251 = arith.constant 0 : i32
        %dma_start3A_252 = tpu.memref_slice %arg19[%dma_start3A_250, %dma_start3A_251] : memref<8x256xf32, #tpu.memory_space<vmem>> -> memref<4x256xf32, #tpu.memory_space<vmem>>
        tpu.enqueue_dma source(%dma_start3A_252 : memref<4x256xf32, #tpu.memory_space<vmem>>) target(%dma_start3A_249 : memref<4x256xf32, #tpu.memory_space<hbm>>) target_semaphore(%arg23 : memref<!tpu.dma_semaphore, #tpu.memory_space<semaphore_mem>>)
        %add3A_253 = arith.constant 2048 : i32
        %add3A_254 = arith.addi %add3A_253, %add3A_84 : i32
        %mul3A_255 = arith.constant 256 : i32
        %mul3A_256 = arith.muli %add3A_231, %mul3A_255 : i32
        %dma_start3A_257 = arith.constant 4 : i32
        %dma_start3A_258 = arith.constant 0 : i32
        %dma_start3A_259 = tpu.memref_slice %arg19[%dma_start3A_257, %dma_start3A_258] : memref<8x256xf32, #tpu.memory_space<vmem>> -> memref<4x256xf32, #tpu.memory_space<vmem>>
        %dma_start3A_260 = tpu.memref_slice %arg6[%add3A_254, %mul3A_256] : memref<4096x16384xf32, #tpu.memory_space<hbm>> -> memref<4x256xf32, #tpu.memory_space<hbm>>
        %dma_start3A_261 = tpu.memref_slice %arg6[%add3A_254, %mul3A_256] : memref<4096x16384xf32, #tpu.memory_space<hbm>> -> memref<4x256xf32, #tpu.memory_space<hbm>>
        %dma_start3A_262 = arith.constant 4 : i32
        %dma_start3A_263 = arith.constant 0 : i32
        %dma_start3A_264 = tpu.memref_slice %arg19[%dma_start3A_262, %dma_start3A_263] : memref<8x256xf32, #tpu.memory_space<vmem>> -> memref<4x256xf32, #tpu.memory_space<vmem>>
        tpu.enqueue_dma source(%dma_start3A_264 : memref<4x256xf32, #tpu.memory_space<vmem>>) target(%dma_start3A_261 : memref<4x256xf32, #tpu.memory_space<hbm>>) target_semaphore(%arg23 : memref<!tpu.dma_semaphore, #tpu.memory_space<semaphore_mem>>)
      }
      %scan3A_151 = arith.constant 32 : i32
      %mul3A_152 = arith.constant 2 : i32
      %mul3A_153 = arith.muli %scan3A_77, %mul3A_152 : i32
      %add3A_154 = arith.constant 1 : i32
      %add3A_155 = arith.addi %mul3A_153, %add3A_154 : i32
      %mul3A_156 = arith.constant 4 : i32
      %mul3A_157 = arith.muli %add3A_155, %mul3A_156 : i32
      %add3A_158 = arith.addi %mul3A_2, %mul3A_157 : i32
      %lt3A = arith.constant 7 : i32
      %lt3A_159 = arith.cmpi slt, %scan3A_77, %lt3A : i32
      %convert_element_type3A = arith.extui %lt3A_159 : i1 to i32
      %cond3A = arith.constant 0 : i32
      %cond3A_160 = arith.cmpi ne, %convert_element_type3A, %cond3A : i32
      scf.if %cond3A_160 {
        %add3A_194 = arith.constant 4 : i32
        %add3A_195 = arith.addi %add3A_158, %add3A_194 : i32
        %add3A_196 = arith.constant 0 : i32
        %add3A_197 = arith.addi %add3A_195, %add3A_196 : i32
        %dma_start3A_198 = arith.constant 0 : i32
        %dma_start3A_199 = tpu.memref_slice %arg2[%add3A_197, %dma_start3A_198] : memref<2048x8192xi32, #tpu.memory_space<hbm>> -> memref<1x8192xi32, #tpu.memory_space<hbm>>
        %dma_start3A_200 = tpu.memref_squeeze %dma_start3A_199 : memref<1x8192xi32, #tpu.memory_space<hbm>> -> memref<8192xi32, #tpu.memory_space<hbm>>
        %dma_start3A_201 = arith.constant 0 : i32
        %dma_start3A_202 = tpu.memref_slice %arg2[%add3A_197, %dma_start3A_201] : memref<2048x8192xi32, #tpu.memory_space<hbm>> -> memref<1x8192xi32, #tpu.memory_space<hbm>>
        %dma_start3A_203 = tpu.memref_squeeze %dma_start3A_202 : memref<1x8192xi32, #tpu.memory_space<hbm>> -> memref<8192xi32, #tpu.memory_space<hbm>>
        tpu.enqueue_dma source(%dma_start3A_203 : memref<8192xi32, #tpu.memory_space<hbm>>) target(%arg10 : memref<8192xi32, #tpu.memory_space<vmem>>) target_semaphore(%arg20 : memref<!tpu.dma_semaphore, #tpu.memory_space<semaphore_mem>>)
        %add3A_204 = arith.constant 1 : i32
        %add3A_205 = arith.addi %add3A_195, %add3A_204 : i32
        %dma_start3A_206 = arith.constant 0 : i32
        %dma_start3A_207 = tpu.memref_slice %arg2[%add3A_205, %dma_start3A_206] : memref<2048x8192xi32, #tpu.memory_space<hbm>> -> memref<1x8192xi32, #tpu.memory_space<hbm>>
        %dma_start3A_208 = tpu.memref_squeeze %dma_start3A_207 : memref<1x8192xi32, #tpu.memory_space<hbm>> -> memref<8192xi32, #tpu.memory_space<hbm>>
        %dma_start3A_209 = arith.constant 0 : i32
        %dma_start3A_210 = tpu.memref_slice %arg2[%add3A_205, %dma_start3A_209] : memref<2048x8192xi32, #tpu.memory_space<hbm>> -> memref<1x8192xi32, #tpu.memory_space<hbm>>
        %dma_start3A_211 = tpu.memref_squeeze %dma_start3A_210 : memref<1x8192xi32, #tpu.memory_space<hbm>> -> memref<8192xi32, #tpu.memory_space<hbm>>
        tpu.enqueue_dma source(%dma_start3A_211 : memref<8192xi32, #tpu.memory_space<hbm>>) target(%arg11 : memref<8192xi32, #tpu.memory_space<vmem>>) target_semaphore(%arg20 : memref<!tpu.dma_semaphore, #tpu.memory_space<semaphore_mem>>)
        %add3A_212 = arith.constant 2 : i32
        %add3A_213 = arith.addi %add3A_195, %add3A_212 : i32
        %dma_start3A_214 = arith.constant 0 : i32
        %dma_start3A_215 = tpu.memref_slice %arg2[%add3A_213, %dma_start3A_214] : memref<2048x8192xi32, #tpu.memory_space<hbm>> -> memref<1x8192xi32, #tpu.memory_space<hbm>>
        %dma_start3A_216 = tpu.memref_squeeze %dma_start3A_215 : memref<1x8192xi32, #tpu.memory_space<hbm>> -> memref<8192xi32, #tpu.memory_space<hbm>>
        %dma_start3A_217 = arith.constant 0 : i32
        %dma_start3A_218 = tpu.memref_slice %arg2[%add3A_213, %dma_start3A_217] : memref<2048x8192xi32, #tpu.memory_space<hbm>> -> memref<1x8192xi32, #tpu.memory_space<hbm>>
        %dma_start3A_219 = tpu.memref_squeeze %dma_start3A_218 : memref<1x8192xi32, #tpu.memory_space<hbm>> -> memref<8192xi32, #tpu.memory_space<hbm>>
        tpu.enqueue_dma source(%dma_start3A_219 : memref<8192xi32, #tpu.memory_space<hbm>>) target(%arg12 : memref<8192xi32, #tpu.memory_space<vmem>>) target_semaphore(%arg20 : memref<!tpu.dma_semaphore, #tpu.memory_space<semaphore_mem>>)
        %add3A_220 = arith.constant 3 : i32
        %add3A_221 = arith.addi %add3A_195, %add3A_220 : i32
        %dma_start3A_222 = arith.constant 0 : i32
        %dma_start3A_223 = tpu.memref_slice %arg2[%add3A_221, %dma_start3A_222] : memref<2048x8192xi32, #tpu.memory_space<hbm>> -> memref<1x8192xi32, #tpu.memory_space<hbm>>
        %dma_start3A_224 = tpu.memref_squeeze %dma_start3A_223 : memref<1x8192xi32, #tpu.memory_space<hbm>> -> memref<8192xi32, #tpu.memory_space<hbm>>
        %dma_start3A_225 = arith.constant 0 : i32
        %dma_start3A_226 = tpu.memref_slice %arg2[%add3A_221, %dma_start3A_225] : memref<2048x8192xi32, #tpu.memory_space<hbm>> -> memref<1x8192xi32, #tpu.memory_space<hbm>>
        %dma_start3A_227 = tpu.memref_squeeze %dma_start3A_226 : memref<1x8192xi32, #tpu.memory_space<hbm>> -> memref<8192xi32, #tpu.memory_space<hbm>>
        tpu.enqueue_dma source(%dma_start3A_227 : memref<8192xi32, #tpu.memory_space<hbm>>) target(%arg13 : memref<8192xi32, #tpu.memory_space<vmem>>) target_semaphore(%arg20 : memref<!tpu.dma_semaphore, #tpu.memory_space<semaphore_mem>>)
      } else {
      }
      %dma_wait3A_161 = arith.constant 0 : i32
      %dma_wait3A_162 = arith.constant 0 : i32
      %dma_wait3A_163 = tpu.memref_slice %arg2[%dma_wait3A_161, %dma_wait3A_162] : memref<2048x8192xi32, #tpu.memory_space<hbm>> -> memref<1x8192xi32, #tpu.memory_space<hbm>>
      %dma_wait3A_164 = tpu.memref_squeeze %dma_wait3A_163 : memref<1x8192xi32, #tpu.memory_space<hbm>> -> memref<8192xi32, #tpu.memory_space<hbm>>
      %dma_wait3A_165 = arith.constant 0 : i32
      %dma_wait3A_166 = tpu.memref_slice %arg2[%dma_wait3A_161, %dma_wait3A_165] : memref<2048x8192xi32, #tpu.memory_space<hbm>> -> memref<1x8192xi32, #tpu.memory_space<hbm>>
      %dma_wait3A_167 = tpu.memref_squeeze %dma_wait3A_166 : memref<1x8192xi32, #tpu.memory_space<hbm>> -> memref<8192xi32, #tpu.memory_space<hbm>>
      tpu.wait_dma2 semaphore(%arg21 : memref<!tpu.dma_semaphore, #tpu.memory_space<semaphore_mem>>) src(%dma_wait3A_167 : memref<8192xi32, #tpu.memory_space<hbm>>) dst(%arg14 : memref<8192xi32, #tpu.memory_space<vmem>>)
      %dma_wait3A_168 = arith.constant 0 : i32
      %dma_wait3A_169 = arith.constant 0 : i32
      %dma_wait3A_170 = tpu.memref_slice %arg2[%dma_wait3A_168, %dma_wait3A_169] : memref<2048x8192xi32, #tpu.memory_space<hbm>> -> memref<1x8192xi32, #tpu.memory_space<hbm>>
      %dma_wait3A_171 = tpu.memref_squeeze %dma_wait3A_170 : memref<1x8192xi32, #tpu.memory_space<hbm>> -> memref<8192xi32, #tpu.memory_space<hbm>>
      %dma_wait3A_172 = arith.constant 0 : i32
      %dma_wait3A_173 = tpu.memref_slice %arg2[%dma_wait3A_168, %dma_wait3A_172] : memref<2048x8192xi32, #tpu.memory_space<hbm>> -> memref<1x8192xi32, #tpu.memory_space<hbm>>
      %dma_wait3A_174 = tpu.memref_squeeze %dma_wait3A_173 : memref<1x8192xi32, #tpu.memory_space<hbm>> -> memref<8192xi32, #tpu.memory_space<hbm>>
      tpu.wait_dma2 semaphore(%arg21 : memref<!tpu.dma_semaphore, #tpu.memory_space<semaphore_mem>>) src(%dma_wait3A_174 : memref<8192xi32, #tpu.memory_space<hbm>>) dst(%arg15 : memref<8192xi32, #tpu.memory_space<vmem>>)
      %dma_wait3A_175 = arith.constant 0 : i32
      %dma_wait3A_176 = arith.constant 0 : i32
      %dma_wait3A_177 = tpu.memref_slice %arg2[%dma_wait3A_175, %dma_wait3A_176] : memref<2048x8192xi32, #tpu.memory_space<hbm>> -> memref<1x8192xi32, #tpu.memory_space<hbm>>
      %dma_wait3A_178 = tpu.memref_squeeze %dma_wait3A_177 : memref<1x8192xi32, #tpu.memory_space<hbm>> -> memref<8192xi32, #tpu.memory_space<hbm>>
      %dma_wait3A_179 = arith.constant 0 : i32
      %dma_wait3A_180 = tpu.memref_slice %arg2[%dma_wait3A_175, %dma_wait3A_179] : memref<2048x8192xi32, #tpu.memory_space<hbm>> -> memref<1x8192xi32, #tpu.memory_space<hbm>>
      %dma_wait3A_181 = tpu.memref_squeeze %dma_wait3A_180 : memref<1x8192xi32, #tpu.memory_space<hbm>> -> memref<8192xi32, #tpu.memory_space<hbm>>
      tpu.wait_dma2 semaphore(%arg21 : memref<!tpu.dma_semaphore, #tpu.memory_space<semaphore_mem>>) src(%dma_wait3A_181 : memref<8192xi32, #tpu.memory_space<hbm>>) dst(%arg16 : memref<8192xi32, #tpu.memory_space<vmem>>)
      %dma_wait3A_182 = arith.constant 0 : i32
      %dma_wait3A_183 = arith.constant 0 : i32
      %dma_wait3A_184 = tpu.memref_slice %arg2[%dma_wait3A_182, %dma_wait3A_183] : memref<2048x8192xi32, #tpu.memory_space<hbm>> -> memref<1x8192xi32, #tpu.memory_space<hbm>>
      %dma_wait3A_185 = tpu.memref_squeeze %dma_wait3A_184 : memref<1x8192xi32, #tpu.memory_space<hbm>> -> memref<8192xi32, #tpu.memory_space<hbm>>
      %dma_wait3A_186 = arith.constant 0 : i32
      %dma_wait3A_187 = tpu.memref_slice %arg2[%dma_wait3A_182, %dma_wait3A_186] : memref<2048x8192xi32, #tpu.memory_space<hbm>> -> memref<1x8192xi32, #tpu.memory_space<hbm>>
      %dma_wait3A_188 = tpu.memref_squeeze %dma_wait3A_187 : memref<1x8192xi32, #tpu.memory_space<hbm>> -> memref<8192xi32, #tpu.memory_space<hbm>>
      tpu.wait_dma2 semaphore(%arg21 : memref<!tpu.dma_semaphore, #tpu.memory_space<semaphore_mem>>) src(%dma_wait3A_188 : memref<8192xi32, #tpu.memory_space<hbm>>) dst(%arg17 : memref<8192xi32, #tpu.memory_space<vmem>>)
      %scan3A_189 = arith.constant 0 : i32
      %scan3A_190 = arith.constant 32 : i32
      %scan3A_191 = arith.addi %scan3A_189, %scan3A_190 : i32
      %scan3A_192 = arith.constant 1 : i32
      scf.for %scan3A_194 = %scan3A_189 to %scan3A_191 step %scan3A_192  : i32 {
        %mul3A_195 = arith.constant 2 : i32
        %mul3A_196 = arith.muli %scan3A_194, %mul3A_195 : i32
        %add3A_197 = arith.constant 0 : i32
        %add3A_198 = arith.addi %mul3A_196, %add3A_197 : i32
        %dma_wait3A_199 = arith.constant 0 : i32
        %dma_wait3A_200 = arith.constant 0 : i32
        %dma_wait3A_201 = tpu.memref_slice %arg18[%dma_wait3A_199, %dma_wait3A_200] : memref<8x256xf32, #tpu.memory_space<vmem>> -> memref<4x256xf32, #tpu.memory_space<vmem>>
        %dma_wait3A_202 = arith.constant 0 : i32
        %dma_wait3A_203 = tpu.memref_slice %arg6[%add3A_158, %dma_wait3A_202] : memref<4096x16384xf32, #tpu.memory_space<hbm>> -> memref<4x256xf32, #tpu.memory_space<hbm>>
        %dma_wait3A_204 = arith.constant 0 : i32
        %dma_wait3A_205 = tpu.memref_slice %arg6[%add3A_158, %dma_wait3A_204] : memref<4096x16384xf32, #tpu.memory_space<hbm>> -> memref<4x256xf32, #tpu.memory_space<hbm>>
        %dma_wait3A_206 = arith.constant 0 : i32
        %dma_wait3A_207 = arith.constant 0 : i32
        %dma_wait3A_208 = tpu.memref_slice %arg18[%dma_wait3A_206, %dma_wait3A_207] : memref<8x256xf32, #tpu.memory_space<vmem>> -> memref<4x256xf32, #tpu.memory_space<vmem>>
        tpu.wait_dma2 semaphore(%arg22 : memref<!tpu.dma_semaphore, #tpu.memory_space<semaphore_mem>>) src(%dma_wait3A_208 : memref<4x256xf32, #tpu.memory_space<vmem>>) dst(%dma_wait3A_205 : memref<4x256xf32, #tpu.memory_space<hbm>>)
        %dma_wait3A_209 = arith.constant 0 : i32
        %dma_wait3A_210 = arith.constant 0 : i32
        %dma_wait3A_211 = tpu.memref_slice %arg18[%dma_wait3A_209, %dma_wait3A_210] : memref<8x256xf32, #tpu.memory_space<vmem>> -> memref<4x256xf32, #tpu.memory_space<vmem>>
        %dma_wait3A_212 = arith.constant 0 : i32
        %dma_wait3A_213 = tpu.memref_slice %arg6[%add3A_158, %dma_wait3A_212] : memref<4096x16384xf32, #tpu.memory_space<hbm>> -> memref<4x256xf32, #tpu.memory_space<hbm>>
        %dma_wait3A_214 = arith.constant 0 : i32
        %dma_wait3A_215 = tpu.memref_slice %arg6[%add3A_158, %dma_wait3A_214] : memref<4096x16384xf32, #tpu.memory_space<hbm>> -> memref<4x256xf32, #tpu.memory_space<hbm>>
        %dma_wait3A_216 = arith.constant 0 : i32
        %dma_wait3A_217 = arith.constant 0 : i32
        %dma_wait3A_218 = tpu.memref_slice %arg18[%dma_wait3A_216, %dma_wait3A_217] : memref<8x256xf32, #tpu.memory_space<vmem>> -> memref<4x256xf32, #tpu.memory_space<vmem>>
        tpu.wait_dma2 semaphore(%arg22 : memref<!tpu.dma_semaphore, #tpu.memory_space<semaphore_mem>>) src(%dma_wait3A_218 : memref<4x256xf32, #tpu.memory_space<vmem>>) dst(%dma_wait3A_215 : memref<4x256xf32, #tpu.memory_space<hbm>>)
        %parallel_loop3A = arith.constant 0 : i32
        %parallel_loop3A_219 = arith.constant 16 : i32
        %parallel_loop3A_220 = arith.constant 1 : i32
        scf.for %parallel_loop3A_292 = %parallel_loop3A to %parallel_loop3A_219 step %parallel_loop3A_220  : i32 {
          %parallel_loop3A_293 = arith.constant 256 : i32
          %parallel_loop3A_294 = arith.muli %add3A_198, %parallel_loop3A_293 : i32
          %parallel_loop3A_295 = arith.constant 16 : i32
          %parallel_loop3A_296 = arith.muli %parallel_loop3A_292, %parallel_loop3A_295 : i32
          %parallel_loop3A_297 = arith.addi %parallel_loop3A_294, %parallel_loop3A_296 : i32
          %parallel_loop3A_298 = arith.index_cast %parallel_loop3A_297 : i32 to index
          %parallel_loop3A_299 = tpu.vector_load %arg7[%parallel_loop3A_298] {strides = array<i32>} : memref<16384xi32, #tpu.memory_space<vmem>>, vector<16xi32>,
          %parallel_loop3A_300 = arith.constant 65535 : i32
          %parallel_loop3A_301 = vector.broadcast %parallel_loop3A_300 : i32 to vector<16xi32>
          %parallel_loop3A_302 = arith.andi %parallel_loop3A_299, %parallel_loop3A_301 : vector<16xi32>
          %parallel_loop3A_303 = arith.constant 16 : i32
          %parallel_loop3A_304 = vector.broadcast %parallel_loop3A_303 : i32 to vector<16xi32>
          %parallel_loop3A_305 = arith.shrui %parallel_loop3A_299, %parallel_loop3A_304 : vector<16xi32>
          %parallel_loop3A_306 = arith.index_cast %parallel_loop3A_297 : i32 to index
          %parallel_loop3A_307 = tpu.vector_load %arg8[%parallel_loop3A_306] {strides = array<i32>} : memref<16384xi32, #tpu.memory_space<vmem>>, vector<16xi32>,
          %parallel_loop3A_308 = arith.index_cast %parallel_loop3A_297 : i32 to index
          %parallel_loop3A_309 = tpu.vector_load %arg9[%parallel_loop3A_308] {strides = array<i32>} : memref<16384xi32, #tpu.memory_space<vmem>>, vector<16xi32>,
          %parallel_loop3A_310 = arith.constant 65535 : i32
          %parallel_loop3A_311 = vector.broadcast %parallel_loop3A_310 : i32 to vector<16xi32>
          %parallel_loop3A_312 = arith.andi %parallel_loop3A_307, %parallel_loop3A_311 : vector<16xi32>
          %parallel_loop3A_313 = arith.constant 16 : i32
          %parallel_loop3A_314 = vector.broadcast %parallel_loop3A_313 : i32 to vector<16xi32>
          %parallel_loop3A_315 = arith.shli %parallel_loop3A_307, %parallel_loop3A_314 : vector<16xi32>
          %parallel_loop3A_316 = arith.ori %parallel_loop3A_312, %parallel_loop3A_315 : vector<16xi32>
          %parallel_loop3A_317 = vector.bitcast %parallel_loop3A_316 : vector<16xi32> to vector<32xbf16>
          %parallel_loop3A_318 = arith.constant 16 : i32
          %parallel_loop3A_319 = vector.broadcast %parallel_loop3A_318 : i32 to vector<16xi32>
          %parallel_loop3A_320 = arith.shrui %parallel_loop3A_307, %parallel_loop3A_319 : vector<16xi32>
          %parallel_loop3A_321 = arith.constant -65536 : i32
          %parallel_loop3A_322 = vector.broadcast %parallel_loop3A_321 : i32 to vector<16xi32>
          %parallel_loop3A_323 = arith.andi %parallel_loop3A_307, %parallel_loop3A_322 : vector<16xi32>
          %parallel_loop3A_324 = arith.ori %parallel_loop3A_320, %parallel_loop3A_323 : vector<16xi32>
          %parallel_loop3A_325 = vector.bitcast %parallel_loop3A_324 : vector<16xi32> to vector<32xbf16>
          %parallel_loop3A_326 = arith.constant 65535 : i32
          %parallel_loop3A_327 = vector.broadcast %parallel_loop3A_326 : i32 to vector<16xi32>
          %parallel_loop3A_328 = arith.andi %parallel_loop3A_309, %parallel_loop3A_327 : vector<16xi32>
          %parallel_loop3A_329 = arith.constant 16 : i32
          %parallel_loop3A_330 = vector.broadcast %parallel_loop3A_329 : i32 to vector<16xi32>
          %parallel_loop3A_331 = arith.shli %parallel_loop3A_309, %parallel_loop3A_330 : vector<16xi32>
          %parallel_loop3A_332 = arith.ori %parallel_loop3A_328, %parallel_loop3A_331 : vector<16xi32>
          %parallel_loop3A_333 = vector.bitcast %parallel_loop3A_332 : vector<16xi32> to vector<32xbf16>
          %parallel_loop3A_334 = arith.constant 16 : i32
          %parallel_loop3A_335 = vector.broadcast %parallel_loop3A_334 : i32 to vector<16xi32>
          %parallel_loop3A_336 = arith.shrui %parallel_loop3A_309, %parallel_loop3A_335 : vector<16xi32>
          %parallel_loop3A_337 = arith.constant -65536 : i32
          %parallel_loop3A_338 = vector.broadcast %parallel_loop3A_337 : i32 to vector<16xi32>
          %parallel_loop3A_339 = arith.andi %parallel_loop3A_309, %parallel_loop3A_338 : vector<16xi32>
          %parallel_loop3A_340 = arith.ori %parallel_loop3A_336, %parallel_loop3A_339 : vector<16xi32>
          %parallel_loop3A_341 = vector.bitcast %parallel_loop3A_340 : vector<16xi32> to vector<32xbf16>
          %parallel_loop3A_342 = tpu.vector_load_idx %arg14[%parallel_loop3A_302] : memref<8192xi32, #tpu.memory_space<vmem>>[vector<16xi32>], vector<16xi32>,
          %parallel_loop3A_343 = vector.bitcast %parallel_loop3A_342 : vector<16xi32> to vector<32xbf16>
          %parallel_loop3A_344 = tpu.vector_load_idx %arg14[%parallel_loop3A_305] : memref<8192xi32, #tpu.memory_space<vmem>>[vector<16xi32>], vector<16xi32>,
          %parallel_loop3A_345 = vector.bitcast %parallel_loop3A_344 : vector<16xi32> to vector<32xbf16>
          %parallel_loop3A_346 = arith.mulf %parallel_loop3A_325, %parallel_loop3A_343 : vector<32xbf16>
          %parallel_loop3A_347 = arith.addf %parallel_loop3A_317, %parallel_loop3A_346 : vector<32xbf16>
          %parallel_loop3A_348 = arith.mulf %parallel_loop3A_341, %parallel_loop3A_343 : vector<32xbf16>
          %parallel_loop3A_349 = arith.addf %parallel_loop3A_333, %parallel_loop3A_348 : vector<32xbf16>
          %parallel_loop3A_350 = arith.mulf %parallel_loop3A_349, %parallel_loop3A_345 : vector<32xbf16>
          %parallel_loop3A_351 = arith.addf %parallel_loop3A_347, %parallel_loop3A_350 : vector<32xbf16>
          %parallel_loop3A_352 = tpu.unpack_subelements %parallel_loop3A_351, 0 {pack_format = #tpu.pack_format<interleaved>} : vector<32xbf16> -> vector<16xf32>
          %parallel_loop3A_353 = tpu.unpack_subelements %parallel_loop3A_351, 1 {pack_format = #tpu.pack_format<interleaved>} : vector<32xbf16> -> vector<16xf32>
          %parallel_loop3A_354 = arith.constant 16 : i32
          %parallel_loop3A_355 = arith.muli %parallel_loop3A_292, %parallel_loop3A_354 : i32
          %parallel_loop3A_356 = arith.constant 0 : i32
          %parallel_loop3A_357 = arith.index_cast %parallel_loop3A_356 : i32 to index
          %parallel_loop3A_358 = arith.index_cast %parallel_loop3A_355 : i32 to index
          %parallel_loop3A_359 = tpu.vector_load %arg18[%parallel_loop3A_357, %parallel_loop3A_358] {strides = array<i32>} : memref<8x256xf32, #tpu.memory_space<vmem>>, vector<16xf32>,
          tpu.vector_store %arg18[%parallel_loop3A_357, %parallel_loop3A_358], %parallel_loop3A_352 {strides = array<i32>} : memref<8x256xf32, #tpu.memory_space<vmem>>, vector<16xf32>,
          %parallel_loop3A_360 = arith.constant 16 : i32
          %parallel_loop3A_361 = arith.muli %parallel_loop3A_292, %parallel_loop3A_360 : i32
          %parallel_loop3A_362 = arith.constant 4 : i32
          %parallel_loop3A_363 = arith.index_cast %parallel_loop3A_362 : i32 to index
          %parallel_loop3A_364 = arith.index_cast %parallel_loop3A_361 : i32 to index
          %parallel_loop3A_365 = tpu.vector_load %arg18[%parallel_loop3A_363, %parallel_loop3A_364] {strides = array<i32>} : memref<8x256xf32, #tpu.memory_space<vmem>>, vector<16xf32>,
          tpu.vector_store %arg18[%parallel_loop3A_363, %parallel_loop3A_364], %parallel_loop3A_353 {strides = array<i32>} : memref<8x256xf32, #tpu.memory_space<vmem>>, vector<16xf32>,
          %parallel_loop3A_366 = tpu.vector_load_idx %arg15[%parallel_loop3A_302] : memref<8192xi32, #tpu.memory_space<vmem>>[vector<16xi32>], vector<16xi32>,
          %parallel_loop3A_367 = vector.bitcast %parallel_loop3A_366 : vector<16xi32> to vector<32xbf16>
          %parallel_loop3A_368 = tpu.vector_load_idx %arg15[%parallel_loop3A_305] : memref<8192xi32, #tpu.memory_space<vmem>>[vector<16xi32>], vector<16xi32>,
          %parallel_loop3A_369 = vector.bitcast %parallel_loop3A_368 : vector<16xi32> to vector<32xbf16>
          %parallel_loop3A_370 = arith.mulf %parallel_loop3A_325, %parallel_loop3A_367 : vector<32xbf16>
          %parallel_loop3A_371 = arith.addf %parallel_loop3A_317, %parallel_loop3A_370 : vector<32xbf16>
          %parallel_loop3A_372 = arith.mulf %parallel_loop3A_341, %parallel_loop3A_367 : vector<32xbf16>
          %parallel_loop3A_373 = arith.addf %parallel_loop3A_333, %parallel_loop3A_372 : vector<32xbf16>
          %parallel_loop3A_374 = arith.mulf %parallel_loop3A_373, %parallel_loop3A_369 : vector<32xbf16>
          %parallel_loop3A_375 = arith.addf %parallel_loop3A_371, %parallel_loop3A_374 : vector<32xbf16>
          %parallel_loop3A_376 = tpu.unpack_subelements %parallel_loop3A_375, 0 {pack_format = #tpu.pack_format<interleaved>} : vector<32xbf16> -> vector<16xf32>
          %parallel_loop3A_377 = tpu.unpack_subelements %parallel_loop3A_375, 1 {pack_format = #tpu.pack_format<interleaved>} : vector<32xbf16> -> vector<16xf32>
          %parallel_loop3A_378 = arith.constant 16 : i32
          %parallel_loop3A_379 = arith.muli %parallel_loop3A_292, %parallel_loop3A_378 : i32
          %parallel_loop3A_380 = arith.constant 1 : i32
          %parallel_loop3A_381 = arith.index_cast %parallel_loop3A_380 : i32 to index
          %parallel_loop3A_382 = arith.index_cast %parallel_loop3A_379 : i32 to index
          %parallel_loop3A_383 = tpu.vector_load %arg18[%parallel_loop3A_381, %parallel_loop3A_382] {strides = array<i32>} : memref<8x256xf32, #tpu.memory_space<vmem>>, vector<16xf32>,
          tpu.vector_store %arg18[%parallel_loop3A_381, %parallel_loop3A_382], %parallel_loop3A_376 {strides = array<i32>} : memref<8x256xf32, #tpu.memory_space<vmem>>, vector<16xf32>,
          %parallel_loop3A_384 = arith.constant 16 : i32
          %parallel_loop3A_385 = arith.muli %parallel_loop3A_292, %parallel_loop3A_384 : i32
          %parallel_loop3A_386 = arith.constant 5 : i32
          %parallel_loop3A_387 = arith.index_cast %parallel_loop3A_386 : i32 to index
          %parallel_loop3A_388 = arith.index_cast %parallel_loop3A_385 : i32 to index
          %parallel_loop3A_389 = tpu.vector_load %arg18[%parallel_loop3A_387, %parallel_loop3A_388] {strides = array<i32>} : memref<8x256xf32, #tpu.memory_space<vmem>>, vector<16xf32>,
          tpu.vector_store %arg18[%parallel_loop3A_387, %parallel_loop3A_388], %parallel_loop3A_377 {strides = array<i32>} : memref<8x256xf32, #tpu.memory_space<vmem>>, vector<16xf32>,
          %parallel_loop3A_390 = tpu.vector_load_idx %arg16[%parallel_loop3A_302] : memref<8192xi32, #tpu.memory_space<vmem>>[vector<16xi32>], vector<16xi32>,
          %parallel_loop3A_391 = vector.bitcast %parallel_loop3A_390 : vector<16xi32> to vector<32xbf16>
          %parallel_loop3A_392 = tpu.vector_load_idx %arg16[%parallel_loop3A_305] : memref<8192xi32, #tpu.memory_space<vmem>>[vector<16xi32>], vector<16xi32>,
          %parallel_loop3A_393 = vector.bitcast %parallel_loop3A_392 : vector<16xi32> to vector<32xbf16>
          %parallel_loop3A_394 = arith.mulf %parallel_loop3A_325, %parallel_loop3A_391 : vector<32xbf16>
          %parallel_loop3A_395 = arith.addf %parallel_loop3A_317, %parallel_loop3A_394 : vector<32xbf16>
          %parallel_loop3A_396 = arith.mulf %parallel_loop3A_341, %parallel_loop3A_391 : vector<32xbf16>
          %parallel_loop3A_397 = arith.addf %parallel_loop3A_333, %parallel_loop3A_396 : vector<32xbf16>
          %parallel_loop3A_398 = arith.mulf %parallel_loop3A_397, %parallel_loop3A_393 : vector<32xbf16>
          %parallel_loop3A_399 = arith.addf %parallel_loop3A_395, %parallel_loop3A_398 : vector<32xbf16>
          %parallel_loop3A_400 = tpu.unpack_subelements %parallel_loop3A_399, 0 {pack_format = #tpu.pack_format<interleaved>} : vector<32xbf16> -> vector<16xf32>
          %parallel_loop3A_401 = tpu.unpack_subelements %parallel_loop3A_399, 1 {pack_format = #tpu.pack_format<interleaved>} : vector<32xbf16> -> vector<16xf32>
          %parallel_loop3A_402 = arith.constant 16 : i32
          %parallel_loop3A_403 = arith.muli %parallel_loop3A_292, %parallel_loop3A_402 : i32
          %parallel_loop3A_404 = arith.constant 2 : i32
          %parallel_loop3A_405 = arith.index_cast %parallel_loop3A_404 : i32 to index
          %parallel_loop3A_406 = arith.index_cast %parallel_loop3A_403 : i32 to index
          %parallel_loop3A_407 = tpu.vector_load %arg18[%parallel_loop3A_405, %parallel_loop3A_406] {strides = array<i32>} : memref<8x256xf32, #tpu.memory_space<vmem>>, vector<16xf32>,
          tpu.vector_store %arg18[%parallel_loop3A_405, %parallel_loop3A_406], %parallel_loop3A_400 {strides = array<i32>} : memref<8x256xf32, #tpu.memory_space<vmem>>, vector<16xf32>,
          %parallel_loop3A_408 = arith.constant 16 : i32
          %parallel_loop3A_409 = arith.muli %parallel_loop3A_292, %parallel_loop3A_408 : i32
          %parallel_loop3A_410 = arith.constant 6 : i32
          %parallel_loop3A_411 = arith.index_cast %parallel_loop3A_410 : i32 to index
          %parallel_loop3A_412 = arith.index_cast %parallel_loop3A_409 : i32 to index
          %parallel_loop3A_413 = tpu.vector_load %arg18[%parallel_loop3A_411, %parallel_loop3A_412] {strides = array<i32>} : memref<8x256xf32, #tpu.memory_space<vmem>>, vector<16xf32>,
          tpu.vector_store %arg18[%parallel_loop3A_411, %parallel_loop3A_412], %parallel_loop3A_401 {strides = array<i32>} : memref<8x256xf32, #tpu.memory_space<vmem>>, vector<16xf32>,
          %parallel_loop3A_414 = tpu.vector_load_idx %arg17[%parallel_loop3A_302] : memref<8192xi32, #tpu.memory_space<vmem>>[vector<16xi32>], vector<16xi32>,
          %parallel_loop3A_415 = vector.bitcast %parallel_loop3A_414 : vector<16xi32> to vector<32xbf16>
          %parallel_loop3A_416 = tpu.vector_load_idx %arg17[%parallel_loop3A_305] : memref<8192xi32, #tpu.memory_space<vmem>>[vector<16xi32>], vector<16xi32>,
          %parallel_loop3A_417 = vector.bitcast %parallel_loop3A_416 : vector<16xi32> to vector<32xbf16>
          %parallel_loop3A_418 = arith.mulf %parallel_loop3A_325, %parallel_loop3A_415 : vector<32xbf16>
          %parallel_loop3A_419 = arith.addf %parallel_loop3A_317, %parallel_loop3A_418 : vector<32xbf16>
          %parallel_loop3A_420 = arith.mulf %parallel_loop3A_341, %parallel_loop3A_415 : vector<32xbf16>
          %parallel_loop3A_421 = arith.addf %parallel_loop3A_333, %parallel_loop3A_420 : vector<32xbf16>
          %parallel_loop3A_422 = arith.mulf %parallel_loop3A_421, %parallel_loop3A_417 : vector<32xbf16>
          %parallel_loop3A_423 = arith.addf %parallel_loop3A_419, %parallel_loop3A_422 : vector<32xbf16>
          %parallel_loop3A_424 = tpu.unpack_subelements %parallel_loop3A_423, 0 {pack_format = #tpu.pack_format<interleaved>} : vector<32xbf16> -> vector<16xf32>
          %parallel_loop3A_425 = tpu.unpack_subelements %parallel_loop3A_423, 1 {pack_format = #tpu.pack_format<interleaved>} : vector<32xbf16> -> vector<16xf32>
          %parallel_loop3A_426 = arith.constant 16 : i32
          %parallel_loop3A_427 = arith.muli %parallel_loop3A_292, %parallel_loop3A_426 : i32
          %parallel_loop3A_428 = arith.constant 3 : i32
          %parallel_loop3A_429 = arith.index_cast %parallel_loop3A_428 : i32 to index
          %parallel_loop3A_430 = arith.index_cast %parallel_loop3A_427 : i32 to index
          %parallel_loop3A_431 = tpu.vector_load %arg18[%parallel_loop3A_429, %parallel_loop3A_430] {strides = array<i32>} : memref<8x256xf32, #tpu.memory_space<vmem>>, vector<16xf32>,
          tpu.vector_store %arg18[%parallel_loop3A_429, %parallel_loop3A_430], %parallel_loop3A_424 {strides = array<i32>} : memref<8x256xf32, #tpu.memory_space<vmem>>, vector<16xf32>,
          %parallel_loop3A_432 = arith.constant 16 : i32
          %parallel_loop3A_433 = arith.muli %parallel_loop3A_292, %parallel_loop3A_432 : i32
          %parallel_loop3A_434 = arith.constant 7 : i32
          %parallel_loop3A_435 = arith.index_cast %parallel_loop3A_434 : i32 to index
          %parallel_loop3A_436 = arith.index_cast %parallel_loop3A_433 : i32 to index
          %parallel_loop3A_437 = tpu.vector_load %arg18[%parallel_loop3A_435, %parallel_loop3A_436] {strides = array<i32>} : memref<8x256xf32, #tpu.memory_space<vmem>>, vector<16xf32>,
          tpu.vector_store %arg18[%parallel_loop3A_435, %parallel_loop3A_436], %parallel_loop3A_425 {strides = array<i32>} : memref<8x256xf32, #tpu.memory_space<vmem>>, vector<16xf32>,
        } {sc.loop_unroll_factor = 2 : i64, sc.parallel_access}
        %mul3A_221 = arith.constant 256 : i32
        %mul3A_222 = arith.muli %add3A_198, %mul3A_221 : i32
        %dma_start3A_223 = arith.constant 0 : i32
        %dma_start3A_224 = arith.constant 0 : i32
        %dma_start3A_225 = tpu.memref_slice %arg18[%dma_start3A_223, %dma_start3A_224] : memref<8x256xf32, #tpu.memory_space<vmem>> -> memref<4x256xf32, #tpu.memory_space<vmem>>
        %dma_start3A_226 = tpu.memref_slice %arg6[%add3A_158, %mul3A_222] : memref<4096x16384xf32, #tpu.memory_space<hbm>> -> memref<4x256xf32, #tpu.memory_space<hbm>>
        %dma_start3A_227 = tpu.memref_slice %arg6[%add3A_158, %mul3A_222] : memref<4096x16384xf32, #tpu.memory_space<hbm>> -> memref<4x256xf32, #tpu.memory_space<hbm>>
        %dma_start3A_228 = arith.constant 0 : i32
        %dma_start3A_229 = arith.constant 0 : i32
        %dma_start3A_230 = tpu.memref_slice %arg18[%dma_start3A_228, %dma_start3A_229] : memref<8x256xf32, #tpu.memory_space<vmem>> -> memref<4x256xf32, #tpu.memory_space<vmem>>
        tpu.enqueue_dma source(%dma_start3A_230 : memref<4x256xf32, #tpu.memory_space<vmem>>) target(%dma_start3A_227 : memref<4x256xf32, #tpu.memory_space<hbm>>) target_semaphore(%arg22 : memref<!tpu.dma_semaphore, #tpu.memory_space<semaphore_mem>>)
        %add3A_231 = arith.constant 2048 : i32
        %add3A_232 = arith.addi %add3A_231, %add3A_158 : i32
        %mul3A_233 = arith.constant 256 : i32
        %mul3A_234 = arith.muli %add3A_198, %mul3A_233 : i32
        %dma_start3A_235 = arith.constant 4 : i32
        %dma_start3A_236 = arith.constant 0 : i32
        %dma_start3A_237 = tpu.memref_slice %arg18[%dma_start3A_235, %dma_start3A_236] : memref<8x256xf32, #tpu.memory_space<vmem>> -> memref<4x256xf32, #tpu.memory_space<vmem>>
        %dma_start3A_238 = tpu.memref_slice %arg6[%add3A_232, %mul3A_234] : memref<4096x16384xf32, #tpu.memory_space<hbm>> -> memref<4x256xf32, #tpu.memory_space<hbm>>
        %dma_start3A_239 = tpu.memref_slice %arg6[%add3A_232, %mul3A_234] : memref<4096x16384xf32, #tpu.memory_space<hbm>> -> memref<4x256xf32, #tpu.memory_space<hbm>>
        %dma_start3A_240 = arith.constant 4 : i32
        %dma_start3A_241 = arith.constant 0 : i32
        %dma_start3A_242 = tpu.memref_slice %arg18[%dma_start3A_240, %dma_start3A_241] : memref<8x256xf32, #tpu.memory_space<vmem>> -> memref<4x256xf32, #tpu.memory_space<vmem>>
        tpu.enqueue_dma source(%dma_start3A_242 : memref<4x256xf32, #tpu.memory_space<vmem>>) target(%dma_start3A_239 : memref<4x256xf32, #tpu.memory_space<hbm>>) target_semaphore(%arg22 : memref<!tpu.dma_semaphore, #tpu.memory_space<semaphore_mem>>)
        %mul3A_243 = arith.constant 2 : i32
        %mul3A_244 = arith.muli %scan3A_194, %mul3A_243 : i32
        %add3A_245 = arith.constant 1 : i32
        %add3A_246 = arith.addi %mul3A_244, %add3A_245 : i32
        %dma_wait3A_247 = arith.constant 0 : i32
        %dma_wait3A_248 = arith.constant 0 : i32
        %dma_wait3A_249 = tpu.memref_slice %arg19[%dma_wait3A_247, %dma_wait3A_248] : memref<8x256xf32, #tpu.memory_space<vmem>> -> memref<4x256xf32, #tpu.memory_space<vmem>>
        %dma_wait3A_250 = arith.constant 0 : i32
        %dma_wait3A_251 = tpu.memref_slice %arg6[%add3A_158, %dma_wait3A_250] : memref<4096x16384xf32, #tpu.memory_space<hbm>> -> memref<4x256xf32, #tpu.memory_space<hbm>>
        %dma_wait3A_252 = arith.constant 0 : i32
        %dma_wait3A_253 = tpu.memref_slice %arg6[%add3A_158, %dma_wait3A_252] : memref<4096x16384xf32, #tpu.memory_space<hbm>> -> memref<4x256xf32, #tpu.memory_space<hbm>>
        %dma_wait3A_254 = arith.constant 0 : i32
        %dma_wait3A_255 = arith.constant 0 : i32
        %dma_wait3A_256 = tpu.memref_slice %arg19[%dma_wait3A_254, %dma_wait3A_255] : memref<8x256xf32, #tpu.memory_space<vmem>> -> memref<4x256xf32, #tpu.memory_space<vmem>>
        tpu.wait_dma2 semaphore(%arg23 : memref<!tpu.dma_semaphore, #tpu.memory_space<semaphore_mem>>) src(%dma_wait3A_256 : memref<4x256xf32, #tpu.memory_space<vmem>>) dst(%dma_wait3A_253 : memref<4x256xf32, #tpu.memory_space<hbm>>)
        %dma_wait3A_257 = arith.constant 0 : i32
        %dma_wait3A_258 = arith.constant 0 : i32
        %dma_wait3A_259 = tpu.memref_slice %arg19[%dma_wait3A_257, %dma_wait3A_258] : memref<8x256xf32, #tpu.memory_space<vmem>> -> memref<4x256xf32, #tpu.memory_space<vmem>>
        %dma_wait3A_260 = arith.constant 0 : i32
        %dma_wait3A_261 = tpu.memref_slice %arg6[%add3A_158, %dma_wait3A_260] : memref<4096x16384xf32, #tpu.memory_space<hbm>> -> memref<4x256xf32, #tpu.memory_space<hbm>>
        %dma_wait3A_262 = arith.constant 0 : i32
        %dma_wait3A_263 = tpu.memref_slice %arg6[%add3A_158, %dma_wait3A_262] : memref<4096x16384xf32, #tpu.memory_space<hbm>> -> memref<4x256xf32, #tpu.memory_space<hbm>>
        %dma_wait3A_264 = arith.constant 0 : i32
        %dma_wait3A_265 = arith.constant 0 : i32
        %dma_wait3A_266 = tpu.memref_slice %arg19[%dma_wait3A_264, %dma_wait3A_265] : memref<8x256xf32, #tpu.memory_space<vmem>> -> memref<4x256xf32, #tpu.memory_space<vmem>>
        tpu.wait_dma2 semaphore(%arg23 : memref<!tpu.dma_semaphore, #tpu.memory_space<semaphore_mem>>) src(%dma_wait3A_266 : memref<4x256xf32, #tpu.memory_space<vmem>>) dst(%dma_wait3A_263 : memref<4x256xf32, #tpu.memory_space<hbm>>)
        %parallel_loop3A_267 = arith.constant 0 : i32
        %parallel_loop3A_268 = arith.constant 16 : i32
        %parallel_loop3A_269 = arith.constant 1 : i32
        scf.for %parallel_loop3A_292 = %parallel_loop3A_267 to %parallel_loop3A_268 step %parallel_loop3A_269  : i32 {
          %parallel_loop3A_293 = arith.constant 256 : i32
          %parallel_loop3A_294 = arith.muli %add3A_246, %parallel_loop3A_293 : i32
          %parallel_loop3A_295 = arith.constant 16 : i32
          %parallel_loop3A_296 = arith.muli %parallel_loop3A_292, %parallel_loop3A_295 : i32
          %parallel_loop3A_297 = arith.addi %parallel_loop3A_294, %parallel_loop3A_296 : i32
          %parallel_loop3A_298 = arith.index_cast %parallel_loop3A_297 : i32 to index
          %parallel_loop3A_299 = tpu.vector_load %arg7[%parallel_loop3A_298] {strides = array<i32>} : memref<16384xi32, #tpu.memory_space<vmem>>, vector<16xi32>,
          %parallel_loop3A_300 = arith.constant 65535 : i32
          %parallel_loop3A_301 = vector.broadcast %parallel_loop3A_300 : i32 to vector<16xi32>
          %parallel_loop3A_302 = arith.andi %parallel_loop3A_299, %parallel_loop3A_301 : vector<16xi32>
          %parallel_loop3A_303 = arith.constant 16 : i32
          %parallel_loop3A_304 = vector.broadcast %parallel_loop3A_303 : i32 to vector<16xi32>
          %parallel_loop3A_305 = arith.shrui %parallel_loop3A_299, %parallel_loop3A_304 : vector<16xi32>
          %parallel_loop3A_306 = arith.index_cast %parallel_loop3A_297 : i32 to index
          %parallel_loop3A_307 = tpu.vector_load %arg8[%parallel_loop3A_306] {strides = array<i32>} : memref<16384xi32, #tpu.memory_space<vmem>>, vector<16xi32>,
          %parallel_loop3A_308 = arith.index_cast %parallel_loop3A_297 : i32 to index
          %parallel_loop3A_309 = tpu.vector_load %arg9[%parallel_loop3A_308] {strides = array<i32>} : memref<16384xi32, #tpu.memory_space<vmem>>, vector<16xi32>,
          %parallel_loop3A_310 = arith.constant 65535 : i32
          %parallel_loop3A_311 = vector.broadcast %parallel_loop3A_310 : i32 to vector<16xi32>
          %parallel_loop3A_312 = arith.andi %parallel_loop3A_307, %parallel_loop3A_311 : vector<16xi32>
          %parallel_loop3A_313 = arith.constant 16 : i32
          %parallel_loop3A_314 = vector.broadcast %parallel_loop3A_313 : i32 to vector<16xi32>
          %parallel_loop3A_315 = arith.shli %parallel_loop3A_307, %parallel_loop3A_314 : vector<16xi32>
          %parallel_loop3A_316 = arith.ori %parallel_loop3A_312, %parallel_loop3A_315 : vector<16xi32>
          %parallel_loop3A_317 = vector.bitcast %parallel_loop3A_316 : vector<16xi32> to vector<32xbf16>
          %parallel_loop3A_318 = arith.constant 16 : i32
          %parallel_loop3A_319 = vector.broadcast %parallel_loop3A_318 : i32 to vector<16xi32>
          %parallel_loop3A_320 = arith.shrui %parallel_loop3A_307, %parallel_loop3A_319 : vector<16xi32>
          %parallel_loop3A_321 = arith.constant -65536 : i32
          %parallel_loop3A_322 = vector.broadcast %parallel_loop3A_321 : i32 to vector<16xi32>
          %parallel_loop3A_323 = arith.andi %parallel_loop3A_307, %parallel_loop3A_322 : vector<16xi32>
          %parallel_loop3A_324 = arith.ori %parallel_loop3A_320, %parallel_loop3A_323 : vector<16xi32>
          %parallel_loop3A_325 = vector.bitcast %parallel_loop3A_324 : vector<16xi32> to vector<32xbf16>
          %parallel_loop3A_326 = arith.constant 65535 : i32
          %parallel_loop3A_327 = vector.broadcast %parallel_loop3A_326 : i32 to vector<16xi32>
          %parallel_loop3A_328 = arith.andi %parallel_loop3A_309, %parallel_loop3A_327 : vector<16xi32>
          %parallel_loop3A_329 = arith.constant 16 : i32
          %parallel_loop3A_330 = vector.broadcast %parallel_loop3A_329 : i32 to vector<16xi32>
          %parallel_loop3A_331 = arith.shli %parallel_loop3A_309, %parallel_loop3A_330 : vector<16xi32>
          %parallel_loop3A_332 = arith.ori %parallel_loop3A_328, %parallel_loop3A_331 : vector<16xi32>
          %parallel_loop3A_333 = vector.bitcast %parallel_loop3A_332 : vector<16xi32> to vector<32xbf16>
          %parallel_loop3A_334 = arith.constant 16 : i32
          %parallel_loop3A_335 = vector.broadcast %parallel_loop3A_334 : i32 to vector<16xi32>
          %parallel_loop3A_336 = arith.shrui %parallel_loop3A_309, %parallel_loop3A_335 : vector<16xi32>
          %parallel_loop3A_337 = arith.constant -65536 : i32
          %parallel_loop3A_338 = vector.broadcast %parallel_loop3A_337 : i32 to vector<16xi32>
          %parallel_loop3A_339 = arith.andi %parallel_loop3A_309, %parallel_loop3A_338 : vector<16xi32>
          %parallel_loop3A_340 = arith.ori %parallel_loop3A_336, %parallel_loop3A_339 : vector<16xi32>
          %parallel_loop3A_341 = vector.bitcast %parallel_loop3A_340 : vector<16xi32> to vector<32xbf16>
          %parallel_loop3A_342 = tpu.vector_load_idx %arg14[%parallel_loop3A_302] : memref<8192xi32, #tpu.memory_space<vmem>>[vector<16xi32>], vector<16xi32>,
          %parallel_loop3A_343 = vector.bitcast %parallel_loop3A_342 : vector<16xi32> to vector<32xbf16>
          %parallel_loop3A_344 = tpu.vector_load_idx %arg14[%parallel_loop3A_305] : memref<8192xi32, #tpu.memory_space<vmem>>[vector<16xi32>], vector<16xi32>,
          %parallel_loop3A_345 = vector.bitcast %parallel_loop3A_344 : vector<16xi32> to vector<32xbf16>
          %parallel_loop3A_346 = arith.mulf %parallel_loop3A_325, %parallel_loop3A_343 : vector<32xbf16>
          %parallel_loop3A_347 = arith.addf %parallel_loop3A_317, %parallel_loop3A_346 : vector<32xbf16>
          %parallel_loop3A_348 = arith.mulf %parallel_loop3A_341, %parallel_loop3A_343 : vector<32xbf16>
          %parallel_loop3A_349 = arith.addf %parallel_loop3A_333, %parallel_loop3A_348 : vector<32xbf16>
          %parallel_loop3A_350 = arith.mulf %parallel_loop3A_349, %parallel_loop3A_345 : vector<32xbf16>
          %parallel_loop3A_351 = arith.addf %parallel_loop3A_347, %parallel_loop3A_350 : vector<32xbf16>
          %parallel_loop3A_352 = tpu.unpack_subelements %parallel_loop3A_351, 0 {pack_format = #tpu.pack_format<interleaved>} : vector<32xbf16> -> vector<16xf32>
          %parallel_loop3A_353 = tpu.unpack_subelements %parallel_loop3A_351, 1 {pack_format = #tpu.pack_format<interleaved>} : vector<32xbf16> -> vector<16xf32>
          %parallel_loop3A_354 = arith.constant 16 : i32
          %parallel_loop3A_355 = arith.muli %parallel_loop3A_292, %parallel_loop3A_354 : i32
          %parallel_loop3A_356 = arith.constant 0 : i32
          %parallel_loop3A_357 = arith.index_cast %parallel_loop3A_356 : i32 to index
          %parallel_loop3A_358 = arith.index_cast %parallel_loop3A_355 : i32 to index
          %parallel_loop3A_359 = tpu.vector_load %arg19[%parallel_loop3A_357, %parallel_loop3A_358] {strides = array<i32>} : memref<8x256xf32, #tpu.memory_space<vmem>>, vector<16xf32>,
          tpu.vector_store %arg19[%parallel_loop3A_357, %parallel_loop3A_358], %parallel_loop3A_352 {strides = array<i32>} : memref<8x256xf32, #tpu.memory_space<vmem>>, vector<16xf32>,
          %parallel_loop3A_360 = arith.constant 16 : i32
          %parallel_loop3A_361 = arith.muli %parallel_loop3A_292, %parallel_loop3A_360 : i32
          %parallel_loop3A_362 = arith.constant 4 : i32
          %parallel_loop3A_363 = arith.index_cast %parallel_loop3A_362 : i32 to index
          %parallel_loop3A_364 = arith.index_cast %parallel_loop3A_361 : i32 to index
          %parallel_loop3A_365 = tpu.vector_load %arg19[%parallel_loop3A_363, %parallel_loop3A_364] {strides = array<i32>} : memref<8x256xf32, #tpu.memory_space<vmem>>, vector<16xf32>,
          tpu.vector_store %arg19[%parallel_loop3A_363, %parallel_loop3A_364], %parallel_loop3A_353 {strides = array<i32>} : memref<8x256xf32, #tpu.memory_space<vmem>>, vector<16xf32>,
          %parallel_loop3A_366 = tpu.vector_load_idx %arg15[%parallel_loop3A_302] : memref<8192xi32, #tpu.memory_space<vmem>>[vector<16xi32>], vector<16xi32>,
          %parallel_loop3A_367 = vector.bitcast %parallel_loop3A_366 : vector<16xi32> to vector<32xbf16>
          %parallel_loop3A_368 = tpu.vector_load_idx %arg15[%parallel_loop3A_305] : memref<8192xi32, #tpu.memory_space<vmem>>[vector<16xi32>], vector<16xi32>,
          %parallel_loop3A_369 = vector.bitcast %parallel_loop3A_368 : vector<16xi32> to vector<32xbf16>
          %parallel_loop3A_370 = arith.mulf %parallel_loop3A_325, %parallel_loop3A_367 : vector<32xbf16>
          %parallel_loop3A_371 = arith.addf %parallel_loop3A_317, %parallel_loop3A_370 : vector<32xbf16>
          %parallel_loop3A_372 = arith.mulf %parallel_loop3A_341, %parallel_loop3A_367 : vector<32xbf16>
          %parallel_loop3A_373 = arith.addf %parallel_loop3A_333, %parallel_loop3A_372 : vector<32xbf16>
          %parallel_loop3A_374 = arith.mulf %parallel_loop3A_373, %parallel_loop3A_369 : vector<32xbf16>
          %parallel_loop3A_375 = arith.addf %parallel_loop3A_371, %parallel_loop3A_374 : vector<32xbf16>
          %parallel_loop3A_376 = tpu.unpack_subelements %parallel_loop3A_375, 0 {pack_format = #tpu.pack_format<interleaved>} : vector<32xbf16> -> vector<16xf32>
          %parallel_loop3A_377 = tpu.unpack_subelements %parallel_loop3A_375, 1 {pack_format = #tpu.pack_format<interleaved>} : vector<32xbf16> -> vector<16xf32>
          %parallel_loop3A_378 = arith.constant 16 : i32
          %parallel_loop3A_379 = arith.muli %parallel_loop3A_292, %parallel_loop3A_378 : i32
          %parallel_loop3A_380 = arith.constant 1 : i32
          %parallel_loop3A_381 = arith.index_cast %parallel_loop3A_380 : i32 to index
          %parallel_loop3A_382 = arith.index_cast %parallel_loop3A_379 : i32 to index
          %parallel_loop3A_383 = tpu.vector_load %arg19[%parallel_loop3A_381, %parallel_loop3A_382] {strides = array<i32>} : memref<8x256xf32, #tpu.memory_space<vmem>>, vector<16xf32>,
          tpu.vector_store %arg19[%parallel_loop3A_381, %parallel_loop3A_382], %parallel_loop3A_376 {strides = array<i32>} : memref<8x256xf32, #tpu.memory_space<vmem>>, vector<16xf32>,
          %parallel_loop3A_384 = arith.constant 16 : i32
          %parallel_loop3A_385 = arith.muli %parallel_loop3A_292, %parallel_loop3A_384 : i32
          %parallel_loop3A_386 = arith.constant 5 : i32
          %parallel_loop3A_387 = arith.index_cast %parallel_loop3A_386 : i32 to index
          %parallel_loop3A_388 = arith.index_cast %parallel_loop3A_385 : i32 to index
          %parallel_loop3A_389 = tpu.vector_load %arg19[%parallel_loop3A_387, %parallel_loop3A_388] {strides = array<i32>} : memref<8x256xf32, #tpu.memory_space<vmem>>, vector<16xf32>,
          tpu.vector_store %arg19[%parallel_loop3A_387, %parallel_loop3A_388], %parallel_loop3A_377 {strides = array<i32>} : memref<8x256xf32, #tpu.memory_space<vmem>>, vector<16xf32>,
          %parallel_loop3A_390 = tpu.vector_load_idx %arg16[%parallel_loop3A_302] : memref<8192xi32, #tpu.memory_space<vmem>>[vector<16xi32>], vector<16xi32>,
          %parallel_loop3A_391 = vector.bitcast %parallel_loop3A_390 : vector<16xi32> to vector<32xbf16>
          %parallel_loop3A_392 = tpu.vector_load_idx %arg16[%parallel_loop3A_305] : memref<8192xi32, #tpu.memory_space<vmem>>[vector<16xi32>], vector<16xi32>,
          %parallel_loop3A_393 = vector.bitcast %parallel_loop3A_392 : vector<16xi32> to vector<32xbf16>
          %parallel_loop3A_394 = arith.mulf %parallel_loop3A_325, %parallel_loop3A_391 : vector<32xbf16>
          %parallel_loop3A_395 = arith.addf %parallel_loop3A_317, %parallel_loop3A_394 : vector<32xbf16>
          %parallel_loop3A_396 = arith.mulf %parallel_loop3A_341, %parallel_loop3A_391 : vector<32xbf16>
          %parallel_loop3A_397 = arith.addf %parallel_loop3A_333, %parallel_loop3A_396 : vector<32xbf16>
          %parallel_loop3A_398 = arith.mulf %parallel_loop3A_397, %parallel_loop3A_393 : vector<32xbf16>
          %parallel_loop3A_399 = arith.addf %parallel_loop3A_395, %parallel_loop3A_398 : vector<32xbf16>
          %parallel_loop3A_400 = tpu.unpack_subelements %parallel_loop3A_399, 0 {pack_format = #tpu.pack_format<interleaved>} : vector<32xbf16> -> vector<16xf32>
          %parallel_loop3A_401 = tpu.unpack_subelements %parallel_loop3A_399, 1 {pack_format = #tpu.pack_format<interleaved>} : vector<32xbf16> -> vector<16xf32>
          %parallel_loop3A_402 = arith.constant 16 : i32
          %parallel_loop3A_403 = arith.muli %parallel_loop3A_292, %parallel_loop3A_402 : i32
          %parallel_loop3A_404 = arith.constant 2 : i32
          %parallel_loop3A_405 = arith.index_cast %parallel_loop3A_404 : i32 to index
          %parallel_loop3A_406 = arith.index_cast %parallel_loop3A_403 : i32 to index
          %parallel_loop3A_407 = tpu.vector_load %arg19[%parallel_loop3A_405, %parallel_loop3A_406] {strides = array<i32>} : memref<8x256xf32, #tpu.memory_space<vmem>>, vector<16xf32>,
          tpu.vector_store %arg19[%parallel_loop3A_405, %parallel_loop3A_406], %parallel_loop3A_400 {strides = array<i32>} : memref<8x256xf32, #tpu.memory_space<vmem>>, vector<16xf32>,
          %parallel_loop3A_408 = arith.constant 16 : i32
          %parallel_loop3A_409 = arith.muli %parallel_loop3A_292, %parallel_loop3A_408 : i32
          %parallel_loop3A_410 = arith.constant 6 : i32
          %parallel_loop3A_411 = arith.index_cast %parallel_loop3A_410 : i32 to index
          %parallel_loop3A_412 = arith.index_cast %parallel_loop3A_409 : i32 to index
          %parallel_loop3A_413 = tpu.vector_load %arg19[%parallel_loop3A_411, %parallel_loop3A_412] {strides = array<i32>} : memref<8x256xf32, #tpu.memory_space<vmem>>, vector<16xf32>,
          tpu.vector_store %arg19[%parallel_loop3A_411, %parallel_loop3A_412], %parallel_loop3A_401 {strides = array<i32>} : memref<8x256xf32, #tpu.memory_space<vmem>>, vector<16xf32>,
          %parallel_loop3A_414 = tpu.vector_load_idx %arg17[%parallel_loop3A_302] : memref<8192xi32, #tpu.memory_space<vmem>>[vector<16xi32>], vector<16xi32>,
          %parallel_loop3A_415 = vector.bitcast %parallel_loop3A_414 : vector<16xi32> to vector<32xbf16>
          %parallel_loop3A_416 = tpu.vector_load_idx %arg17[%parallel_loop3A_305] : memref<8192xi32, #tpu.memory_space<vmem>>[vector<16xi32>], vector<16xi32>,
          %parallel_loop3A_417 = vector.bitcast %parallel_loop3A_416 : vector<16xi32> to vector<32xbf16>
          %parallel_loop3A_418 = arith.mulf %parallel_loop3A_325, %parallel_loop3A_415 : vector<32xbf16>
          %parallel_loop3A_419 = arith.addf %parallel_loop3A_317, %parallel_loop3A_418 : vector<32xbf16>
          %parallel_loop3A_420 = arith.mulf %parallel_loop3A_341, %parallel_loop3A_415 : vector<32xbf16>
          %parallel_loop3A_421 = arith.addf %parallel_loop3A_333, %parallel_loop3A_420 : vector<32xbf16>
          %parallel_loop3A_422 = arith.mulf %parallel_loop3A_421, %parallel_loop3A_417 : vector<32xbf16>
          %parallel_loop3A_423 = arith.addf %parallel_loop3A_419, %parallel_loop3A_422 : vector<32xbf16>
          %parallel_loop3A_424 = tpu.unpack_subelements %parallel_loop3A_423, 0 {pack_format = #tpu.pack_format<interleaved>} : vector<32xbf16> -> vector<16xf32>
          %parallel_loop3A_425 = tpu.unpack_subelements %parallel_loop3A_423, 1 {pack_format = #tpu.pack_format<interleaved>} : vector<32xbf16> -> vector<16xf32>
          %parallel_loop3A_426 = arith.constant 16 : i32
          %parallel_loop3A_427 = arith.muli %parallel_loop3A_292, %parallel_loop3A_426 : i32
          %parallel_loop3A_428 = arith.constant 3 : i32
          %parallel_loop3A_429 = arith.index_cast %parallel_loop3A_428 : i32 to index
          %parallel_loop3A_430 = arith.index_cast %parallel_loop3A_427 : i32 to index
          %parallel_loop3A_431 = tpu.vector_load %arg19[%parallel_loop3A_429, %parallel_loop3A_430] {strides = array<i32>} : memref<8x256xf32, #tpu.memory_space<vmem>>, vector<16xf32>,
          tpu.vector_store %arg19[%parallel_loop3A_429, %parallel_loop3A_430], %parallel_loop3A_424 {strides = array<i32>} : memref<8x256xf32, #tpu.memory_space<vmem>>, vector<16xf32>,
          %parallel_loop3A_432 = arith.constant 16 : i32
          %parallel_loop3A_433 = arith.muli %parallel_loop3A_292, %parallel_loop3A_432 : i32
          %parallel_loop3A_434 = arith.constant 7 : i32
          %parallel_loop3A_435 = arith.index_cast %parallel_loop3A_434 : i32 to index
          %parallel_loop3A_436 = arith.index_cast %parallel_loop3A_433 : i32 to index
          %parallel_loop3A_437 = tpu.vector_load %arg19[%parallel_loop3A_435, %parallel_loop3A_436] {strides = array<i32>} : memref<8x256xf32, #tpu.memory_space<vmem>>, vector<16xf32>,
          tpu.vector_store %arg19[%parallel_loop3A_435, %parallel_loop3A_436], %parallel_loop3A_425 {strides = array<i32>} : memref<8x256xf32, #tpu.memory_space<vmem>>, vector<16xf32>,
        } {sc.loop_unroll_factor = 2 : i64, sc.parallel_access}
        %mul3A_270 = arith.constant 256 : i32
        %mul3A_271 = arith.muli %add3A_246, %mul3A_270 : i32
        %dma_start3A_272 = arith.constant 0 : i32
        %dma_start3A_273 = arith.constant 0 : i32
        %dma_start3A_274 = tpu.memref_slice %arg19[%dma_start3A_272, %dma_start3A_273] : memref<8x256xf32, #tpu.memory_space<vmem>> -> memref<4x256xf32, #tpu.memory_space<vmem>>
        %dma_start3A_275 = tpu.memref_slice %arg6[%add3A_158, %mul3A_271] : memref<4096x16384xf32, #tpu.memory_space<hbm>> -> memref<4x256xf32, #tpu.memory_space<hbm>>
        %dma_start3A_276 = tpu.memref_slice %arg6[%add3A_158, %mul3A_271] : memref<4096x16384xf32, #tpu.memory_space<hbm>> -> memref<4x256xf32, #tpu.memory_space<hbm>>
        %dma_start3A_277 = arith.constant 0 : i32
        %dma_start3A_278 = arith.constant 0 : i32
        %dma_start3A_279 = tpu.memref_slice %arg19[%dma_start3A_277, %dma_start3A_278] : memref<8x256xf32, #tpu.memory_space<vmem>> -> memref<4x256xf32, #tpu.memory_space<vmem>>
        tpu.enqueue_dma source(%dma_start3A_279 : memref<4x256xf32, #tpu.memory_space<vmem>>) target(%dma_start3A_276 : memref<4x256xf32, #tpu.memory_space<hbm>>) target_semaphore(%arg23 : memref<!tpu.dma_semaphore, #tpu.memory_space<semaphore_mem>>)
        %add3A_280 = arith.constant 2048 : i32
        %add3A_281 = arith.addi %add3A_280, %add3A_158 : i32
        %mul3A_282 = arith.constant 256 : i32
        %mul3A_283 = arith.muli %add3A_246, %mul3A_282 : i32
        %dma_start3A_284 = arith.constant 4 : i32
        %dma_start3A_285 = arith.constant 0 : i32
        %dma_start3A_286 = tpu.memref_slice %arg19[%dma_start3A_284, %dma_start3A_285] : memref<8x256xf32, #tpu.memory_space<vmem>> -> memref<4x256xf32, #tpu.memory_space<vmem>>
        %dma_start3A_287 = tpu.memref_slice %arg6[%add3A_281, %mul3A_283] : memref<4096x16384xf32, #tpu.memory_space<hbm>> -> memref<4x256xf32, #tpu.memory_space<hbm>>
        %dma_start3A_288 = tpu.memref_slice %arg6[%add3A_281, %mul3A_283] : memref<4096x16384xf32, #tpu.memory_space<hbm>> -> memref<4x256xf32, #tpu.memory_space<hbm>>
        %dma_start3A_289 = arith.constant 4 : i32
        %dma_start3A_290 = arith.constant 0 : i32
        %dma_start3A_291 = tpu.memref_slice %arg19[%dma_start3A_289, %dma_start3A_290] : memref<8x256xf32, #tpu.memory_space<vmem>> -> memref<4x256xf32, #tpu.memory_space<vmem>>
        tpu.enqueue_dma source(%dma_start3A_291 : memref<4x256xf32, #tpu.memory_space<vmem>>) target(%dma_start3A_288 : memref<4x256xf32, #tpu.memory_space<hbm>>) target_semaphore(%arg23 : memref<!tpu.dma_semaphore, #tpu.memory_space<semaphore_mem>>)
      }
      %scan3A_193 = arith.constant 32 : i32
    }
    %scan3A_37 = arith.constant 8 : i32
    %dma_wait3A = arith.constant 0 : i32
    %dma_wait3A_38 = arith.constant 0 : i32
    %dma_wait3A_39 = tpu.memref_slice %arg18[%dma_wait3A, %dma_wait3A_38] : memref<8x256xf32, #tpu.memory_space<vmem>> -> memref<4x256xf32, #tpu.memory_space<vmem>>
    %dma_wait3A_40 = arith.constant 0 : i32
    %dma_wait3A_41 = tpu.memref_slice %arg6[%mul3A_2, %dma_wait3A_40] : memref<4096x16384xf32, #tpu.memory_space<hbm>> -> memref<4x256xf32, #tpu.memory_space<hbm>>
    %dma_wait3A_42 = arith.constant 0 : i32
    %dma_wait3A_43 = tpu.memref_slice %arg6[%mul3A_2, %dma_wait3A_42] : memref<4096x16384xf32, #tpu.memory_space<hbm>> -> memref<4x256xf32, #tpu.memory_space<hbm>>
    %dma_wait3A_44 = arith.constant 0 : i32
    %dma_wait3A_45 = arith.constant 0 : i32
    %dma_wait3A_46 = tpu.memref_slice %arg18[%dma_wait3A_44, %dma_wait3A_45] : memref<8x256xf32, #tpu.memory_space<vmem>> -> memref<4x256xf32, #tpu.memory_space<vmem>>
    tpu.wait_dma2 semaphore(%arg22 : memref<!tpu.dma_semaphore, #tpu.memory_space<semaphore_mem>>) src(%dma_wait3A_46 : memref<4x256xf32, #tpu.memory_space<vmem>>) dst(%dma_wait3A_43 : memref<4x256xf32, #tpu.memory_space<hbm>>)
    %dma_wait3A_47 = arith.constant 0 : i32
    %dma_wait3A_48 = arith.constant 0 : i32
    %dma_wait3A_49 = tpu.memref_slice %arg18[%dma_wait3A_47, %dma_wait3A_48] : memref<8x256xf32, #tpu.memory_space<vmem>> -> memref<4x256xf32, #tpu.memory_space<vmem>>
    %dma_wait3A_50 = arith.constant 0 : i32
    %dma_wait3A_51 = tpu.memref_slice %arg6[%mul3A_2, %dma_wait3A_50] : memref<4096x16384xf32, #tpu.memory_space<hbm>> -> memref<4x256xf32, #tpu.memory_space<hbm>>
    %dma_wait3A_52 = arith.constant 0 : i32
    %dma_wait3A_53 = tpu.memref_slice %arg6[%mul3A_2, %dma_wait3A_52] : memref<4096x16384xf32, #tpu.memory_space<hbm>> -> memref<4x256xf32, #tpu.memory_space<hbm>>
    %dma_wait3A_54 = arith.constant 0 : i32
    %dma_wait3A_55 = arith.constant 0 : i32
    %dma_wait3A_56 = tpu.memref_slice %arg18[%dma_wait3A_54, %dma_wait3A_55] : memref<8x256xf32, #tpu.memory_space<vmem>> -> memref<4x256xf32, #tpu.memory_space<vmem>>
    tpu.wait_dma2 semaphore(%arg22 : memref<!tpu.dma_semaphore, #tpu.memory_space<semaphore_mem>>) src(%dma_wait3A_56 : memref<4x256xf32, #tpu.memory_space<vmem>>) dst(%dma_wait3A_53 : memref<4x256xf32, #tpu.memory_space<hbm>>)
    %dma_wait3A_57 = arith.constant 0 : i32
    %dma_wait3A_58 = arith.constant 0 : i32
    %dma_wait3A_59 = tpu.memref_slice %arg19[%dma_wait3A_57, %dma_wait3A_58] : memref<8x256xf32, #tpu.memory_space<vmem>> -> memref<4x256xf32, #tpu.memory_space<vmem>>
    %dma_wait3A_60 = arith.constant 0 : i32
    %dma_wait3A_61 = tpu.memref_slice %arg6[%mul3A_2, %dma_wait3A_60] : memref<4096x16384xf32, #tpu.memory_space<hbm>> -> memref<4x256xf32, #tpu.memory_space<hbm>>
    %dma_wait3A_62 = arith.constant 0 : i32
    %dma_wait3A_63 = tpu.memref_slice %arg6[%mul3A_2, %dma_wait3A_62] : memref<4096x16384xf32, #tpu.memory_space<hbm>> -> memref<4x256xf32, #tpu.memory_space<hbm>>
    %dma_wait3A_64 = arith.constant 0 : i32
    %dma_wait3A_65 = arith.constant 0 : i32
    %dma_wait3A_66 = tpu.memref_slice %arg19[%dma_wait3A_64, %dma_wait3A_65] : memref<8x256xf32, #tpu.memory_space<vmem>> -> memref<4x256xf32, #tpu.memory_space<vmem>>
    tpu.wait_dma2 semaphore(%arg23 : memref<!tpu.dma_semaphore, #tpu.memory_space<semaphore_mem>>) src(%dma_wait3A_66 : memref<4x256xf32, #tpu.memory_space<vmem>>) dst(%dma_wait3A_63 : memref<4x256xf32, #tpu.memory_space<hbm>>)
    %dma_wait3A_67 = arith.constant 0 : i32
    %dma_wait3A_68 = arith.constant 0 : i32
    %dma_wait3A_69 = tpu.memref_slice %arg19[%dma_wait3A_67, %dma_wait3A_68] : memref<8x256xf32, #tpu.memory_space<vmem>> -> memref<4x256xf32, #tpu.memory_space<vmem>>
    %dma_wait3A_70 = arith.constant 0 : i32
    %dma_wait3A_71 = tpu.memref_slice %arg6[%mul3A_2, %dma_wait3A_70] : memref<4096x16384xf32, #tpu.memory_space<hbm>> -> memref<4x256xf32, #tpu.memory_space<hbm>>
    %dma_wait3A_72 = arith.constant 0 : i32
    %dma_wait3A_73 = tpu.memref_slice %arg6[%mul3A_2, %dma_wait3A_72] : memref<4096x16384xf32, #tpu.memory_space<hbm>> -> memref<4x256xf32, #tpu.memory_space<hbm>>
    %dma_wait3A_74 = arith.constant 0 : i32
    %dma_wait3A_75 = arith.constant 0 : i32
    %dma_wait3A_76 = tpu.memref_slice %arg19[%dma_wait3A_74, %dma_wait3A_75] : memref<8x256xf32, #tpu.memory_space<vmem>> -> memref<4x256xf32, #tpu.memory_space<vmem>>
    tpu.wait_dma2 semaphore(%arg23 : memref<!tpu.dma_semaphore, #tpu.memory_space<semaphore_mem>>) src(%dma_wait3A_76 : memref<4x256xf32, #tpu.memory_space<vmem>>) dst(%dma_wait3A_73 : memref<4x256xf32, #tpu.memory_space<hbm>>)
    return
  }
}

</mosaic_0001>

<sc_bundles>
// kernel: _run_sc.3.cloned.1.call-start
scs
__scs_entry_jumppad:
0x0: {  	(pc) =	sbr.rel $0x88, $3  }
0x1: {  	(tag) =	ssettag $0x0;
	lr =	simm.s32 $0x1  }
0x2: {  	[smem:$0x3F9D] =	sst lr;
	_ =	strace $0xD0000000  }
0x3: {  	_ = 	snop  }
0x4: {  	_ = 	snop  }
0x5: {  	_ = 	snop  }
0x6: {  	_ = 	snop  }
0x7: {  	_ = 	snop  }
__scs_overlays_trampoline_lowered:
0x8: {  	[smem:$0x3FAC] =	sst s0  }
0x9: {  	[smem:$0x3FAD] =	sst s1  }
0xa: {  	[smem:$0x3FAE] =	sst s2  }
0xb: {  	[smem:$0x3FAF] =	sst s3  }
0xc: {  	[smem:$0x3FB0] =	sst s4  }
0xd: {  	[smem:$0x3FB1] =	sst s5  }
0xe: {  	[smem:$0x3FB2] =	sst s6  }
0xf: {  	[smem:$0x3FB3] =	sst s7  }
0x10: {  	[smem:$0x3FB4] =	sst s8  }
0x11: {  	[smem:$0x3FB5] =	sst s9;
	s0 =	simm.s32 @!p0 $0x0  }
0x12: {  	s1 =	sld [smem:$0x3F9B];
	s0 =	simm.s32 @p0 $0x1  }
0x13: {  	[smem:$0x3FB6] =	sst s0;
	s0 =	simm.s32 @!p1 $0x0  }
0x14: {  	s2 =	sld [smem:$0x3F9A];
	s0 =	simm.s32 @p1 $0x1  }
0x15: {  	[smem:$0x3FB7] =	sst s0;
	s0 =	simm.s32 @!p2 $0x0  }
0x16: {  	s3 =	sld [smem:$0x3FDB];
	s0 =	simm.s32 @p2 $0x1  }
0x17: {  	s4 =	simm.s32 $0x1BF5;
	[smem:$0x3FB9] =	sst s0  }
0x18: {  	s0 =	sld [smem:$0x3F9C];
	_ =	swait.ge [sflag:s4], $0x0  }
0x19: {  	s7 =	sld [smem:$0x3F9D]  }
0x1a: {  	s8 =	sadd.s32 $0xFFFFE003, lr  }
0x1b: {  	s9 =	sadd.s32 $0xFFFFFEF7, lr;
	s5 =	simm.s32 $0xFFFFFFFF;
	p2 =	slt.u32 s8, $0xFFFFF086  }
0x1c: {  	p1 =	slt.u32 s9, $0xF7A;
	s5 =	simm.s32 @!p2 $0x0  }
0x1d: {  	s5 =	simm.s32 @p1 $0x1;
	p0 =	seq.s32 s7, s2  }
0x1e: {  	s7 =	smul.u32 @!p0 $0xF7A, s2;
	p2 =	seq.s32 @!p0 s5, $0x0  }
0x1f: {  	s9 =	smul.u32 $0xF7A, s1;
	s8 =	simm.s32 @!p0 $0x1BF5;
	p2 =	por !p2, p0  }
0x20: {  	[sflag:s8] =	ssyncset.s32 @!p0 $0xFFFFF086;
	s6 =	sadd.s32 @!p0 s3, s7;
	s7 =	simm.s32 @!p0 $0x108  }
0x21: {  	s3 =	sadd.s32 s3, s9;
	s6 =	sadd.s32 @!p0 $0x88, s6;
	s7 =	simm.s32 @p2 $0x1082  }
0x22: {  	[simem:s7], [sflag:s8] =	dma.local @!p0 [hbm:s6], $0xF7A  }
0x23: {  	s9 =	sor.u32 $0xD0000000, s2;
	s6 =	simm.s32 $0x108;
	_ =	swait.ge @!p0 [sflag:s8], $0x0  }
0x24: {  	s3 =	sadd.s32 $0x88, s3;
	s6 =	simm.s32 @!p1 $0x1082;
	[sflag:s4] =	ssyncset.s32 $0xFFFFF086  }
0x25: {  	[simem:s6], [sflag:s4] =	dma.local [hbm:s3], $0xF7A  }
0x26: {  	[smem:$0x3F9D] =	sst s1;
	(tag) =	ssettag s2;
	_ =	strace s9  }
0x27: {  	s1 =	sld [smem:$0x3FAD]  }
0x28: {  	s2 =	sld [smem:$0x3FAE]  }
0x29: {  	s4 =	sld [smem:$0x3FB0]  }
0x2a: {  	p0 =	seq.s32 s5, $0x0;
	s5 =	sld [smem:$0x3FB1]  }
0x2b: {  	s6 =	sld [smem:$0x3FB2]  }
0x2c: {  	s7 =	sld [smem:$0x3FB3]  }
0x2d: {  	s3 =	simm.s32 $0x108;
	s8 =	sld [smem:$0x3FB4]  }
0x2e: {  	s3 =	simm.s32 @!p0 $0x1082;
	s9 =	sld [smem:$0x3FB5]  }
0x2f: {  	lr =	sadd.s32 s0, s3;
	s0 =	sld [smem:$0x3FAC]  }
0x30: {  	s3 =	sld [smem:$0x3FAF]  }
0x31: {  	[smem:$0x3FB8] =	sst s10  }
0x32: {  	s10 =	sld [smem:$0x3FB6];
	_ =	sdelay $0x3  }
0x33: {  	p0 =	seq.s32 s10, $0x1;
	s10 =	sld [smem:$0x3FB8];
	_ =	sdelay $0x3  }
0x34: {  	[smem:$0x3FB8] =	sst s10  }
0x35: {  	s10 =	sld [smem:$0x3FB7];
	_ =	sdelay $0x3  }
0x36: {  	p1 =	seq.s32 s10, $0x1;
	s10 =	sld [smem:$0x3FB8];
	_ =	sdelay $0x3  }
0x37: {  	[smem:$0x3FB8] =	sst s10  }
0x38: {  	s10 =	sld [smem:$0x3FB9]  }
0x39: {  	_ = 	snop;
	(pc) =	sbr.ind lr, $3  }
0x3a: {  	_ = 	snop  }
0x3b: {  	_ = 	snop  }
0x3c: {  	p2 =	seq.s32 s10, $0x1;
	s10 =	sld [smem:$0x3FB8]  }
0x3d: {  	_ =	shalt  }
0x3e: {  	_ =	shalt  }
0x3f: {  	_ =	shalt  }
0x40: {  	_ =	shalt  }
0x41: {  	_ =	shalt  }
0x42: {  	_ =	shalt  }
0x43: {  	_ =	shalt  }
0x44: {  	_ =	shalt  }
0x45: {  	_ =	shalt  }
0x46: {  	_ =	shalt  }
0x47: {  	_ =	shalt  }
0x48: {  	_ =	shalt  }
0x49: {  	_ =	shalt  }
0x4a: {  	_ =	shalt  }
0x4b: {  	_ =	shalt  }
0x4c: {  	_ =	shalt  }
0x4d: {  	_ =	shalt  }
0x4e: {  	_ =	shalt  }
0x4f: {  	_ =	shalt  }
0x50: {  	_ =	shalt  }
0x51: {  	_ =	shalt  }
0x52: {  	_ =	shalt  }
0x53: {  	_ =	shalt  }
0x54: {  	_ =	shalt  }
0x55: {  	_ =	shalt  }
0x56: {  	_ =	shalt  }
0x57: {  	_ =	shalt  }
0x58: {  	_ =	shalt  }
0x59: {  	_ =	shalt  }
0x5a: {  	_ =	shalt  }
0x5b: {  	_ =	shalt  }
0x5c: {  	_ =	shalt  }
0x5d: {  	_ =	shalt  }
0x5e: {  	_ =	shalt  }
0x5f: {  	_ =	shalt  }
0x60: {  	_ =	shalt  }
0x61: {  	_ =	shalt  }
0x62: {  	_ =	shalt  }
0x63: {  	_ =	shalt  }
0x64: {  	_ =	shalt  }
0x65: {  	_ =	shalt  }
0x66: {  	_ =	shalt  }
0x67: {  	_ =	shalt  }
0x68: {  	_ =	shalt  }
0x69: {  	_ =	shalt  }
0x6a: {  	_ =	shalt  }
0x6b: {  	_ =	shalt  }
0x6c: {  	_ =	shalt  }
0x6d: {  	_ =	shalt  }
0x6e: {  	_ =	shalt  }
0x6f: {  	_ =	shalt  }
0x70: {  	_ =	shalt  }
0x71: {  	_ =	shalt  }
0x72: {  	_ =	shalt  }
0x73: {  	_ =	shalt  }
0x74: {  	_ =	shalt  }
0x75: {  	_ =	shalt  }
0x76: {  	_ =	shalt  }
0x77: {  	_ =	shalt  }
0x78: {  	_ =	shalt  }
0x79: {  	_ =	shalt  }
0x7a: {  	_ =	shalt  }
0x7b: {  	_ =	shalt  }
0x7c: {  	_ =	shalt  }
0x7d: {  	_ =	shalt  }
0x7e: {  	_ =	shalt  }
0x7f: {  	_ =	shalt  }
0x80: {  	_ =	shalt  }
0x81: {  	_ =	shalt  }
0x82: {  	_ =	shalt  }
0x83: {  	_ =	shalt  }
0x84: {  	_ =	shalt  }
0x85: {  	_ =	shalt  }
0x86: {  	_ =	shalt  }
0x87: {  	_ =	shalt  }
.Lfunc_end0:
.L_simem_size_0:
called_computation_lowered:
.L_overlay_start_0:
0x88: {  	s2 =	sld [smem:$0x3FD9]  }
0x89: {  	s3 =	sld [smem:$0x3FFE];
	_ =	sdelay $0x1  }
0x8a: {  	s1 =	srdreg.scid  }
0x8b: {  	s0 =	sand.u32 $0x1, s1  }
0x8c: {  	s18 =	sshll.u32 s0, $0xA;
	s2 =	sadd.s32 s3, s2  }
0x8d: {  	s2 =	sadd.s32 s2, s18  }
0x8e: {  	[smem:$0x3FC4] =	sst s2  }
0x8f: {  	_ = 	snop  }
0x90: {  	s2 =	sld [smem:$0x3FC9]  }
0x91: {  	s19 =	sld [smem:$0x3FC8]  }
0x92: {  	s4 =	sld [smem:$0x3FC7]  }
0x93: {  	s5 =	sld [smem:$0x3FC6]  }
0x94: {  	s6 =	sld [smem:$0x3FD0];
	(tm) =	ssettm $0x1  }
0x95: {  	s7 =	sld [smem:$0x3FFB];
	_ =	sdelay $0x3  }
0x96: {  	_ =	strace s7  }
0x97: {  	s7 =	sld [smem:$0x3FFC];
	_ =	sdelay $0x3  }
0x98: {  	_ =	strace s7  }
0x99: {  	s7 =	sld [smem:$0x3FFD];
	_ =	sdelay $0x3  }
0x9a: {  	_ =	strace s7  }
0x9b: {  	_ =	strace $0x8FFFFFFF  }
0x9c: {  	s20 =	sld [smem:$0x3FDB];
	_ =	sdelay $0x1  }
0x9d: {  	s8 =	simm.s32 $_scs_section_size  }
0x9e: {  	s9 =	simm.s32 $_size__tile_overlayer_lowered;
	s10 =	simm.s32 $_tile_overlayer_lowered  }
0x9f: {  	s23 =	simm.s32 $0x1BFF;
	s22 =	sshll.u32 s10, $0x1;
	s7 =	sadd.s32 s8, s20  }
0xa0: {  	s11 =	simm.s32 $0x0;
	s21 =	sshll.u32 s9, $0x1;
	s9 =	sadd.s32 s22, s7  }
0xa1: {  	[timem:s11], [sflag:s23] =	dma.local [hbm:s9], s21  }
0xa2: {  	_ =	swait.ge [sflag:s23], s21  }
0xa3: {  	s8 =	ssub.s32 $0x0, s21;
	[sflag:s23] =	ssyncset.done $0x0  }
0xa4: {  	[sflag:s23] =	ssyncadd.s32 s8;
	_ =	sdelay $0x1  }
0xa5: {  	s24 =	simm.s32 $0x1B8B  }
0xa6: {  	_ =	swait.ge [sflag:s24], $0x1  }
0xa7: {  	[sflag:s24] =	ssyncset.done $0x0  }
0xa8: {  	s25 =	simm.s32 $0x1B8E;
	[sflag:s24] =	ssyncadd.s32 $0xFFFFFFFF  }
0xa9: {  	s26 =	simm.s32 $execute0_lowered;
	[smem:$0x3FD2] =	sst s25  }
0xaa: {  	s8 =	sshll.u32 s26, $0x1;
	_ =	strace $0x80000046;
	[dreg:$0x1] =	wrdreg $0xFFFFFFFF  }
0xab: {  	s28 =	simm.s32 $_size_execute0_lowered;
	s7 =	sadd.s32 s7, s8;
	[dreg:$0x0] =	wrdreg $0x0  }
0xac: {  	s8 =	sshll.u32 s28, $0x1;
	[dreg:$0x2] =	wrdreg s7  }
0xad: {  	[dreg:$0x3] =	wrdreg s8  }
0xae: {  	[dreg:$0x4] =	wrdreg $0xC0  }
0xaf: {  	_ =	task [dreg:s11], $0x5FFFF  }
0xb0: {  	[dreg:$0x1] =	wrdreg $0xFFFFFFFF  }
0xb1: {  	[dreg:$0x0] =	wrdreg $0x60  }
0xb2: {  	[dreg:$0x2] =	wrdreg s2  }
0xb3: {  	[dreg:$0x3] =	wrdreg s19  }
0xb4: {  	[dreg:$0x4] =	wrdreg s4  }
0xb5: {  	[dreg:$0x5] =	wrdreg s5  }
0xb6: {  	[dreg:$0x6] =	wrdreg s6  }
0xb7: {  	[dreg:$0x7] =	wrdreg $0x9  }
0xb8: {  	_ =	task.clear_ibuf [dreg:s11], $0x8FFFF;
	_ =	strace $0x90000046  }
0xb9: {  	s29 =	simm.s32 $0x9;
	_ =	strace $0x80000048  }
0xba: {  	_ =	swait.ge [sflag:s29], $0x1  }
0xbb: {  	[sflag:s29] =	ssyncadd.s32 $0xFFFFFFFF  }
0xbc: {  	_ =	strace $0x90000048  }
0xbd: {  	_ =	sfence  }
0xbe: {  	s30 =	sld [smem:$0x0];
	_ =	sdelay $0x2  }
0xbf: {  	s31 =	sshll.u32 s1, $0xD;
	s1 =	sshrl.u32 s1, $0x2  }
0xc0: {  	s3 =	sand.u32 $0x4000, s31;
	s1 =	sadd.s32 s1, s30  }
0xc1: {  	s0 =	sor.u32 s3, s0;
	s1 =	sshll.u32 s1, $0x11  }
0xc2: {  	s0 =	sor.u32 s1, s0  }
0xc3: {  	s0 =	sadd.s32 $0x8F2B, s0  }
0xc4: {  	[sflag:s0] =	ssyncadd.remote.s32 $0x1  }
0xc5: {  	_ =	sfence.sel $0xFFFF  }
0xc6: {  	[dreg:$0x0] =	wrdreg $0xFFFFFFFF;
	(pc) =	sbr.abs _section_cstart, $3  }
0xc7: {  	[dreg:$0x1] =	wrdreg $0xFFFFFFFF  }
0xc8: {  	_ =	task.clear_ibuf [dreg:s11], $0x2FFFF;
	_ =	strace $0x9FFFFFFF  }
0xc9: {  	(tm) =	ssettm $0x7FFFFFFF  }
tec
execute0_lowered:
.L_overlay_start_1:
0x0: {  	(tag) =	ssettag $0x1  }
0x1: {  	s0 =	rddreg [dreg:$0x0];
	s1 =	srdreg.scid  }
0x2: {  	s4 =	rddreg [dreg:$0x4];
	s2 =	stileid.u32;
	s1 =	sand.u32 $0x1, s1  }
0x3: {  	s5 =	simm.s32 $0x0;
	s2 =	sshll.u32 s2, $0x7;
	s3 =	sshll.u32 s1, $0x6  }
0x4: {  	[smem:$0x7FF] =	sst s5;
	s3 =	sor.u32 s3, s2  }
0x5: {  	s20 =	sadd.s32 $0x40, s0;
	[dreg:$0x6] =	wrdreg s3  }
0x6: {  	s21 =	sadd.s32 $0x50, s0;
	_ =	strace $0x80000047;
	[dreg:$0xb] =	wrdreg s20  }
0x7: {  	s22 =	sadd.s32 $0x60, s0;
	[dreg:$0xc] =	wrdreg s21  }
0x8: {  	s23 =	sadd.s32 $0x70, s0;
	[dreg:$0xd] =	wrdreg s22  }
0x9: {  	s30 =	simm.s32 $0xC000;
	s24 =	sadd.s32 $0x1000, s0;
	[dreg:$0xe] =	wrdreg s23  }
0xa: {  	s31 =	simm.s32 $0xE000;
	s25 =	sadd.s32 $0x1010, s0;
	[dreg:$0xf] =	wrdreg s24  }
0xb: {  	s26 =	sadd.s32 $0x1020, s0;
	s28 =	sadd.s32 $0x40, s4;
	[dreg:$0x10] =	wrdreg s25  }
0xc: {  	s1 =	ssub.s32 $0x2, s1;
	s3 =	sshll.u32 s3, $0xA;
	[dreg:$0x11] =	wrdreg s26  }
0xd: {  	s17 =	sshrl.u32 s1, $0x1;
	s18 =	sadd.s32 s0, s3;
	[dreg:$0x13] =	wrdreg s28  }
0xe: {  	s1 =	ssub.s32 s1, s17;
	s0 =	sadd.s32 $0x1030, s0;
	[dreg:$0x7] =	wrdreg s18  }
0xf: {  	s8 =	simm.s32 $0x16000;
	s29 =	smax.u32 s1, $0x1;
	[dreg:$0x12] =	wrdreg s0  }
0x10: {  	s6 =	simm.s32 $0x0;
	s3 =	sadd.s32 $0x10, s18;
	[dreg:$0x14] =	wrdreg s29  }
0x11: {  	s1 =	simm.s32 $0x1A000;
	s19 =	sadd.s32 $0x20, s18;
	[dreg:$0x8] =	wrdreg s3  }
0x12: {  	s2 =	sadd.s32 $0x30, s18;
	s0 =	simm.s32 $0x14000;
	[dreg:$0x9] =	wrdreg s19  }
0x13: {  	[dreg:$0xa] =	wrdreg s2;
	s2 =	simm.s32 $0x12000;
	s3 =	simm.s32 $0x18000  }
.LBB2_1:
0x14: {  	[dreg:$0x15] =	wrdreg s6  }
0x15: {  	s4 =	rddreg [dreg:$0x1];
	s5 =	simm.s32 $0x0;
	s18 =	simm.s32 $0x5  }
0x16: {  	[tilespmem:s5], [sflag:$0x5] =	stream.linear.gather [hbm4b:s4+s5], $0x4000, $0x38;
	[tilespmem:$0x1D000] =	vst v63  }
0x17: {  	_ =	swait.ge [sflag:s18], $0x4000  }
0x18: {  	[sflag:s18] =	ssyncset.done $0x0  }
0x19: {  	[sflag:s18] =	ssyncadd.s32 $0xFFFFC000  }
0x1a: {  	s7 =	simm.s32 $0x4000;
	s19 =	rddreg [dreg:$0x2]  }
0x1b: {  	[tilespmem:s7], [sflag:$0x5] =	stream.linear.gather [hbm4b:s19+s5], $0x4000, $0x38;
	[tilespmem:$0x1D000] =	vst v63  }
0x1c: {  	_ =	swait.ge [sflag:s18], $0x4000  }
0x1d: {  	[sflag:s18] =	ssyncset.done $0x0  }
0x1e: {  	[sflag:s18] =	ssyncadd.s32 $0xFFFFC000  }
0x1f: {  	s21 =	simm.s32 $0x8000;
	s20 =	rddreg [dreg:$0x3]  }
0x20: {  	[tilespmem:s21], [sflag:$0x5] =	stream.linear.gather [hbm4b:s20+s5], $0x4000, $0x38;
	[tilespmem:$0x1D000] =	vst v63  }
0x21: {  	_ =	swait.ge [sflag:s18], $0x4000  }
0x22: {  	s23 =	simm.s32 $0x80;
	[sflag:s18] =	ssyncset.done $0x0  }
0x23: {  	s24 =	simm.s32 $0x400;
	s22 =	rddreg [dreg:$0x7];
	[sflag:s18] =	ssyncadd.s32 $0xFFFFC000  }
0x24: {  	[tilespmem:s30], [sflag:$0x1] =	stream.strided.gather [hbm4b:s22+s23], $0x2000, s24, s23, $0x38;
	[tilespmem:$0x1D000] =	vst v63  }
0x25: {  	s25 =	rddreg [dreg:$0x8]  }
0x26: {  	[tilespmem:s31], [sflag:$0x1] =	stream.strided.gather [hbm4b:s25+s23], $0x2000, s24, s23, $0x38;
	[tilespmem:$0x1D000] =	vst v63  }
0x27: {  	s28 =	simm.s32 $0x10000;
	s26 =	rddreg [dreg:$0x9]  }
0x28: {  	[tilespmem:s28], [sflag:$0x1] =	stream.strided.gather [hbm4b:s26+s23], $0x2000, s24, s23, $0x38;
	[tilespmem:$0x1D000] =	vst v63  }
0x29: {  	s4 =	simm.s32 $0x0;
	s29 =	rddreg [dreg:$0xa]  }
0x2a: {  	[tilespmem:s2], [sflag:$0x1] =	stream.strided.gather [hbm4b:s29+s23], $0x2000, s24, s23, $0x38;
	[tilespmem:$0x1D000] =	vst v63  }
.LBB2_2:
0x2b: {  	s19 =	sshll.u32 s4, $0x3;
	s5 =	rddreg [dreg:$0x6]  }
0x2c: {  	[dreg:$0x16] =	wrdreg s4;
	s4 =	sor.u32 s5, s19  }
0x2d: {  	s20 =	rddreg [dreg:$0xb];
	s6 =	simm.s32 $0x80;
	s10 =	sshll.u32 s4, $0xA  }
0x2e: {  	s7 =	simm.s32 $0x400;
	s21 =	rddreg [dreg:$0xc];
	s5 =	sadd.s32 s10, s20  }
0x2f: {  	[tilespmem:s0], [sflag:$0x2] =	stream.strided.gather [hbm4b:s5+s6], $0x2000, s7, s6, $0x38;
	[tilespmem:$0x1D000] =	vst v63  }
0x30: {  	s22 =	rddreg [dreg:$0xd];
	s5 =	sadd.s32 s10, s21  }
0x31: {  	[tilespmem:s8], [sflag:$0x2] =	stream.strided.gather [hbm4b:s5+s6], $0x2000, s7, s6, $0x38;
	[tilespmem:$0x1D000] =	vst v63  }
0x32: {  	s23 =	rddreg [dreg:$0xe];
	s5 =	sadd.s32 s10, s22  }
0x33: {  	[tilespmem:s3], [sflag:$0x2] =	stream.strided.gather [hbm4b:s5+s6], $0x2000, s7, s6, $0x38;
	[tilespmem:$0x1D000] =	vst v63  }
0x34: {  	s24 =	simm.s32 $0x1;
	[dreg:$0x19] =	wrdreg s10;
	s5 =	sadd.s32 s10, s23  }
0x35: {  	[tilespmem:s1], [sflag:$0x2] =	stream.strided.gather [hbm4b:s5+s6], $0x2000, s7, s6, $0x38;
	[tilespmem:$0x1D000] =	vst v63  }
0x36: {  	_ =	swait.ge [sflag:s24], $0x2000  }
0x37: {  	[sflag:s24] =	ssyncset.done $0x0  }
0x38: {  	[sflag:s24] =	ssyncadd.s32 $0xFFFFE000  }
0x39: {  	_ =	swait.ge [sflag:s24], $0x2000  }
0x3a: {  	[sflag:s24] =	ssyncset.done $0x0  }
0x3b: {  	[sflag:s24] =	ssyncadd.s32 $0xFFFFE000  }
0x3c: {  	_ =	swait.ge [sflag:s24], $0x2000  }
0x3d: {  	s26 =	simm.s32 $0x8110;
	[sflag:s24] =	ssyncset.done $0x0  }
0x3e: {  	s28 =	simm.s32 $0x4110;
	s25 =	sshll.u32 s4, $0xE;
	[sflag:s24] =	ssyncadd.s32 $0xFFFFE000  }
0x3f: {  	s0 =	sor.u32 $0x2000000, s25;
	_ =	swait.ge [sflag:s24], $0x2000;
	[dreg:$0x17] =	wrdreg s25  }
0x40: {  	s29 =	simm.s32 $0x110;
	s20 =	simm.s32 $0x0;
	[dreg:$0x18] =	wrdreg s0  }
0x41: {  	s3 =	simm.s32 $0x10;
	s5 =	simm.s32 $0x8010;
	[dreg:$0x1c] =	wrdreg s26  }
0x42: {  	s7 =	simm.s32 $0x4010;
	[dreg:$0x1d] =	wrdreg s28;
	[sflag:s24] =	ssyncset.done $0x0  }
0x43: {  	s1 =	simm.s32 $0x10000;
	[dreg:$0x1e] =	wrdreg s29;
	[sflag:s24] =	ssyncadd.s32 $0xFFFFE000  }
.LBB2_3:
0x44: {  	s0 =	rddreg [dreg:$0x16]  }
0x45: {  	s4 =	sor.u32 s0, s20  }
0x46: {  	p0 =	seq.s32 s4, $0x0  }
0x47: {  	s4 =	simm.s32 @!p0 $0x3  }
0x48: {  	_ =	swait.ge @!p0 [sflag:s4], $0x400  }
0x49: {  	[sflag:s4] =	ssyncset.done @!p0 $0x0  }
0x4a: {  	[sflag:s4] =	ssyncadd.s32 @!p0 $0xFFFFFC00  }
0x4b: {  	_ =	swait.ge @!p0 [sflag:s4], $0x400  }
0x4c: {  	[sflag:s4] =	ssyncset.done @!p0 $0x0  }
0x4d: {  	[sflag:s4] =	ssyncadd.s32 @!p0 $0xFFFFFC00  }
0x4e: {  	v0 =	vld [tilespmem:s3+$0x0];
	_ =	sdelay $0x4  }
0x4f: {  	v15 =	vand.u32 $0xFFFF, v0;
	_ =	sdelay $0x2  }
0x50: {  	v1 =	vld [tilespmem:s5+$0x0]  }
0x51: {  	v2 =	vld [tilespmem:s7+$0x0];
	v11 =	vshrl.u32 v0, $0x10  }
0x52: {  	v0 =	vld.idx.msk [tilespmem:v15+s30+$0x0], $0xffff;
	_ =	sdelay $0x2  }
0x53: {  	v3 =	vld [tilespmem:s3+$0xFFFFFFF0];
	v4 =	vshrl.u32 v1, $0x10;
	v5 =	vand.u32 $0xFFFF0000, v1  }
0x54: {  	v7 =	vshrl.u32 v2, $0x10;
	v8 =	vand.u32 $0xFFFF0000, v2;
	v14 =	vor.u32 v5, v4;
	v6 =	vld.idx.msk [tilespmem:v11+s30+$0x0], $0xffff  }
0x55: {  	v4 =	vand.u32 $0xFFFF, v1;
	v1 =	vshll.u32 v1, $0x10;
	v5 =	vmul.bf16 v14, v0  }
0x56: {  	v9 =	vand.u32 $0xFFFF, v2;
	v12 =	vor.u32 v8, v7;
	v13 =	vor.u32 v1, v4  }
0x57: {  	v1 =	vshll.u32 v2, $0x10;
	v0 =	vmul.bf16 v0, v12;
	v2 =	vadd.bf16 v13, v5  }
0x58: {  	v10 =	vor.u32 v1, v9  }
0x59: {  	v26 =	vand.u32 $0xFFFF, v3;
	v0 =	vadd.bf16 v10, v0;
	v1 =	vmul.bf16 v6, v2  }
0x5a: {  	s0 =	simm.s32 $0x0  }
0x5b: {  	s13 =	simm.s32 $0x10;
	s19 =	sand.u32 $0x400, s0;
	v0 =	vadd.bf16 v1, v0  }
0x5c: {  	s21 =	sand.u32 $0x70, s13;
	s9 =	sor.u32 $0x1C000, s19  }
0x5d: {  	s12 =	sor.u32 s21, s9;
	v1 =	vld [tilespmem:s5+$0xFFFFFFF0];
	v2 =	vunpack.i.l.bf16.f32 v0  }
0x5e: {  	v4 =	vld.idx.msk [tilespmem:v26+s30+$0x0], $0xffff;
	v0 =	vunpack.i.u.bf16.f32 v0;
	[tilespmem:s12+$0x0] =	vst v2  }
0x5f: {  	v2 =	vld [tilespmem:s7+$0xFFFFFFF0];
	[tilespmem:s12+$0x200] =	vst v0  }
0x60: {  	v5 =	vld.idx.msk [tilespmem:v15+s31+$0x0], $0xffff  }
0x61: {  	v27 =	vshrl.u32 v3, $0x10  }
0x62: {  	s6 =	sadd.s32 $0x20, s3;
	[dreg:$0x1b] =	wrdreg s3;
	v0 =	vshrl.u32 v1, $0x10;
	v3 =	vand.u32 $0xFFFF0000, v1  }
0x63: {  	v16 =	vand.u32 $0xFFFF, v1;
	v1 =	vshll.u32 v1, $0x10;
	v0 =	vor.u32 v3, v0;
	v3 =	vld [tilespmem:s6+$0x0]  }
0x64: {  	v8 =	vld.idx.msk [tilespmem:v11+s31+$0x0], $0xffff;
	v7 =	vmul.bf16 v0, v4;
	v6 =	vshrl.u32 v2, $0x10;
	v9 =	vand.u32 $0xFFFF0000, v2  }
0x65: {  	v19 =	vand.u32 $0xFFFF, v2;
	v2 =	vshll.u32 v2, $0x10;
	v17 =	vmul.bf16 v5, v14  }
0x66: {  	v18 =	vld.idx.msk [tilespmem:v27+s30+$0x0], $0xffff;
	v6 =	vor.u32 v9, v6;
	v9 =	vor.u32 v1, v16;
	v1 =	vmul.bf16 v5, v12  }
0x67: {  	v16 =	vmul.bf16 v4, v6;
	v4 =	vor.u32 v2, v19;
	v2 =	vld [tilespmem:s6+$0xFFFFFFF0];
	[dreg:$0x1a] =	wrdreg s5;
	v5 =	vadd.bf16 v13, v17  }
0x68: {  	s22 =	sadd.s32 $0x20, s5;
	[smem:$0x7FB] =	sst s7;
	v23 =	vand.u32 $0xFFFF, v3  }
0x69: {  	s8 =	sadd.s32 $0x20, s7;
	v7 =	vadd.bf16 v9, v7;
	v1 =	vadd.bf16 v10, v1;
	v17 =	vld [tilespmem:s22+$0xFFFFFFF0];
	v5 =	vmul.bf16 v8, v5  }
0x6a: {  	v8 =	vadd.bf16 v4, v16;
	v16 =	vld [tilespmem:s8+$0x0]  }
0x6b: {  	v7 =	vmul.bf16 v18, v7;
	v1 =	vadd.bf16 v5, v1;
	v5 =	vld [tilespmem:s22+$0x0]  }
0x6c: {  	v22 =	vshrl.u32 v3, $0x10  }
0x6d: {  	v7 =	vadd.bf16 v7, v8;
	v3 =	vld.idx.msk [tilespmem:v23+s30+$0x0], $0xffff;
	v8 =	vunpack.i.l.bf16.f32 v1  }
0x6e: {  	v1 =	vunpack.i.u.bf16.f32 v1;
	[tilespmem:s12+$0x80] =	vst v8  }
0x6f: {  	v33 =	vand.u32 $0xFFFF, v17;
	v8 =	vunpack.i.u.bf16.f32 v7;
	[tilespmem:s12+$0x280] =	vst v1;
	v1 =	vand.u32 $0xFFFF, v2  }
0x70: {  	v25 =	vshrl.u32 v16, $0x10;
	v18 =	vld.idx.msk [tilespmem:v15+s1+$0x0], $0xffff;
	v19 =	vshrl.u32 v5, $0x10;
	v20 =	vand.u32 $0xFFFF0000, v5  }
0x71: {  	v21 =	vld.idx.msk [tilespmem:v22+s30+$0x0], $0xffff;
	v28 =	vand.u32 $0xFFFF0000, v16;
	v31 =	vand.u32 $0xFFFF, v16;
	v24 =	vor.u32 v20, v19  }
0x72: {  	v19 =	vand.u32 $0xFFFF, v5;
	v5 =	vshll.u32 v5, $0x10;
	v20 =	vmul.bf16 v24, v3  }
0x73: {  	v30 =	vld [tilespmem:s8+$0xFFFFFFF0];
	v16 =	vshll.u32 v16, $0x10;
	v28 =	vor.u32 v28, v25;
	v29 =	vor.u32 v5, v19  }
0x74: {  	v7 =	vunpack.i.l.bf16.f32 v7;
	v5 =	vld.idx.msk [tilespmem:v11+s1+$0x0], $0xffff;
	v19 =	vmul.bf16 v3, v28;
	v20 =	vadd.bf16 v29, v20  }
0x75: {  	v25 =	vor.u32 v16, v31;
	v3 =	vshrl.u32 v2, $0x10;
	v32 =	vld.idx.msk [tilespmem:v1+s30+$0x0], $0xffff;
	v2 =	vmul.bf16 v18, v14  }
0x76: {  	v16 =	vshrl.u32 v17, $0x10;
	v19 =	vadd.bf16 v25, v19;
	v20 =	vmul.bf16 v21, v20  }
0x77: {  	s10 =	sand.u32 $0x60, s0;
	s4 =	simm.s32 $0x100;
	v18 =	vmul.bf16 v18, v12;
	v21 =	vand.u32 $0xFFFF0000, v17;
	v31 =	vadd.bf16 v13, v2  }
0x78: {  	s9 =	sor.u32 s10, s9;
	s11 =	sand.u32 $0x400, s4;
	s7 =	simm.s32 $0x30;
	v17 =	vshll.u32 v17, $0x10;
	v2 =	vor.u32 v21, v16;
	v16 =	vadd.bf16 v20, v19  }
0x79: {  	s23 =	sor.u32 $0x1C000, s11;
	s24 =	sand.u32 $0x70, s7;
	[tilespmem:s9+$0x200] =	vst v8;
	v18 =	vadd.bf16 v10, v18;
	v8 =	vor.u32 v17, v33;
	v5 =	vmul.bf16 v5, v31  }
0x7a: {  	s25 =	sand.u32 $0x7, s0;
	s18 =	sor.u32 s24, s23;
	[tilespmem:s9+$0x0] =	vst v7;
	v19 =	vshrl.u32 v30, $0x10;
	v7 =	vmul.bf16 v2, v32;
	v31 =	vld.idx.msk [tilespmem:v3+s30+$0x0], $0xffff;
	v21 =	vunpack.i.l.bf16.f32 v16  }
0x7b: {  	s11 =	sshll.u32 s25, $0x4;
	v20 =	vand.u32 $0xFFFF0000, v30;
	v16 =	vunpack.i.u.bf16.f32 v16;
	v18 =	vadd.bf16 v5, v18;
	[tilespmem:s18+$0x0] =	vst v21  }
0x7c: {  	s11 =	sadd.s32 $0x0, s11;
	v5 =	vor.u32 v20, v19;
	v19 =	vand.u32 $0xFFFF, v30;
	v30 =	vshll.u32 v30, $0x10;
	[tilespmem:s18+$0x200] =	vst v16;
	v21 =	vld.idx.msk [tilespmem:v26+s31+$0x0], $0xffff  }
0x7d: {  	s15 =	sadd.s32 $0x20, s6;
	s11 =	sadd.s32 $0x10, s11;
	v50 =	vadd.bf16 v8, v7;
	v16 =	vmul.bf16 v32, v5;
	v17 =	vld.idx.msk [tilespmem:v23+s31+$0x0], $0xffff;
	v20 =	vunpack.i.l.bf16.f32 v18  }
0x7e: {  	s26 =	sor.u32 $0x300, s11;
	v7 =	vor.u32 v30, v19;
	v19 =	vld [tilespmem:s15+$0x0];
	v18 =	vunpack.i.u.bf16.f32 v18;
	[tilespmem:s12+$0x100] =	vst v20  }
0x7f: {  	v30 =	vld.idx.msk [tilespmem:v22+s31+$0x0], $0xffff;
	v16 =	vadd.bf16 v7, v16;
	[tilespmem:s26+$0x1C000] =	vst v18;
	v18 =	vmul.bf16 v31, v50  }
0x80: {  	v20 =	vld.idx.msk [tilespmem:v15+s2+$0x0], $0xffff  }
0x81: {  	s14 =	simm.s32 $0x20;
	v31 =	vld.idx.msk [tilespmem:v27+s31+$0x0], $0xffff;
	v15 =	vadd.bf16 v18, v16;
	v18 =	vmul.bf16 v21, v0  }
0x82: {  	s3 =	sand.u32 $0x60, s14;
	v21 =	vmul.bf16 v21, v6;
	v16 =	vmul.bf16 v17, v24  }
0x83: {  	s10 =	sor.u32 s3, s23;
	v51 =	vld [tilespmem:s15+$0xFFFFFFF0];
	v17 =	vmul.bf16 v17, v28;
	v52 =	vunpack.i.l.bf16.f32 v15;
	v18 =	vadd.bf16 v9, v18  }
0x84: {  	v53 =	vld.idx.msk [tilespmem:v11+s2+$0x0], $0xffff;
	v34 =	vunpack.i.u.bf16.f32 v15;
	v15 =	vand.u32 $0xFFFF, v19;
	v16 =	vadd.bf16 v29, v16;
	[tilespmem:s10+$0x0] =	vst v52  }
0x85: {  	[tilespmem:s10+$0x200] =	vst v34;
	v11 =	vmul.bf16 v20, v14;
	v14 =	vadd.bf16 v25, v17  }
0x86: {  	s5 =	sadd.s32 $0x20, s22;
	v17 =	vmul.bf16 v31, v18;
	v18 =	vadd.bf16 v4, v21;
	v21 =	vld.idx.msk [tilespmem:v1+s31+$0x0], $0xffff;
	v16 =	vmul.bf16 v30, v16  }
0x87: {  	s26 =	sadd.s32 $0x20, s8;
	v20 =	vmul.bf16 v20, v12;
	v30 =	vld [tilespmem:s5+$0x0];
	v13 =	vadd.bf16 v13, v11  }
0x88: {  	v12 =	vshrl.u32 v19, $0x10;
	v14 =	vadd.bf16 v16, v14;
	v16 =	vadd.bf16 v17, v18;
	v17 =	vld [tilespmem:s26+$0x0]  }
0x89: {  	v11 =	vand.u32 $0xFFFF, v51;
	v18 =	vadd.bf16 v10, v20;
	v19 =	vld.idx.msk [tilespmem:v15+s30+$0x0], $0xffff;
	v13 =	vmul.bf16 v53, v13  }
0x8a: {  	v10 =	vunpack.i.l.bf16.f32 v14;
	v20 =	vunpack.i.u.bf16.f32 v16;
	v31 =	vunpack.i.l.bf16.f32 v16  }
0x8b: {  	v14 =	vunpack.i.u.bf16.f32 v14;
	v55 =	vmul.bf16 v21, v2;
	v35 =	vmul.bf16 v21, v5  }
0x8c: {  	v54 =	vld [tilespmem:s5+$0xFFFFFFF0];
	v34 =	vadd.bf16 v13, v18;
	[tilespmem:s18+$0x280] =	vst v14;
	v13 =	vshrl.u32 v30, $0x10;
	v14 =	vand.u32 $0xFFFF0000, v30  }
0x8d: {  	v21 =	vld.idx.msk [tilespmem:v12+s30+$0x0], $0xffff;
	[tilespmem:s18+$0x80] =	vst v10;
	v16 =	vor.u32 v14, v13;
	v14 =	vand.u32 $0xFFFF, v30;
	v30 =	vshll.u32 v30, $0x10  }
0x8e: {  	v36 =	vld.idx.msk [tilespmem:v23+s1+$0x0], $0xffff;
	v18 =	vshrl.u32 v17, $0x10;
	v37 =	vand.u32 $0xFFFF0000, v17;
	v39 =	vmul.bf16 v16, v19  }
0x8f: {  	v41 =	vand.u32 $0xFFFF, v17;
	v13 =	vor.u32 v37, v18;
	v18 =	vor.u32 v30, v14  }
0x90: {  	v40 =	vld [tilespmem:s26+$0xFFFFFFF0];
	v14 =	vshll.u32 v17, $0x10;
	v17 =	vmul.bf16 v19, v13;
	v19 =	vadd.bf16 v18, v39  }
0x91: {  	v14 =	vor.u32 v14, v41  }
0x92: {  	v10 =	vshrl.u32 v51, $0x10;
	v30 =	vld.idx.msk [tilespmem:v22+s1+$0x0], $0xffff;
	v17 =	vadd.bf16 v14, v17;
	v19 =	vmul.bf16 v21, v19  }
0x93: {  	s11 =	simm.s32 $0x200;
	v56 =	vshrl.u32 v54, $0x10;
	v38 =	vld.idx.msk [tilespmem:v11+s30+$0x0], $0xffff;
	v57 =	vmul.bf16 v36, v24  }
0x94: {  	s21 =	simm.s32 $0x50;
	s23 =	sand.u32 $0x400, s11;
	v58 =	vand.u32 $0xFFFF0000, v54;
	[tilespmem:s9+$0x80] =	vst v31;
	v31 =	vmul.bf16 v36, v28;
	v19 =	vadd.bf16 v19, v17  }
0x95: {  	s24 =	sand.u32 $0x70, s21;
	s19 =	sor.u32 $0x1C000, s23;
	[tilespmem:s9+$0x280] =	vst v20;
	v20 =	vshrl.u32 v40, $0x10;
	v21 =	vor.u32 v58, v56;
	v59 =	vadd.bf16 v29, v57  }
0x96: {  	s8 =	sor.u32 s24, s19;
	v43 =	vld.idx.msk [tilespmem:v3+s31+$0x0], $0xffff;
	v17 =	vand.u32 $0xFFFF0000, v40;
	v31 =	vadd.bf16 v25, v31;
	v42 =	vunpack.i.l.bf16.f32 v19  }
0x97: {  	s16 =	simm.s32 $0x2;
	v61 =	vld.idx.msk [tilespmem:v10+s30+$0x0], $0xffff;
	v17 =	vor.u32 v17, v20;
	v30 =	vmul.bf16 v30, v59;
	v20 =	vunpack.i.u.bf16.f32 v19;
	[tilespmem:s8+$0x0] =	vst v42  }
0x98: {  	s16 =	sand.u32 $0x7, s16;
	v62 =	vand.u32 $0xFFFF, v54;
	v32 =	vshll.u32 v54, $0x10;
	v60 =	vld.idx.msk [tilespmem:v26+s1+$0x0], $0xffff;
	v37 =	vmul.bf16 v21, v38;
	[tilespmem:s8+$0x200] =	vst v20  }
0x99: {  	s16 =	sshll.u32 s16, $0x4;
	v19 =	vor.u32 v32, v62;
	v63 =	vmul.bf16 v38, v17;
	v30 =	vadd.bf16 v30, v31;
	v46 =	vld.idx.msk [tilespmem:v15+s31+$0x0], $0xffff  }
0x9a: {  	s16 =	sadd.s32 $0x100, s16;
	s3 =	sadd.s32 $0x20, s15;
	v20 =	vshll.u32 v40, $0x10;
	v37 =	vadd.bf16 v19, v37;
	v31 =	vand.u32 $0xFFFF, v40  }
0x9b: {  	s16 =	sadd.s32 $0x10, s16;
	v49 =	vld [tilespmem:s3+$0x0];
	v33 =	vadd.bf16 v8, v55;
	v20 =	vor.u32 v20, v31;
	v45 =	vunpack.i.l.bf16.f32 v30  }
0x9c: {  	s16 =	sor.u32 $0x300, s16;
	v44 =	vld.idx.msk [tilespmem:v27+s1+$0x0], $0xffff;
	v36 =	vmul.bf16 v61, v37;
	v30 =	vunpack.i.u.bf16.f32 v30;
	v32 =	vadd.bf16 v20, v63;
	[tilespmem:s18+$0x100] =	vst v45  }
0x9d: {  	v47 =	vadd.bf16 v7, v35;
	v50 =	vld.idx.msk [tilespmem:v12+s31+$0x0], $0xffff;
	[tilespmem:s16+$0x1C000] =	vst v30;
	v30 =	vmul.bf16 v43, v33  }
0x9e: {  	s17 =	simm.s32 $0x40;
	v48 =	vmul.bf16 v60, v6;
	v32 =	vadd.bf16 v36, v32;
	v23 =	vld.idx.msk [tilespmem:v23+s2+$0x0], $0xffff;
	v53 =	vmul.bf16 v46, v16  }
0x9f: {  	s25 =	sand.u32 $0x60, s17;
	s6 =	sadd.s32 $0x20, s26;
	v31 =	vmul.bf16 v60, v0;
	v55 =	vmul.bf16 v46, v13;
	v30 =	vadd.bf16 v30, v47  }
0xa0: {  	s22 =	sor.u32 s25, s19;
	v62 =	vld [tilespmem:s6+$0x0];
	v52 =	vunpack.i.l.bf16.f32 v32;
	v32 =	vunpack.i.u.bf16.f32 v32;
	v57 =	vadd.bf16 v18, v53  }
0xa1: {  	v31 =	vadd.bf16 v9, v31;
	[tilespmem:s22+$0x200] =	vst v32;
	v54 =	vunpack.i.u.bf16.f32 v30;
	v30 =	vunpack.i.l.bf16.f32 v30  }
0xa2: {  	s15 =	sadd.s32 $0x20, s5;
	v56 =	vld [tilespmem:s3+$0xFFFFFFF0];
	v51 =	vadd.bf16 v4, v48;
	[tilespmem:s10+$0x80] =	vst v30;
	v30 =	vadd.bf16 v14, v55;
	v32 =	vmul.bf16 v50, v57  }
0xa3: {  	v60 =	vld [tilespmem:s15+$0x0];
	v31 =	vmul.bf16 v44, v31;
	v58 =	vmul.bf16 v23, v24;
	v24 =	vand.u32 $0xFFFF, v49  }
0xa4: {  	v35 =	vunpack.i.l.bf16.f32 v34;
	v34 =	vunpack.i.u.bf16.f32 v34;
	v22 =	vld.idx.msk [tilespmem:v22+s2+$0x0], $0xffff;
	[tilespmem:s22+$0x0] =	vst v52;
	v30 =	vadd.bf16 v32, v30  }
0xa5: {  	v48 =	vand.u32 $0xFFFF0000, v62;
	v47 =	vshrl.u32 v62, $0x10;
	v31 =	vadd.bf16 v31, v51;
	v59 =	vld.idx.msk [tilespmem:v11+s31+$0x0], $0xffff  }
0xa6: {  	v52 =	vand.u32 $0xFFFF, v62;
	[tilespmem:s10+$0x280] =	vst v54;
	v23 =	vmul.bf16 v23, v28;
	v54 =	vunpack.i.l.bf16.f32 v30  }
0xa7: {  	v38 =	vunpack.i.u.bf16.f32 v31;
	v42 =	vunpack.i.l.bf16.f32 v31;
	v28 =	vadd.bf16 v29, v58;
	v29 =	vld.idx.msk [tilespmem:v1+s1+$0x0], $0xffff;
	[tilespmem:s8+$0x80] =	vst v54  }
0xa8: {  	s19 =	sshll.u32 s20, $0x1;
	v31 =	vand.u32 $0xFFFF0000, v60;
	v61 =	vadd.bf16 v25, v23;
	v25 =	vshrl.u32 v49, $0x10;
	v63 =	vld.idx.msk [tilespmem:v24+s30+$0x0], $0xffff;
	[smem:$0x7FC] =	sst s20  }
0xa9: {  	s13 =	sor.u32 s13, s0;
	v57 =	vshll.u32 v62, $0x10;
	v30 =	vunpack.i.u.bf16.f32 v30;
	v28 =	vmul.bf16 v22, v28;
	[smem:$0x7FD] =	sst s19  }
0xaa: {  	s13 =	sor.u32 $0x380, s13;
	s26 =	sand.u32 $0x3, s0;
	v32 =	vshll.u32 v60, $0x10;
	v23 =	vand.u32 $0xFFFF, v56;
	v55 =	vmul.bf16 v59, v21;
	v43 =	vld [tilespmem:s15+$0xFFFFFFF0];
	[tilespmem:s8+$0x280] =	vst v30  }
0xab: {  	s17 =	sor.u32 s17, s11;
	s14 =	sor.u32 s14, s4;
	s5 =	sshll.u32 s26, $0x5;
	v37 =	vmul.bf16 v59, v17;
	v22 =	vshrl.u32 v56, $0x10;
	v28 =	vadd.bf16 v28, v61;
	v44 =	vld.idx.msk [tilespmem:v15+s1+$0x0], $0xffff  }
0xac: {  	s14 =	sor.u32 $0x380, s14;
	s25 =	simm.s32 $0x2;
	s5 =	sadd.s32 $0x0, s5;
	v46 =	vadd.bf16 v19, v55;
	v30 =	vshrl.u32 v60, $0x10;
	v51 =	vld [tilespmem:s6+$0xFFFFFFF0];
	v36 =	vmul.bf16 v29, v2  }
0xad: {  	s23 =	sor.u32 s0, s0;
	s26 =	sand.u32 $0x3, s25;
	s24 =	sor.u32 $0x300, s5;
	v56 =	vld.idx.msk [tilespmem:v25+s30+$0x0], $0xffff;
	v41 =	vunpack.i.l.bf16.f32 v28;
	v45 =	vunpack.i.u.bf16.f32 v28;
	v28 =	vor.u32 v31, v30  }
0xae: {  	s5 =	sor.u32 $0x380, s23;
	s20 =	simm.s32 $0x1;
	s19 =	sshll.u32 s26, $0x5;
	[tilespmem:s12+$0x180] =	vst v35;
	v30 =	vand.u32 $0xFFFF, v60;
	v31 =	vor.u32 v48, v47;
	v50 =	vmul.bf16 v28, v63  }
0xaf: {  	s16 =	sand.u32 $0x3, s20;
	s19 =	sadd.s32 $0x200, s19;
	s12 =	sor.u32 $0x380, s17;
	v47 =	vld.idx.msk [tilespmem:v12+s1+$0x0], $0xffff;
	v30 =	vor.u32 v32, v30;
	v32 =	vor.u32 v57, v52;
	v58 =	vmul.bf16 v63, v31  }
0xb0: {  	[tilespmem:s9+$0x100] =	vst v42;
	s17 =	simm.s32 $0x60;
	s16 =	sshll.u32 s16, $0x5;
	v49 =	vld.idx.msk [tilespmem:v23+s30+$0x0], $0xffff;
	s20 =	sor.u32 $0x300, s19;
	v60 =	vshrl.u32 v43, $0x10;
	v59 =	vadd.bf16 v30, v50;
	v61 =	vmul.bf16 v44, v16  }
0xb1: {  	s19 =	sor.u32 s7, s4;
	s4 =	simm.s32 $0x3;
	[tilespmem:s13+$0x1C000] =	vst v34;
	s7 =	simm.s32 $0x6;
	v63 =	vand.u32 $0xFFFF0000, v43;
	v54 =	vshrl.u32 v51, $0x10;
	v39 =	vadd.bf16 v32, v58  }
0xb2: {  	s13 =	simm.s32 $0x300;
	[tilespmem:s24+$0x1C000] =	vst v38;
	s24 =	simm.s32 $0x70;
	s16 =	sadd.s32 $0x100, s16;
	v52 =	vmul.bf16 v44, v13;
	v62 =	vmul.bf16 v56, v59;
	v53 =	vadd.bf16 v18, v61  }
0xb3: {  	s23 =	sor.u32 $0x380, s19;
	s26 =	sand.u32 $0x3, s4;
	s28 =	sand.u32 $0x400, s13;
	v38 =	vld.idx.msk [tilespmem:v26+s2+$0x0], $0xffff;
	v26 =	vand.u32 $0xFFFF, v51;
	v33 =	vor.u32 v63, v60;
	v58 =	vand.u32 $0xFFFF, v43  }
0xb4: {  	s16 =	sor.u32 $0x300, s16;
	s25 =	sshll.u32 s26, $0x5;
	s26 =	simm.s32 $0x4;
	v50 =	vld.idx.msk [tilespmem:v10+s31+$0x0], $0xffff;
	v34 =	vadd.bf16 v14, v52;
	v55 =	vadd.bf16 v62, v39;
	v57 =	vmul.bf16 v47, v53  }
0xb5: {  	[tilespmem:s18+$0x180] =	vst v41;
	v41 =	vld.idx.msk [tilespmem:v22+s30+$0x0], $0xffff;
	s0 =	sor.u32 $0x1C000, s28;
	s28 =	sand.u32 $0x70, s24;
	s29 =	sand.u32 $0x7, s26;
	v43 =	vshll.u32 v43, $0x10;
	v48 =	vmul.bf16 v33, v49;
	v56 =	vand.u32 $0xFFFF0000, v51  }
0xb6: {  	[tilespmem:s23+$0x1C000] =	vst v45;
	s23 =	sand.u32 $0x60, s17;
	s19 =	sor.u32 s28, s0;
	s28 =	sshll.u32 s29, $0x4;
	v35 =	vor.u32 v56, v54;
	v59 =	vunpack.i.l.bf16.f32 v55;
	v61 =	vadd.bf16 v57, v34  }
0xb7: {  	v27 =	vld.idx.msk [tilespmem:v27+s2+$0x0], $0xffff;
	s25 =	sadd.s32 $0x300, s25;
	s18 =	sor.u32 s23, s0;
	s0 =	sadd.s32 $0x200, s28;
	v44 =	vmul.bf16 v49, v35;
	v60 =	vunpack.i.u.bf16.f32 v55;
	v34 =	vor.u32 v43, v58;
	[tilespmem:s19+$0x0] =	vst v59  }
0xb8: {  	s29 =	sor.u32 s17, s13;
	s23 =	sadd.s32 $0x20, s3;
	s0 =	sadd.s32 $0x10, s0;
	v39 =	vld.idx.msk [tilespmem:v3+s1+$0x0], $0xffff;
	v62 =	vshll.u32 v51, $0x10;
	[tilespmem:s19+$0x200] =	vst v60;
	v45 =	vadd.bf16 v34, v48;
	v63 =	vunpack.i.l.bf16.f32 v61  }
0xb9: {  	s28 =	sor.u32 $0x300, s25;
	s25 =	sor.u32 $0x380, s29;
	s29 =	sor.u32 $0x300, s0;
	v26 =	vor.u32 v62, v26;
	v43 =	vmul.bf16 v50, v46;
	v42 =	vld.idx.msk [tilespmem:v24+s31+$0x0], $0xffff;
	v40 =	vunpack.i.u.bf16.f32 v61;
	[tilespmem:s8+$0x100] =	vst v63  }
.LBB2_4:
0xba: {  	v46 =	vld [tilespmem:s23+$0x0];
	v44 =	vadd.bf16 v26, v44;
	v41 =	vmul.bf16 v41, v45;
	v37 =	vadd.bf16 v20, v37;
	[tilespmem:s29+$0x1C000] =	vst v40  }
0xbb: {  	v47 =	vmul.bf16 v29, v5;
	v29 =	vadd.bf16 v8, v36;
	v48 =	vmul.bf16 v38, v0;
	v45 =	vld.idx.msk [tilespmem:v15+s2+$0x0], $0xffff  }
0xbc: {  	v6 =	vmul.bf16 v38, v6;
	v36 =	vadd.bf16 v41, v44;
	v41 =	vld.idx.msk [tilespmem:v25+s31+$0x0], $0xffff;
	v37 =	vadd.bf16 v43, v37  }
0xbd: {  	v15 =	vmovc v24;
	v40 =	vadd.bf16 v7, v47;
	v29 =	vmul.bf16 v39, v29;
	v9 =	vadd.bf16 v9, v48;
	v38 =	vld [tilespmem:s23+$0xFFFFFFF0]  }
0xbe: {  	v0 =	vmovc v2;
	v2 =	vmovc v21;
	v39 =	vmul.bf16 v42, v28;
	v24 =	vunpack.i.u.bf16.f32 v36;
	v36 =	vunpack.i.l.bf16.f32 v36  }
0xbf: {  	v21 =	vunpack.i.u.bf16.f32 v37;
	v43 =	vadd.bf16 v29, v40;
	[tilespmem:s18+$0x0] =	vst v36;
	v36 =	vunpack.i.l.bf16.f32 v37;
	v37 =	vld.idx.msk [tilespmem:v12+s2+$0x0], $0xffff;
	v12 =	vmovc v25  }
0xc0: {  	s7 =	sadd.s32 $0x2, s7;
	v9 =	vmul.bf16 v27, v9;
	v25 =	vmul.bf16 v42, v31;
	v29 =	vadd.bf16 v30, v39;
	[tilespmem:s18+$0x200] =	vst v24  }
0xc1: {  	p1 =	slt.u32 s7, $0xE;
	v24 =	vand.u32 $0xFFFF, v46;
	v39 =	vunpack.i.u.bf16.f32 v43;
	v27 =	vld.idx.msk [tilespmem:v23+s31+$0x0], $0xffff;
	[tilespmem:s22+$0x80] =	vst v36;
	v36 =	vmul.bf16 v45, v16;
	v16 =	vmovc v28  }
0xc2: {  	v25 =	vadd.bf16 v32, v25;
	v28 =	vmul.bf16 v41, v29;
	v44 =	vand.u32 $0xFFFF, v38;
	v40 =	vld.idx.msk [tilespmem:v22+s31+$0x0], $0xffff;
	[tilespmem:s22+$0x280] =	vst v21  }
0xc3: {  	s6 =	sadd.s32 $0x20, s6;
	v42 =	vshrl.u32 v38, $0x10;
	v38 =	vmul.bf16 v45, v13;
	v13 =	vmovc v31;
	v29 =	vld.idx.msk [tilespmem:v11+s1+$0x0], $0xffff;
	v36 =	vadd.bf16 v18, v36  }
0xc4: {  	s15 =	sadd.s32 $0x20, s15;
	v4 =	vadd.bf16 v4, v6;
	v31 =	vunpack.i.l.bf16.f32 v43;
	v21 =	vmovc v33;
	v28 =	vadd.bf16 v28, v25;
	v18 =	vmovc v30;
	v45 =	vld [tilespmem:s6+$0x0]  }
0xc5: {  	v25 =	vshrl.u32 v46, $0x10;
	v33 =	vadd.bf16 v14, v38;
	v14 =	vmovc v32;
	v30 =	vld [tilespmem:s15+$0x0];
	v36 =	vmul.bf16 v37, v36;
	[tilespmem:s10+$0x100] =	vst v31  }
0xc6: {  	v6 =	vmovc v5;
	v5 =	vmov v17;
	v4 =	vadd.bf16 v9, v4;
	v31 =	vunpack.i.l.bf16.f32 v28;
	v32 =	vld.idx.msk [tilespmem:v24+s30+$0x0], $0xffff;
	[tilespmem:s16+$0x1C000] =	vst v39;
	s16 =	smov.u32 s20;
	s20 =	smov.u32 s28  }
0xc7: {  	v17 =	vmovc v35;
	v38 =	vmul.bf16 v27, v21;
	v39 =	vunpack.i.u.bf16.f32 v28;
	v43 =	vld [tilespmem:s15+$0xFFFFFFF0];
	[tilespmem:s19+$0x80] =	vst v31;
	v28 =	vadd.bf16 v36, v33  }
0xc8: {  	v9 =	vmovc v8;
	v37 =	vmul.bf16 v27, v17;
	v27 =	vunpack.i.u.bf16.f32 v4;
	v4 =	vunpack.i.l.bf16.f32 v4;
	v46 =	vld.idx.msk [tilespmem:v44+s30+$0x0], $0xffff;
	[tilespmem:s19+$0x280] =	vst v39  }
0xc9: {  	s28 =	sor.u32 s21, s11;
	s11 =	smov.u32 s13;
	s21 =	smov.u32 s24;
	v47 =	vadd.bf16 v34, v38;
	v36 =	vmul.bf16 v29, v2;
	v35 =	vld.idx.msk [tilespmem:v15+s1+$0x0], $0xffff;
	v39 =	vunpack.i.l.bf16.f32 v28;
	[tilespmem:s9+$0x180] =	vst v4  }
0xca: {  	v8 =	vmovc v19;
	v19 =	vmovc v34;
	v38 =	vunpack.i.u.bf16.f32 v28;
	s9 =	smov.u32 s10;
	s10 =	smov.u32 s22;
	v41 =	vshrl.u32 v30, $0x10;
	v31 =	vand.u32 $0xFFFF0000, v30;
	v33 =	vld.idx.msk [tilespmem:v25+s30+$0x0], $0xffff;
	[tilespmem:s8+$0x180] =	vst v39;
	s8 =	sor.u32 $0x380, s28  }
0xcb: {  	v34 =	vshrl.u32 v45, $0x10;
	v4 =	vmovc v7;
	v7 =	vmovc v20;
	s22 =	smov.u32 s18;
	v39 =	vand.u32 $0xFFFF0000, v45;
	v48 =	vld [tilespmem:s6+$0xFFFFFFF0];
	v28 =	vor.u32 v31, v41;
	[tilespmem:s8+$0x1C000] =	vst v38;
	s8 =	smov.u32 s19  }
0xcc: {  	v20 =	vmovc v26;
	v38 =	vand.u32 $0xFFFF, v30;
	v30 =	vshll.u32 v30, $0x10;
	v41 =	vld.idx.msk [tilespmem:v42+s30+$0x0], $0xffff;
	v49 =	vmul.bf16 v28, v32;
	[tilespmem:s5+$0x1C000] =	vst v27;
	s5 =	smov.u32 s14;
	s14 =	smov.u32 s12;
	s12 =	smov.u32 s25  }
0xcd: {  	v26 =	vand.u32 $0xFFFF, v45;
	v31 =	vor.u32 v39, v34;
	v30 =	vor.u32 v30, v38;
	v34 =	vld.idx.msk [tilespmem:v12+s1+$0x0], $0xffff  }
0xce: {  	v27 =	vshll.u32 v45, $0x10;
	v45 =	vmul.bf16 v32, v31;
	v49 =	vadd.bf16 v30, v49;
	v39 =	vld.idx.msk [tilespmem:v10+s1+$0x0], $0xffff  }
0xcf: {  	s4 =	sadd.s32 $0x1, s4;
	v50 =	vshrl.u32 v43, $0x10;
	v32 =	vor.u32 v27, v26;
	v26 =	vmul.bf16 v35, v16;
	v38 =	vld.idx.msk [tilespmem:v1+s2+$0x0], $0xffff;
	v1 =	vmovc v11  }
0xd0: {  	s17 =	sadd.s32 $0x20, s17;
	s13 =	sadd.s32 $0x100, s13;
	s18 =	sand.u32 $0x3, s4;
	v51 =	vand.u32 $0xFFFF0000, v43;
	v45 =	vadd.bf16 v32, v45;
	v11 =	vmovc v23;
	v49 =	vmul.bf16 v33, v49;
	v27 =	vld.idx.msk [tilespmem:v3+s2+$0x0], $0xffff  }
0xd1: {  	s24 =	sadd.s32 $0x10, s17;
	s19 =	sand.u32 $0x400, s13;
	s25 =	sshll.u32 s18, $0x5;
	v35 =	vmul.bf16 v35, v13;
	v23 =	vmovc v44;
	v33 =	vor.u32 v51, v50;
	v26 =	vadd.bf16 v18, v26  }
0xd2: {  	s28 =	sand.u32 $0x70, s24;
	s18 =	sand.u32 $0x60, s17;
	s19 =	sor.u32 $0x1C000, s19;
	v44 =	vshrl.u32 v48, $0x10;
	v3 =	vmovc v10;
	v10 =	vmovc v22;
	v50 =	vmul.bf16 v33, v46;
	v45 =	vadd.bf16 v49, v45  }
0xd3: {  	s26 =	sadd.s32 $0x2, s26;
	s18 =	sor.u32 s18, s19;
	s19 =	sor.u32 s28, s19;
	v51 =	vadd.bf16 v14, v35;
	v22 =	vmovc v42;
	v49 =	vand.u32 $0xFFFF0000, v48;
	v26 =	vmul.bf16 v34, v26  }
.Ltmp0:
0xd4: {  	s28 =	sand.u32 $0x7, s26;
	s25 =	sadd.s32 s25, s13;
	v42 =	vshll.u32 v43, $0x10;
	v34 =	vand.u32 $0xFFFF, v43;
	v43 =	vunpack.i.l.bf16.f32 v45;
	(pc) =	sbr.rel @p1 .LBB2_4-.Ltmp0, $4  }
0xd5: {  	s29 =	sor.u32 s17, s13;
	s30 =	sshll.u32 s28, $0x4;
	s28 =	sor.u32 $0x300, s25;
	v35 =	vor.u32 v49, v44;
	v45 =	vunpack.i.u.bf16.f32 v45;
	v49 =	vadd.bf16 v26, v51;
	[tilespmem:s19+$0x0] =	vst v43  }
0xd6: {  	s25 =	sor.u32 $0x380, s29;
	s29 =	sadd.s32 s11, s30;
	s30 =	simm.s32 $0xC000;
	v34 =	vor.u32 v42, v34;
	v26 =	vand.u32 $0xFFFF, v48;
	v44 =	vmul.bf16 v46, v35;
	[tilespmem:s19+$0x200] =	vst v45  }
0xd7: {  	s29 =	sadd.s32 $0x10, s29;
	v43 =	vshll.u32 v48, $0x10;
	v45 =	vadd.bf16 v34, v50;
	v46 =	vunpack.i.l.bf16.f32 v49;
	v42 =	vld.idx.msk [tilespmem:v24+s31+$0x0], $0xffff  }
0xd8: {  	s23 =	sadd.s32 $0x20, s23;
	s29 =	sor.u32 $0x300, s29;
	v26 =	vor.u32 v43, v26;
	v43 =	vmul.bf16 v40, v47;
	v40 =	vunpack.i.u.bf16.f32 v49;
	[tilespmem:s8+$0x100] =	vst v46  }
0xd9: {  	v44 =	vadd.bf16 v26, v44;
	v41 =	vmul.bf16 v41, v45;
	_ =	sdelay $0x1  }
0xda: {  	v41 =	vadd.bf16 v41, v44;
	_ =	sdelay $0x1  }
0xdb: {  	v55 =	vld.idx.msk [tilespmem:v25+s31+$0x0], $0xffff;
	v44 =	vunpack.i.l.bf16.f32 v41  }
0xdc: {  	v56 =	vmul.bf16 v42, v28;
	v41 =	vunpack.i.u.bf16.f32 v41;
	[tilespmem:s18+$0x0] =	vst v44  }
0xdd: {  	[tilespmem:s18+$0x200] =	vst v41  }
0xde: {  	v58 =	vmul.bf16 v42, v31;
	v41 =	vadd.bf16 v30, v56;
	v57 =	vld.idx.msk [tilespmem:v23+s31+$0x0], $0xffff;
	_ =	sdelay $0x1  }
0xdf: {  	v42 =	vadd.bf16 v32, v58;
	v41 =	vmul.bf16 v55, v41;
	_ =	sdelay $0x1  }
0xe0: {  	v37 =	vadd.bf16 v20, v37;
	v46 =	vld.idx.msk [tilespmem:v22+s31+$0x0], $0xffff;
	v41 =	vadd.bf16 v41, v42  }
0xe1: {  	v59 =	vmul.bf16 v57, v33  }
0xe2: {  	v37 =	vadd.bf16 v43, v37;
	v61 =	vunpack.i.l.bf16.f32 v41  }
0xe3: {  	v60 =	vmul.bf16 v57, v35;
	v41 =	vunpack.i.u.bf16.f32 v41;
	[tilespmem:s19+$0x80] =	vst v61;
	v44 =	vadd.bf16 v34, v59  }
0xe4: {  	v63 =	vunpack.i.l.bf16.f32 v37;
	[tilespmem:s19+$0x280] =	vst v41  }
0xe5: {  	v37 =	vunpack.i.u.bf16.f32 v37;
	[tilespmem:s22+$0x80] =	vst v63;
	v42 =	vadd.bf16 v26, v60;
	v41 =	vld.idx.msk [tilespmem:v24+s1+$0x0], $0xffff;
	v62 =	vmul.bf16 v46, v44  }
0xe6: {  	[tilespmem:s22+$0x280] =	vst v37  }
0xe7: {  	v29 =	vmul.bf16 v29, v5;
	v36 =	vadd.bf16 v8, v36;
	v37 =	vld.idx.msk [tilespmem:v11+s1+$0x0], $0xffff;
	v42 =	vadd.bf16 v62, v42;
	_ =	sdelay $0x1  }
0xe8: {  	v29 =	vadd.bf16 v7, v29;
	v36 =	vmul.bf16 v39, v36;
	v48 =	vld.idx.msk [tilespmem:v25+s1+$0x0], $0xffff;
	v43 =	vunpack.i.l.bf16.f32 v42  }
0xe9: {  	v49 =	vmul.bf16 v41, v28;
	v42 =	vunpack.i.u.bf16.f32 v42;
	[tilespmem:s18+$0x80] =	vst v43  }
0xea: {  	v29 =	vadd.bf16 v36, v29;
	v51 =	vld.idx.msk [tilespmem:v10+s1+$0x0], $0xffff;
	[tilespmem:s18+$0x280] =	vst v42  }
0xeb: {  	v52 =	vmul.bf16 v37, v21;
	v41 =	vmul.bf16 v41, v31;
	v42 =	vadd.bf16 v30, v49;
	v50 =	vld.idx.msk [tilespmem:v23+s1+$0x0], $0xffff  }
0xec: {  	v37 =	vmul.bf16 v37, v17;
	v57 =	vunpack.i.u.bf16.f32 v29;
	v29 =	vunpack.i.l.bf16.f32 v29  }
0xed: {  	[tilespmem:s29+$0x1C000] =	vst v40;
	s4 =	sadd.s32 $0x2, s26;
	v55 =	vadd.bf16 v19, v52;
	v53 =	vadd.bf16 v32, v41;
	v54 =	vmul.bf16 v48, v42  }
0xee: {  	v0 =	vmul.bf16 v38, v0;
	v15 =	vld.idx.msk [tilespmem:v15+s2+$0x0], $0xffff;
	s4 =	sand.u32 $0x7, s4;
	[tilespmem:s10+$0x100] =	vst v29  }
0xef: {  	s4 =	sshll.u32 s4, $0x4;
	v59 =	vadd.bf16 v20, v37;
	v60 =	vmul.bf16 v51, v55;
	v56 =	vld.idx.msk [tilespmem:v22+s1+$0x0], $0xffff;
	v29 =	vadd.bf16 v54, v53  }
0xf0: {  	v6 =	vmul.bf16 v38, v6;
	s4 =	sadd.s32 s13, s4;
	[tilespmem:s16+$0x1C000] =	vst v57;
	v58 =	vmul.bf16 v50, v33  }
0xf1: {  	v0 =	vadd.bf16 v9, v0;
	s4 =	sadd.s32 $0x10, s4;
	v1 =	vld.idx.msk [tilespmem:v1+s2+$0x0], $0xffff;
	v36 =	vadd.bf16 v60, v59;
	v9 =	vunpack.i.l.bf16.f32 v29  }
0xf2: {  	v12 =	vld.idx.msk [tilespmem:v12+s2+$0x0], $0xffff;
	s4 =	sor.u32 $0x300, s4;
	v61 =	vmul.bf16 v50, v35;
	v29 =	vunpack.i.u.bf16.f32 v29;
	[tilespmem:s19+$0x100] =	vst v9;
	v62 =	vadd.bf16 v34, v58  }
0xf3: {  	v0 =	vmul.bf16 v27, v0;
	v16 =	vmul.bf16 v15, v16;
	[tilespmem:s4+$0x1C000] =	vst v29;
	v29 =	vunpack.i.l.bf16.f32 v36  }
0xf4: {  	v3 =	vld.idx.msk [tilespmem:v3+s2+$0x0], $0xffff;
	v27 =	vunpack.i.u.bf16.f32 v36;
	v9 =	vadd.bf16 v26, v61;
	[tilespmem:s22+$0x100] =	vst v29;
	v63 =	vmul.bf16 v56, v62  }
0xf5: {  	v13 =	vmul.bf16 v15, v13;
	v15 =	vadd.bf16 v18, v16;
	v24 =	vld.idx.msk [tilespmem:v24+s2+$0x0], $0xffff;
	[tilespmem:s20+$0x1C000] =	vst v27  }
0xf6: {  	v4 =	vadd.bf16 v4, v6;
	v2 =	vmul.bf16 v1, v2;
	v6 =	vld.idx.msk [tilespmem:v11+s2+$0x0], $0xffff;
	v9 =	vadd.bf16 v63, v9  }
0xf7: {  	v13 =	vadd.bf16 v14, v13;
	v12 =	vmul.bf16 v12, v15;
	v1 =	vmul.bf16 v1, v5  }
0xf8: {  	v0 =	vadd.bf16 v0, v4;
	v2 =	vadd.bf16 v8, v2;
	v11 =	vunpack.i.l.bf16.f32 v9  }
0xf9: {  	v8 =	vadd.bf16 v12, v13;
	v1 =	vadd.bf16 v7, v1;
	v4 =	vld.idx.msk [tilespmem:v25+s2+$0x0], $0xffff;
	v9 =	vunpack.i.u.bf16.f32 v9;
	[tilespmem:s18+$0x100] =	vst v11  }
0xfa: {  	v2 =	vmul.bf16 v3, v2;
	v10 =	vld.idx.msk [tilespmem:v10+s2+$0x0], $0xffff;
	v5 =	vmul.bf16 v24, v28;
	[tilespmem:s28+$0x1C000] =	vst v9  }
0xfb: {  	v12 =	vunpack.i.l.bf16.f32 v8;
	v7 =	vmul.bf16 v6, v21;
	v9 =	vld.idx.msk [tilespmem:v23+s2+$0x0], $0xffff  }
0xfc: {  	v1 =	vadd.bf16 v2, v1;
	v3 =	vmul.bf16 v24, v31;
	v5 =	vadd.bf16 v30, v5  }
0xfd: {  	[tilespmem:s8+$0x180] =	vst v12;
	v11 =	vunpack.i.l.bf16.f32 v0;
	v6 =	vmul.bf16 v6, v17;
	v2 =	vadd.bf16 v19, v7  }
0xfe: {  	s20 =	sor.u32 s21, s11;
	v0 =	vunpack.i.u.bf16.f32 v0;
	[tilespmem:s9+$0x180] =	vst v11;
	v3 =	vadd.bf16 v32, v3;
	v4 =	vmul.bf16 v4, v5  }
0xff: {  	s4 =	sor.u32 $0x380, s20;
	[tilespmem:s5+$0x1C000] =	vst v0;
	v7 =	vunpack.i.u.bf16.f32 v8;
	v0 =	vadd.bf16 v20, v6;
	v2 =	vmul.bf16 v10, v2  }
0x100: {  	v5 =	vld.idx.msk [tilespmem:v22+s2+$0x0], $0xffff;
	[tilespmem:s4+$0x1C000] =	vst v7;
	v3 =	vadd.bf16 v4, v3;
	v4 =	vunpack.i.l.bf16.f32 v1;
	v8 =	vmul.bf16 v9, v33  }
0x101: {  	v1 =	vunpack.i.u.bf16.f32 v1;
	[tilespmem:s10+$0x180] =	vst v4;
	v0 =	vadd.bf16 v2, v0  }
0x102: {  	[tilespmem:s14+$0x1C000] =	vst v1;
	v7 =	vadd.bf16 v34, v8;
	v8 =	vunpack.i.l.bf16.f32 v3  }
0x103: {  	s21 =	sor.u32 s24, s13;
	v6 =	vmul.bf16 v9, v35;
	v1 =	vunpack.i.l.bf16.f32 v0;
	[tilespmem:s19+$0x180] =	vst v8  }
0x104: {  	s4 =	sor.u32 $0x380, s21;
	v3 =	vunpack.i.u.bf16.f32 v3;
	[tilespmem:s22+$0x180] =	vst v1  }
0x105: {  	v4 =	vadd.bf16 v26, v6;
	v2 =	vmul.bf16 v5, v7;
	[tilespmem:s4+$0x1C000] =	vst v3  }
0x106: {  	s0 =	sld [smem:$0x7FC]  }
0x107: {  	v0 =	vunpack.i.u.bf16.f32 v0;
	v2 =	vadd.bf16 v2, v4  }
0x108: {  	[tilespmem:s12+$0x1C000] =	vst v0  }
0x109: {  	s23 =	rddreg [dreg:$0x17];
	s22 =	sshll.u32 s0, $0xC;
	v0 =	vunpack.i.l.bf16.f32 v2  }
0x10a: {  	v1 =	vunpack.i.u.bf16.f32 v2;
	s24 =	sor.u32 s23, s22;
	[tilespmem:s18+$0x180] =	vst v0  }
0x10b: {  	s6 =	rddreg [dreg:$0x4];
	s7 =	simm.s32 $0x0;
	s5 =	sshrl.u32 s24, $0x3;
	[tilespmem:s25+$0x1C000] =	vst v1  }
0x10c: {  	s25 =	simm.s32 $0x1C000;
	s5 =	sadd.s32 s6, s5;
	s3 =	rddreg [dreg:$0x18]  }
0x10d: {  	[hbm4b:s5+s7] =	stream.linear.scatter [tilespmem:s25], [sflag:$0x3], $0x200, $0x38;
	[tilespmem:$0x1D000] =	vst v63  }
0x10e: {  	s4 =	sor.u32 s3, s22  }
0x10f: {  	s26 =	simm.s32 $0x1C400;
	s5 =	sadd.s32 $0x80, s5;
	s4 =	sshrl.u32 s4, $0x3  }
0x110: {  	[hbm4b:s5+s7] =	stream.linear.scatter [tilespmem:s26], [sflag:$0x3], $0x200, $0x38;
	[tilespmem:$0x1D000] =	vst v63  }
0x111: {  	s4 =	sadd.s32 s6, s4;
	s5 =	simm.s32 $0x1C200  }
0x112: {  	[hbm4b:s4+s7] =	stream.linear.scatter [tilespmem:s5], [sflag:$0x3], $0x200, $0x38;
	[tilespmem:$0x1D000] =	vst v63  }
0x113: {  	s6 =	simm.s32 $0x1C600;
	s4 =	sadd.s32 $0x80, s4  }
0x114: {  	[hbm4b:s4+s7] =	stream.linear.scatter [tilespmem:s6], [sflag:$0x3], $0x200, $0x38;
	[tilespmem:$0x1D000] =	vst v63  }
0x115: {  	s4 =	simm.s32 @!p0 $0x4  }
0x116: {  	_ =	swait.ge @!p0 [sflag:s4], $0x400  }
0x117: {  	[sflag:s4] =	ssyncset.done @!p0 $0x0  }
0x118: {  	[sflag:s4] =	ssyncadd.s32 @!p0 $0xFFFFFC00  }
0x119: {  	_ =	swait.ge @!p0 [sflag:s4], $0x400  }
0x11a: {  	[sflag:s4] =	ssyncset.done @!p0 $0x0  }
0x11b: {  	s7 =	rddreg [dreg:$0x1e];
	[sflag:s4] =	ssyncadd.s32 @!p0 $0xFFFFFC00  }
0x11c: {  	v0 =	vld [tilespmem:s7+$0x0];
	_ =	sdelay $0x4  }
0x11d: {  	v13 =	vand.u32 $0xFFFF, v0;
	_ =	sdelay $0x1  }
0x11e: {  	s8 =	rddreg [dreg:$0x1c]  }
0x11f: {  	s9 =	rddreg [dreg:$0x1d];
	v1 =	vld [tilespmem:s8+$0x0]  }
0x120: {  	v2 =	vld [tilespmem:s9+$0x0];
	v11 =	vshrl.u32 v0, $0x10  }
0x121: {  	v0 =	vld.idx.msk [tilespmem:v13+s30+$0x0], $0xffff;
	_ =	sdelay $0x2  }
0x122: {  	v4 =	vshrl.u32 v1, $0x10;
	v5 =	vand.u32 $0xFFFF0000, v1  }
0x123: {  	v7 =	vshrl.u32 v2, $0x10;
	v8 =	vand.u32 $0xFFFF0000, v2;
	v15 =	vor.u32 v5, v4;
	v6 =	vld.idx.msk [tilespmem:v11+s30+$0x0], $0xffff  }
0x124: {  	v4 =	vand.u32 $0xFFFF, v1;
	v1 =	vshll.u32 v1, $0x10;
	v5 =	vmul.bf16 v15, v0  }
0x125: {  	v9 =	vand.u32 $0xFFFF, v2;
	v12 =	vor.u32 v8, v7;
	v14 =	vor.u32 v1, v4  }
0x126: {  	v3 =	vld [tilespmem:s7+$0xFFFFFFF0];
	v1 =	vshll.u32 v2, $0x10;
	v0 =	vmul.bf16 v0, v12;
	v2 =	vadd.bf16 v14, v5  }
0x127: {  	v10 =	vor.u32 v1, v9  }
0x128: {  	v0 =	vadd.bf16 v10, v0;
	v1 =	vmul.bf16 v6, v2  }
0x129: {  	s13 =	simm.s32 $0x0  }
0x12a: {  	s20 =	simm.s32 $0x10;
	s10 =	sand.u32 $0x400, s13;
	v0 =	vadd.bf16 v1, v0  }
0x12b: {  	s11 =	sor.u32 $0x1C800, s10;
	s14 =	sand.u32 $0x70, s20;
	v26 =	vand.u32 $0xFFFF, v3  }
0x12c: {  	s12 =	sor.u32 s14, s11;
	v1 =	vld [tilespmem:s8+$0xFFFFFFF0];
	v2 =	vunpack.i.l.bf16.f32 v0  }
0x12d: {  	v0 =	vunpack.i.u.bf16.f32 v0;
	[tilespmem:s12+$0x0] =	vst v2  }
0x12e: {  	v2 =	vld [tilespmem:s9+$0xFFFFFFF0];
	[tilespmem:s12+$0x200] =	vst v0  }
0x12f: {  	v5 =	vld.idx.msk [tilespmem:v13+s31+$0x0], $0xffff  }
0x130: {  	v27 =	vshrl.u32 v3, $0x10;
	v4 =	vld.idx.msk [tilespmem:v26+s30+$0x0], $0xffff  }
0x131: {  	s15 =	sadd.s32 $0x20, s7;
	v0 =	vshrl.u32 v1, $0x10;
	v3 =	vand.u32 $0xFFFF0000, v1  }
0x132: {  	v0 =	vor.u32 v3, v0;
	v3 =	vld [tilespmem:s15+$0x0]  }
0x133: {  	v9 =	vld.idx.msk [tilespmem:v11+s31+$0x0], $0xffff;
	v16 =	vand.u32 $0xFFFF, v1;
	v1 =	vshll.u32 v1, $0x10  }
0x134: {  	v6 =	vshrl.u32 v2, $0x10;
	v8 =	vand.u32 $0xFFFF0000, v2;
	v17 =	vmul.bf16 v5, v15  }
0x135: {  	v18 =	vld.idx.msk [tilespmem:v27+s30+$0x0], $0xffff;
	v7 =	vmul.bf16 v0, v4;
	v19 =	vand.u32 $0xFFFF, v2;
	v6 =	vor.u32 v8, v6  }
0x136: {  	v8 =	vor.u32 v1, v16;
	v1 =	vmul.bf16 v5, v12;
	v5 =	vadd.bf16 v14, v17  }
0x137: {  	v2 =	vshll.u32 v2, $0x10;
	v16 =	vmul.bf16 v4, v6;
	v23 =	vand.u32 $0xFFFF, v3  }
0x138: {  	v7 =	vadd.bf16 v8, v7;
	v1 =	vadd.bf16 v10, v1;
	v5 =	vmul.bf16 v9, v5  }
0x139: {  	s16 =	sadd.s32 $0x20, s8;
	v4 =	vor.u32 v2, v19;
	v2 =	vld [tilespmem:s15+$0xFFFFFFF0];
	v22 =	vshrl.u32 v3, $0x10  }
0x13a: {  	s17 =	sadd.s32 $0x20, s9;
	v7 =	vmul.bf16 v18, v7;
	v9 =	vadd.bf16 v4, v16;
	v1 =	vadd.bf16 v5, v1;
	v5 =	vld [tilespmem:s16+$0x0]  }
0x13b: {  	v16 =	vld [tilespmem:s17+$0x0]  }
0x13c: {  	v7 =	vadd.bf16 v7, v9;
	v3 =	vld.idx.msk [tilespmem:v23+s30+$0x0], $0xffff  }
0x13d: {  	v9 =	vunpack.i.l.bf16.f32 v1  }
0x13e: {  	v1 =	vunpack.i.u.bf16.f32 v1;
	[tilespmem:s12+$0x80] =	vst v9;
	v9 =	vunpack.i.u.bf16.f32 v7  }
0x13f: {  	v21 =	vld.idx.msk [tilespmem:v22+s30+$0x0], $0xffff;
	[tilespmem:s12+$0x280] =	vst v1;
	v1 =	vand.u32 $0xFFFF, v2;
	v19 =	vshrl.u32 v5, $0x10;
	v20 =	vand.u32 $0xFFFF0000, v5  }
0x140: {  	v25 =	vshrl.u32 v16, $0x10;
	v28 =	vand.u32 $0xFFFF0000, v16;
	v18 =	vld.idx.msk [tilespmem:v13+s1+$0x0], $0xffff;
	v24 =	vor.u32 v20, v19  }
0x141: {  	v17 =	vld [tilespmem:s16+$0xFFFFFFF0];
	v19 =	vand.u32 $0xFFFF, v5;
	v5 =	vshll.u32 v5, $0x10;
	v20 =	vmul.bf16 v24, v3  }
0x142: {  	v31 =	vand.u32 $0xFFFF, v16;
	v28 =	vor.u32 v28, v25;
	v29 =	vor.u32 v5, v19  }
0x143: {  	v16 =	vshll.u32 v16, $0x10;
	v19 =	vmul.bf16 v3, v28;
	v20 =	vadd.bf16 v29, v20  }
0x144: {  	v7 =	vunpack.i.l.bf16.f32 v7;
	v25 =	vor.u32 v16, v31;
	v5 =	vld.idx.msk [tilespmem:v11+s1+$0x0], $0xffff;
	v3 =	vshrl.u32 v2, $0x10  }
0x145: {  	v30 =	vld [tilespmem:s17+$0xFFFFFFF0];
	v2 =	vmul.bf16 v18, v15;
	v19 =	vadd.bf16 v25, v19;
	v20 =	vmul.bf16 v21, v20  }
0x146: {  	s19 =	sand.u32 $0x60, s13;
	s4 =	simm.s32 $0x100;
	v16 =	vshrl.u32 v17, $0x10;
	v38 =	vld.idx.msk [tilespmem:v1+s30+$0x0], $0xffff;
	v18 =	vmul.bf16 v18, v12;
	v21 =	vand.u32 $0xFFFF0000, v17  }
0x147: {  	s21 =	sand.u32 $0x400, s4;
	s7 =	simm.s32 $0x30;
	s9 =	sor.u32 s19, s11;
	v31 =	vadd.bf16 v14, v2;
	v2 =	vor.u32 v21, v16;
	v16 =	vadd.bf16 v20, v19  }
0x148: {  	s22 =	sor.u32 $0x1C800, s21;
	s23 =	sand.u32 $0x70, s7;
	v39 =	vand.u32 $0xFFFF, v17;
	[tilespmem:s9+$0x0] =	vst v7;
	v18 =	vadd.bf16 v10, v18  }
0x149: {  	s18 =	sor.u32 s23, s22;
	[tilespmem:s9+$0x200] =	vst v9;
	v17 =	vshll.u32 v17, $0x10;
	v5 =	vmul.bf16 v5, v31;
	v21 =	vunpack.i.l.bf16.f32 v16  }
0x14a: {  	s24 =	sand.u32 $0x7, s13;
	v9 =	vor.u32 v17, v39;
	v19 =	vshrl.u32 v30, $0x10;
	v31 =	vld.idx.msk [tilespmem:v3+s30+$0x0], $0xffff;
	v16 =	vunpack.i.u.bf16.f32 v16;
	[tilespmem:s18+$0x0] =	vst v21  }
0x14b: {  	s11 =	sshll.u32 s24, $0x4;
	v7 =	vmul.bf16 v2, v38;
	v20 =	vand.u32 $0xFFFF0000, v30;
	v18 =	vadd.bf16 v5, v18;
	[tilespmem:s18+$0x200] =	vst v16  }
0x14c: {  	s11 =	sadd.s32 $0x0, s11;
	v5 =	vor.u32 v20, v19;
	v19 =	vand.u32 $0xFFFF, v30;
	v30 =	vshll.u32 v30, $0x10;
	v17 =	vld.idx.msk [tilespmem:v23+s31+$0x0], $0xffff  }
0x14d: {  	s11 =	sadd.s32 $0x10, s11;
	s15 =	sadd.s32 $0x20, s15;
	v40 =	vadd.bf16 v9, v7;
	v16 =	vmul.bf16 v38, v5;
	v21 =	vld.idx.msk [tilespmem:v26+s31+$0x0], $0xffff;
	v20 =	vunpack.i.l.bf16.f32 v18  }
0x14e: {  	s25 =	sor.u32 $0x300, s11;
	v7 =	vor.u32 v30, v19;
	v19 =	vld [tilespmem:s15+$0x0];
	v18 =	vunpack.i.u.bf16.f32 v18;
	[tilespmem:s12+$0x100] =	vst v20  }
0x14f: {  	v30 =	vld.idx.msk [tilespmem:v22+s31+$0x0], $0xffff;
	v16 =	vadd.bf16 v7, v16;
	[tilespmem:s25+$0x1C800] =	vst v18;
	v18 =	vmul.bf16 v31, v40  }
0x150: {  	v20 =	vld.idx.msk [tilespmem:v13+s2+$0x0], $0xffff  }
0x151: {  	s14 =	simm.s32 $0x20;
	v31 =	vld.idx.msk [tilespmem:v27+s31+$0x0], $0xffff;
	v13 =	vadd.bf16 v18, v16;
	v16 =	vmul.bf16 v17, v24  }
0x152: {  	s26 =	sand.u32 $0x60, s14;
	v18 =	vmul.bf16 v21, v0;
	v21 =	vmul.bf16 v21, v6  }
0x153: {  	s10 =	sor.u32 s26, s22;
	v41 =	vld [tilespmem:s15+$0xFFFFFFF0];
	v17 =	vmul.bf16 v17, v28;
	v42 =	vunpack.i.l.bf16.f32 v13;
	v16 =	vadd.bf16 v29, v16  }
0x154: {  	v44 =	vld.idx.msk [tilespmem:v11+s2+$0x0], $0xffff;
	v18 =	vadd.bf16 v8, v18;
	v43 =	vunpack.i.u.bf16.f32 v13;
	v13 =	vand.u32 $0xFFFF, v19;
	[tilespmem:s10+$0x0] =	vst v42  }
0x155: {  	[tilespmem:s10+$0x200] =	vst v43;
	v11 =	vmul.bf16 v20, v15;
	v15 =	vadd.bf16 v25, v17;
	v16 =	vmul.bf16 v30, v16  }
0x156: {  	s0 =	sadd.s32 $0x20, s16;
	v17 =	vmul.bf16 v31, v18;
	v18 =	vadd.bf16 v4, v21;
	v21 =	vld.idx.msk [tilespmem:v1+s31+$0x0], $0xffff;
	v20 =	vmul.bf16 v20, v12  }
0x157: {  	s3 =	sadd.s32 $0x20, s17;
	v12 =	vshrl.u32 v19, $0x10;
	v14 =	vadd.bf16 v14, v11;
	v15 =	vadd.bf16 v16, v15;
	v16 =	vld [tilespmem:s0+$0x0]  }
0x158: {  	v17 =	vadd.bf16 v17, v18;
	v18 =	vld [tilespmem:s3+$0x0]  }
0x159: {  	v11 =	vand.u32 $0xFFFF, v41;
	v19 =	vadd.bf16 v10, v20;
	v20 =	vld.idx.msk [tilespmem:v13+s30+$0x0], $0xffff;
	v14 =	vmul.bf16 v44, v14  }
0x15a: {  	v30 =	vunpack.i.u.bf16.f32 v17;
	v31 =	vunpack.i.l.bf16.f32 v17;
	v10 =	vunpack.i.l.bf16.f32 v15  }
0x15b: {  	v15 =	vunpack.i.u.bf16.f32 v15;
	v46 =	vmul.bf16 v21, v2;
	v47 =	vmul.bf16 v21, v5;
	[tilespmem:s18+$0x80] =	vst v10  }
0x15c: {  	v21 =	vld.idx.msk [tilespmem:v12+s30+$0x0], $0xffff;
	v34 =	vadd.bf16 v14, v19;
	[tilespmem:s18+$0x280] =	vst v15;
	v14 =	vshrl.u32 v16, $0x10;
	v15 =	vand.u32 $0xFFFF0000, v16  }
0x15d: {  	v19 =	vld.idx.msk [tilespmem:v23+s1+$0x0], $0xffff;
	v17 =	vshrl.u32 v18, $0x10;
	v48 =	vand.u32 $0xFFFF0000, v18;
	v15 =	vor.u32 v15, v14  }
0x15e: {  	v45 =	vld [tilespmem:s0+$0xFFFFFFF0];
	v50 =	vand.u32 $0xFFFF, v16;
	v16 =	vshll.u32 v16, $0x10;
	v51 =	vmul.bf16 v15, v20  }
0x15f: {  	v53 =	vand.u32 $0xFFFF, v18;
	v14 =	vor.u32 v48, v17;
	v17 =	vor.u32 v16, v50  }
0x160: {  	v16 =	vshll.u32 v18, $0x10;
	v18 =	vmul.bf16 v20, v14;
	v20 =	vadd.bf16 v17, v51  }
0x161: {  	v10 =	vshrl.u32 v41, $0x10;
	v54 =	vld.idx.msk [tilespmem:v22+s1+$0x0], $0xffff;
	v16 =	vor.u32 v16, v53  }
0x162: {  	v52 =	vld [tilespmem:s3+$0xFFFFFFF0];
	v56 =	vmul.bf16 v19, v24;
	v18 =	vadd.bf16 v16, v18;
	v20 =	vmul.bf16 v21, v20  }
0x163: {  	v55 =	vshrl.u32 v45, $0x10;
	s11 =	simm.s32 $0x200;
	[tilespmem:s9+$0x80] =	vst v31  }
0x164: {  	s21 =	simm.s32 $0x50;
	s17 =	sand.u32 $0x400, s11;
	v49 =	vld.idx.msk [tilespmem:v11+s30+$0x0], $0xffff;
	v19 =	vmul.bf16 v19, v28;
	v31 =	vadd.bf16 v29, v56;
	v20 =	vadd.bf16 v20, v18  }
0x165: {  	s23 =	sand.u32 $0x70, s21;
	v57 =	vand.u32 $0xFFFF0000, v45;
	v60 =	vand.u32 $0xFFFF, v45;
	v32 =	vshll.u32 v45, $0x10;
	s22 =	sor.u32 $0x1C800, s17  }
0x166: {  	s19 =	simm.s32 $0x2;
	s8 =	sor.u32 s23, s22;
	v62 =	vld.idx.msk [tilespmem:v3+s31+$0x0], $0xffff;
	[tilespmem:s9+$0x280] =	vst v30;
	v19 =	vadd.bf16 v25, v19;
	v31 =	vmul.bf16 v54, v31;
	v61 =	vunpack.i.l.bf16.f32 v20  }
0x167: {  	s16 =	sand.u32 $0x7, s19;
	v30 =	vshrl.u32 v52, $0x10;
	v59 =	vld.idx.msk [tilespmem:v10+s30+$0x0], $0xffff;
	v18 =	vand.u32 $0xFFFF0000, v52;
	v20 =	vunpack.i.u.bf16.f32 v20;
	[tilespmem:s8+$0x0] =	vst v61  }
0x168: {  	s16 =	sshll.u32 s16, $0x4;
	v21 =	vor.u32 v57, v55;
	v18 =	vor.u32 v18, v30;
	v30 =	vadd.bf16 v31, v19;
	[tilespmem:s8+$0x200] =	vst v20  }
0x169: {  	s16 =	sadd.s32 $0x100, s16;
	v33 =	vadd.bf16 v9, v46;
	v38 =	vmul.bf16 v21, v49;
	v31 =	vand.u32 $0xFFFF, v52;
	v46 =	vld.idx.msk [tilespmem:v13+s31+$0x0], $0xffff  }
0x16a: {  	s16 =	sadd.s32 $0x10, s16;
	v58 =	vld.idx.msk [tilespmem:v26+s1+$0x0], $0xffff;
	v19 =	vor.u32 v32, v60;
	v63 =	vmul.bf16 v49, v18;
	v45 =	vunpack.i.l.bf16.f32 v30  }
0x16b: {  	s16 =	sor.u32 $0x300, s16;
	v20 =	vshll.u32 v52, $0x10;
	v38 =	vadd.bf16 v19, v38;
	v30 =	vunpack.i.u.bf16.f32 v30;
	[tilespmem:s18+$0x100] =	vst v45  }
0x16c: {  	v20 =	vor.u32 v20, v31;
	v50 =	vld.idx.msk [tilespmem:v12+s31+$0x0], $0xffff;
	[tilespmem:s16+$0x1C800] =	vst v30  }
0x16d: {  	v32 =	vadd.bf16 v20, v63;
	v36 =	vmul.bf16 v59, v38;
	v23 =	vld.idx.msk [tilespmem:v23+s2+$0x0], $0xffff  }
0x16e: {  	v47 =	vadd.bf16 v7, v47;
	v53 =	vmul.bf16 v46, v15  }
0x16f: {  	s17 =	simm.s32 $0x40;
	v48 =	vmul.bf16 v58, v6;
	v30 =	vmul.bf16 v62, v33;
	v32 =	vadd.bf16 v36, v32  }
0x170: {  	s24 =	sand.u32 $0x60, s17;
	v31 =	vmul.bf16 v58, v0;
	v55 =	vmul.bf16 v46, v14;
	v57 =	vadd.bf16 v17, v53  }
0x171: {  	s23 =	sadd.s32 $0x20, s15;
	s22 =	sor.u32 s24, s22;
	v44 =	vld.idx.msk [tilespmem:v27+s1+$0x0], $0xffff;
	v30 =	vadd.bf16 v30, v47;
	v52 =	vunpack.i.l.bf16.f32 v32;
	v32 =	vunpack.i.u.bf16.f32 v32  }
0x172: {  	v49 =	vld [tilespmem:s23+$0x0];
	[tilespmem:s22+$0x200] =	vst v32;
	v39 =	vadd.bf16 v16, v55;
	v58 =	vmul.bf16 v23, v24;
	v32 =	vmul.bf16 v50, v57  }
0x173: {  	s6 =	sadd.s32 $0x20, s3;
	v56 =	vld [tilespmem:s23+$0xFFFFFFF0];
	v31 =	vadd.bf16 v8, v31;
	v54 =	vunpack.i.u.bf16.f32 v30;
	v30 =	vunpack.i.l.bf16.f32 v30  }
0x174: {  	s15 =	sadd.s32 $0x20, s0;
	v62 =	vld [tilespmem:s6+$0x0];
	[tilespmem:s22+$0x0] =	vst v52;
	v23 =	vmul.bf16 v23, v28;
	v28 =	vadd.bf16 v29, v58;
	v29 =	vadd.bf16 v32, v39  }
0x175: {  	v60 =	vld [tilespmem:s15+$0x0];
	[tilespmem:s10+$0x80] =	vst v30  }
0x176: {  	v51 =	vadd.bf16 v4, v48;
	v22 =	vld.idx.msk [tilespmem:v22+s2+$0x0], $0xffff;
	v31 =	vmul.bf16 v44, v31;
	[tilespmem:s10+$0x280] =	vst v54;
	v54 =	vunpack.i.l.bf16.f32 v29  }
0x177: {  	v59 =	vld.idx.msk [tilespmem:v11+s31+$0x0], $0xffff;
	v24 =	vand.u32 $0xFFFF, v49;
	[tilespmem:s8+$0x80] =	vst v54  }
0x178: {  	v35 =	vunpack.i.l.bf16.f32 v34;
	v31 =	vadd.bf16 v31, v51;
	s26 =	sld [smem:$0x7FD]  }
0x179: {  	v47 =	vshrl.u32 v62, $0x10;
	v48 =	vand.u32 $0xFFFF0000, v62;
	v52 =	vand.u32 $0xFFFF, v62;
	v30 =	vld.idx.msk [tilespmem:v1+s1+$0x0], $0xffff  }
0x17a: {  	v41 =	vunpack.i.u.bf16.f32 v31;
	v61 =	vadd.bf16 v25, v23;
	v23 =	vand.u32 $0xFFFF, v56  }
0x17b: {  	s14 =	sor.u32 s14, s4;
	s25 =	sand.u32 $0x3, s13;
	v25 =	vshrl.u32 v49, $0x10;
	v32 =	vshll.u32 v60, $0x10;
	v28 =	vmul.bf16 v22, v28;
	s0 =	sor.u32 $0x1, s26  }
0x17c: {  	s5 =	sshll.u32 s25, $0x5;
	s3 =	simm.s32 $0x2;
	v22 =	vshrl.u32 v56, $0x10;
	v55 =	vmul.bf16 v59, v21;
	v63 =	vld.idx.msk [tilespmem:v24+s30+$0x0], $0xffff;
	v29 =	vunpack.i.u.bf16.f32 v29;
	[smem:$0x7FA] =	sst s0  }
0x17d: {  	s14 =	sor.u32 $0x380, s14;
	s5 =	sadd.s32 $0x0, s5;
	s25 =	sand.u32 $0x3, s3;
	v56 =	vunpack.i.l.bf16.f32 v31;
	v37 =	vmul.bf16 v59, v18;
	v28 =	vadd.bf16 v28, v61;
	v43 =	vld [tilespmem:s15+$0xFFFFFFF0];
	[tilespmem:s8+$0x280] =	vst v29  }
0x17e: {  	s17 =	sor.u32 s17, s11;
	s24 =	sor.u32 $0x300, s5;
	s19 =	sshll.u32 s25, $0x5;
	v31 =	vand.u32 $0xFFFF0000, v60;
	v59 =	vshll.u32 v62, $0x10;
	v36 =	vmul.bf16 v30, v2;
	v57 =	vld.idx.msk [tilespmem:v13+s1+$0x0], $0xffff  }
0x17f: {  	s19 =	sadd.s32 $0x200, s19;
	s23 =	sadd.s32 $0x20, s23;
	s2 =	sor.u32 s13, s13;
	v40 =	vadd.bf16 v19, v55;
	v44 =	vunpack.i.l.bf16.f32 v28;
	v29 =	vshrl.u32 v60, $0x10;
	v51 =	vld [tilespmem:s6+$0xFFFFFFF0]  }
0x180: {  	s13 =	sor.u32 s20, s13;
	s20 =	sor.u32 $0x300, s19;
	s5 =	sor.u32 $0x380, s2;
	v46 =	vunpack.i.u.bf16.f32 v28;
	v58 =	vld.idx.msk [tilespmem:v25+s30+$0x0], $0xffff;
	v28 =	vor.u32 v31, v29;
	v31 =	vor.u32 v48, v47  }
0x181: {  	s13 =	sor.u32 $0x380, s13;
	s26 =	sor.u32 s7, s4;
	s4 =	simm.s32 $0x3;
	v49 =	vld.idx.msk [tilespmem:v23+s30+$0x0], $0xffff;
	[tilespmem:s12+$0x180] =	vst v35;
	v29 =	vand.u32 $0xFFFF, v60;
	v50 =	vmul.bf16 v28, v63;
	v38 =	vmul.bf16 v63, v31  }
0x182: {  	v34 =	vunpack.i.u.bf16.f32 v34;
	s7 =	simm.s32 $0x6;
	s0 =	simm.s32 $0x1;
	s2 =	sand.u32 $0x3, s4;
	[tilespmem:s9+$0x100] =	vst v56;
	v47 =	vld.idx.msk [tilespmem:v12+s1+$0x0], $0xffff;
	v29 =	vor.u32 v32, v29;
	v32 =	vor.u32 v59, v52  }
0x183: {  	s16 =	sand.u32 $0x3, s0;
	s12 =	sor.u32 $0x380, s17;
	s0 =	sor.u32 $0x380, s26;
	[tilespmem:s18+$0x180] =	vst v44;
	v60 =	vadd.bf16 v29, v50;
	v38 =	vadd.bf16 v32, v38;
	v62 =	vmul.bf16 v57, v15  }
0x184: {  	s25 =	sshll.u32 s2, $0x5;
	s17 =	simm.s32 $0x60;
	s26 =	simm.s32 $0x4;
	[tilespmem:s13+$0x1C800] =	vst v34;
	v61 =	vshrl.u32 v43, $0x10;
	v52 =	vand.u32 $0xFFFF0000, v43;
	v55 =	vshrl.u32 v51, $0x10  }
0x185: {  	s2 =	simm.s32 $0x10000;
	s16 =	sshll.u32 s16, $0x5;
	s13 =	simm.s32 $0x300;
	[tilespmem:s24+$0x1C800] =	vst v41;
	v63 =	vmul.bf16 v58, v60;
	v53 =	vmul.bf16 v57, v14;
	v54 =	vadd.bf16 v17, v62  }
0x186: {  	v39 =	vld.idx.msk [tilespmem:v3+s1+$0x0], $0xffff;
	s24 =	simm.s32 $0x70;
	s29 =	sand.u32 $0x7, s26;
	[tilespmem:s0+$0x1C800] =	vst v46;
	s0 =	simm.s32 $0x12000;
	v59 =	vand.u32 $0xFFFF, v43;
	v33 =	vor.u32 v52, v61;
	v58 =	vand.u32 $0xFFFF0000, v51  }
0x187: {  	s1 =	simm.s32 $0xE000;
	s3 =	sand.u32 $0x60, s17;
	s28 =	sand.u32 $0x400, s13;
	v57 =	vld.idx.msk [tilespmem:v10+s31+$0x0], $0xffff;
	v38 =	vadd.bf16 v63, v38;
	v34 =	vadd.bf16 v16, v53;
	v47 =	vmul.bf16 v47, v54  }
0x188: {  	v41 =	vld.idx.msk [tilespmem:v22+s30+$0x0], $0xffff;
	s25 =	sadd.s32 $0x300, s25;
	s18 =	sor.u32 $0x1C800, s28;
	s28 =	sand.u32 $0x70, s24;
	v43 =	vshll.u32 v43, $0x10;
	v56 =	vmul.bf16 v33, v49;
	v35 =	vor.u32 v58, v55  }
0x189: {  	s16 =	sadd.s32 $0x100, s16;
	s19 =	sor.u32 s28, s18;
	s28 =	sshll.u32 s29, $0x4;
	v60 =	vunpack.i.l.bf16.f32 v38;
	v61 =	vunpack.i.u.bf16.f32 v38;
	v38 =	vld.idx.msk [tilespmem:v26+s0+$0x0], $0xffff;
	v62 =	vadd.bf16 v47, v34  }
0x18a: {  	s16 =	sor.u32 $0x300, s16;
	s18 =	sor.u32 s3, s18;
	s29 =	sadd.s32 $0x200, s28;
	v44 =	vmul.bf16 v49, v35;
	v63 =	vshll.u32 v51, $0x10;
	[tilespmem:s19+$0x0] =	vst v60;
	v34 =	vor.u32 v43, v59  }
0x18b: {  	v27 =	vld.idx.msk [tilespmem:v27+s0+$0x0], $0xffff;
	s3 =	sor.u32 s17, s13;
	s28 =	sor.u32 $0x300, s25;
	s29 =	sadd.s32 $0x10, s29;
	v26 =	vand.u32 $0xFFFF, v51;
	[tilespmem:s19+$0x200] =	vst v61;
	v45 =	vadd.bf16 v34, v56;
	v47 =	vunpack.i.l.bf16.f32 v62  }
0x18c: {  	s25 =	sor.u32 $0x380, s3;
	s31 =	simm.s32 $0xC000;
	s29 =	sor.u32 $0x300, s29;
	v26 =	vor.u32 v63, v26;
	v42 =	vld.idx.msk [tilespmem:v24+s1+$0x0], $0xffff;
	v43 =	vmul.bf16 v57, v40;
	v40 =	vunpack.i.u.bf16.f32 v62;
	[tilespmem:s8+$0x100] =	vst v47  }
.LBB2_6:
0x18d: {  	v46 =	vld [tilespmem:s23+$0x0];
	v44 =	vadd.bf16 v26, v44;
	v41 =	vmul.bf16 v41, v45;
	v37 =	vadd.bf16 v20, v37;
	[tilespmem:s29+$0x1C800] =	vst v40  }
0x18e: {  	v47 =	vmul.bf16 v30, v5;
	v30 =	vadd.bf16 v9, v36;
	v48 =	vmul.bf16 v38, v0;
	v45 =	vld.idx.msk [tilespmem:v13+s0+$0x0], $0xffff  }
0x18f: {  	v6 =	vmul.bf16 v38, v6;
	v36 =	vadd.bf16 v41, v44;
	v41 =	vld.idx.msk [tilespmem:v25+s1+$0x0], $0xffff;
	v37 =	vadd.bf16 v43, v37  }
0x190: {  	v13 =	vmovc v24;
	v40 =	vadd.bf16 v7, v47;
	v30 =	vmul.bf16 v39, v30;
	v8 =	vadd.bf16 v8, v48;
	v38 =	vld [tilespmem:s23+$0xFFFFFFF0]  }
0x191: {  	v0 =	vmovc v2;
	v2 =	vmovc v21;
	v39 =	vmul.bf16 v42, v28;
	v24 =	vunpack.i.u.bf16.f32 v36;
	v36 =	vunpack.i.l.bf16.f32 v36  }
0x192: {  	v21 =	vunpack.i.u.bf16.f32 v37;
	v43 =	vadd.bf16 v30, v40;
	[tilespmem:s18+$0x0] =	vst v36;
	v36 =	vunpack.i.l.bf16.f32 v37;
	v37 =	vld.idx.msk [tilespmem:v12+s0+$0x0], $0xffff;
	v12 =	vmovc v25  }
0x193: {  	s7 =	sadd.s32 $0x2, s7;
	v8 =	vmul.bf16 v27, v8;
	v25 =	vmul.bf16 v42, v31;
	v30 =	vadd.bf16 v29, v39;
	[tilespmem:s18+$0x200] =	vst v24  }
0x194: {  	p0 =	slt.u32 s7, $0xE;
	v24 =	vand.u32 $0xFFFF, v46;
	v39 =	vunpack.i.u.bf16.f32 v43;
	v27 =	vld.idx.msk [tilespmem:v23+s1+$0x0], $0xffff;
	[tilespmem:s22+$0x80] =	vst v36;
	v36 =	vmul.bf16 v45, v15;
	v15 =	vmovc v28  }
0x195: {  	v25 =	vadd.bf16 v32, v25;
	v28 =	vmul.bf16 v41, v30;
	v44 =	vand.u32 $0xFFFF, v38;
	v40 =	vld.idx.msk [tilespmem:v22+s1+$0x0], $0xffff;
	[tilespmem:s22+$0x280] =	vst v21  }
0x196: {  	s6 =	sadd.s32 $0x20, s6;
	v42 =	vshrl.u32 v38, $0x10;
	v38 =	vmul.bf16 v45, v14;
	v14 =	vmovc v31;
	v30 =	vld.idx.msk [tilespmem:v11+s2+$0x0], $0xffff;
	v36 =	vadd.bf16 v17, v36  }
0x197: {  	s15 =	sadd.s32 $0x20, s15;
	v4 =	vadd.bf16 v4, v6;
	v31 =	vunpack.i.l.bf16.f32 v43;
	v21 =	vmovc v33;
	v28 =	vadd.bf16 v28, v25;
	v17 =	vmovc v29;
	v45 =	vld [tilespmem:s6+$0x0]  }
0x198: {  	v25 =	vshrl.u32 v46, $0x10;
	v33 =	vadd.bf16 v16, v38;
	v16 =	vmovc v32;
	v29 =	vld [tilespmem:s15+$0x0];
	v36 =	vmul.bf16 v37, v36;
	[tilespmem:s10+$0x100] =	vst v31  }
0x199: {  	v6 =	vmovc v5;
	v5 =	vmov v18;
	v4 =	vadd.bf16 v8, v4;
	v31 =	vunpack.i.l.bf16.f32 v28;
	v32 =	vld.idx.msk [tilespmem:v24+s31+$0x0], $0xffff;
	[tilespmem:s16+$0x1C800] =	vst v39;
	s16 =	smov.u32 s20;
	s20 =	smov.u32 s28  }
0x19a: {  	v18 =	vmovc v35;
	v38 =	vmul.bf16 v27, v21;
	v39 =	vunpack.i.u.bf16.f32 v28;
	v43 =	vld [tilespmem:s15+$0xFFFFFFF0];
	[tilespmem:s19+$0x80] =	vst v31;
	v28 =	vadd.bf16 v36, v33  }
0x19b: {  	v8 =	vmovc v9;
	v37 =	vmul.bf16 v27, v18;
	v27 =	vunpack.i.u.bf16.f32 v4;
	v4 =	vunpack.i.l.bf16.f32 v4;
	v46 =	vld.idx.msk [tilespmem:v44+s31+$0x0], $0xffff;
	[tilespmem:s19+$0x280] =	vst v39  }
0x19c: {  	s28 =	sor.u32 s21, s11;
	s11 =	smov.u32 s13;
	s21 =	smov.u32 s24;
	v47 =	vadd.bf16 v34, v38;
	v36 =	vmul.bf16 v30, v2;
	v35 =	vld.idx.msk [tilespmem:v13+s2+$0x0], $0xffff;
	v39 =	vunpack.i.l.bf16.f32 v28;
	[tilespmem:s9+$0x180] =	vst v4  }
0x19d: {  	v9 =	vmovc v19;
	v19 =	vmovc v34;
	v38 =	vunpack.i.u.bf16.f32 v28;
	s9 =	smov.u32 s10;
	s10 =	smov.u32 s22;
	v41 =	vshrl.u32 v29, $0x10;
	v31 =	vand.u32 $0xFFFF0000, v29;
	v33 =	vld.idx.msk [tilespmem:v25+s31+$0x0], $0xffff;
	[tilespmem:s8+$0x180] =	vst v39;
	s8 =	sor.u32 $0x380, s28  }
0x19e: {  	v34 =	vshrl.u32 v45, $0x10;
	v4 =	vmovc v7;
	v7 =	vmovc v20;
	s22 =	smov.u32 s18;
	v39 =	vand.u32 $0xFFFF0000, v45;
	v48 =	vld [tilespmem:s6+$0xFFFFFFF0];
	v28 =	vor.u32 v31, v41;
	[tilespmem:s8+$0x1C800] =	vst v38;
	s8 =	smov.u32 s19  }
0x19f: {  	v20 =	vmovc v26;
	v38 =	vand.u32 $0xFFFF, v29;
	v29 =	vshll.u32 v29, $0x10;
	v41 =	vld.idx.msk [tilespmem:v42+s31+$0x0], $0xffff;
	v49 =	vmul.bf16 v28, v32;
	[tilespmem:s5+$0x1C800] =	vst v27;
	s5 =	smov.u32 s14;
	s14 =	smov.u32 s12;
	s12 =	smov.u32 s25  }
0x1a0: {  	v26 =	vand.u32 $0xFFFF, v45;
	v31 =	vor.u32 v39, v34;
	v29 =	vor.u32 v29, v38;
	v34 =	vld.idx.msk [tilespmem:v12+s2+$0x0], $0xffff  }
0x1a1: {  	v27 =	vshll.u32 v45, $0x10;
	v45 =	vmul.bf16 v32, v31;
	v49 =	vadd.bf16 v29, v49;
	v39 =	vld.idx.msk [tilespmem:v10+s2+$0x0], $0xffff  }
0x1a2: {  	s4 =	sadd.s32 $0x1, s4;
	v50 =	vshrl.u32 v43, $0x10;
	v32 =	vor.u32 v27, v26;
	v26 =	vmul.bf16 v35, v15;
	v38 =	vld.idx.msk [tilespmem:v1+s0+$0x0], $0xffff;
	v1 =	vmovc v11  }
0x1a3: {  	s13 =	sadd.s32 $0x100, s13;
	s18 =	sand.u32 $0x3, s4;
	v51 =	vand.u32 $0xFFFF0000, v43;
	v45 =	vadd.bf16 v32, v45;
	v11 =	vmovc v23;
	v49 =	vmul.bf16 v33, v49;
	v27 =	vld.idx.msk [tilespmem:v3+s0+$0x0], $0xffff  }
0x1a4: {  	s17 =	sadd.s32 $0x20, s17;
	s19 =	sand.u32 $0x400, s13;
	s25 =	sshll.u32 s18, $0x5;
	v35 =	vmul.bf16 v35, v14;
	v23 =	vmovc v44;
	v33 =	vor.u32 v51, v50;
	v26 =	vadd.bf16 v17, v26  }
0x1a5: {  	s24 =	sadd.s32 $0x10, s17;
	s18 =	sand.u32 $0x60, s17;
	s19 =	sor.u32 $0x1C800, s19;
	v44 =	vshrl.u32 v48, $0x10;
	v3 =	vmovc v10;
	v10 =	vmovc v22;
	v50 =	vmul.bf16 v33, v46;
	v45 =	vadd.bf16 v49, v45  }
0x1a6: {  	s26 =	sadd.s32 $0x2, s26;
	s28 =	sand.u32 $0x70, s24;
	s18 =	sor.u32 s18, s19;
	v51 =	vadd.bf16 v16, v35;
	v22 =	vmovc v42;
	v49 =	vand.u32 $0xFFFF0000, v48;
	v26 =	vmul.bf16 v34, v26  }
.Ltmp1:
0x1a7: {  	s19 =	sor.u32 s28, s19;
	s28 =	sand.u32 $0x7, s26;
	v42 =	vshll.u32 v43, $0x10;
	v34 =	vand.u32 $0xFFFF, v43;
	v43 =	vunpack.i.l.bf16.f32 v45;
	(pc) =	sbr.rel @p0 .LBB2_6-.Ltmp1, $4  }
0x1a8: {  	s29 =	sor.u32 s17, s13;
	s25 =	sadd.s32 s25, s13;
	s30 =	sshll.u32 s28, $0x4;
	v35 =	vor.u32 v49, v44;
	v45 =	vunpack.i.u.bf16.f32 v45;
	v49 =	vadd.bf16 v26, v51;
	[tilespmem:s19+$0x0] =	vst v43  }
0x1a9: {  	s28 =	sor.u32 $0x300, s25;
	s25 =	sor.u32 $0x380, s29;
	s29 =	sadd.s32 s11, s30;
	v34 =	vor.u32 v42, v34;
	v26 =	vand.u32 $0xFFFF, v48;
	v44 =	vmul.bf16 v46, v35;
	[tilespmem:s19+$0x200] =	vst v45  }
0x1aa: {  	s29 =	sadd.s32 $0x10, s29;
	v43 =	vshll.u32 v48, $0x10;
	v45 =	vadd.bf16 v34, v50;
	v46 =	vunpack.i.l.bf16.f32 v49;
	v42 =	vld.idx.msk [tilespmem:v24+s1+$0x0], $0xffff  }
0x1ab: {  	s23 =	sadd.s32 $0x20, s23;
	s29 =	sor.u32 $0x300, s29;
	v26 =	vor.u32 v43, v26;
	v43 =	vmul.bf16 v40, v47;
	v40 =	vunpack.i.u.bf16.f32 v49;
	[tilespmem:s8+$0x100] =	vst v46  }
0x1ac: {  	v44 =	vadd.bf16 v26, v44;
	v41 =	vmul.bf16 v41, v45;
	_ =	sdelay $0x1  }
0x1ad: {  	v41 =	vadd.bf16 v41, v44;
	_ =	sdelay $0x1  }
0x1ae: {  	v48 =	vunpack.i.l.bf16.f32 v41  }
0x1af: {  	v41 =	vunpack.i.u.bf16.f32 v41;
	[tilespmem:s18+$0x0] =	vst v48  }
0x1b0: {  	v63 =	vld.idx.msk [tilespmem:v25+s1+$0x0], $0xffff;
	[tilespmem:s18+$0x200] =	vst v41  }
0x1b1: {  	v49 =	vmul.bf16 v42, v28;
	v52 =	vld.idx.msk [tilespmem:v23+s1+$0x0], $0xffff;
	_ =	sdelay $0x1  }
0x1b2: {  	v50 =	vmul.bf16 v42, v31;
	v51 =	vadd.bf16 v29, v49;
	_ =	sdelay $0x1  }
0x1b3: {  	v41 =	vadd.bf16 v32, v50;
	v53 =	vld.idx.msk [tilespmem:v22+s1+$0x0], $0xffff;
	v42 =	vmul.bf16 v63, v51  }
0x1b4: {  	v54 =	vmul.bf16 v52, v33  }
0x1b5: {  	v37 =	vadd.bf16 v20, v37;
	v41 =	vadd.bf16 v42, v41  }
0x1b6: {  	v56 =	vmul.bf16 v52, v35;
	v42 =	vadd.bf16 v34, v54  }
0x1b7: {  	v37 =	vadd.bf16 v43, v37;
	v55 =	vunpack.i.l.bf16.f32 v41  }
0x1b8: {  	v41 =	vunpack.i.u.bf16.f32 v41;
	[tilespmem:s19+$0x80] =	vst v55;
	v43 =	vadd.bf16 v26, v56;
	v42 =	vmul.bf16 v53, v42  }
0x1b9: {  	v57 =	vunpack.i.l.bf16.f32 v37;
	[tilespmem:s19+$0x280] =	vst v41  }
0x1ba: {  	v37 =	vunpack.i.u.bf16.f32 v37;
	[tilespmem:s22+$0x80] =	vst v57;
	v58 =	vld.idx.msk [tilespmem:v24+s2+$0x0], $0xffff;
	v59 =	vadd.bf16 v42, v43  }
0x1bb: {  	[tilespmem:s22+$0x280] =	vst v37  }
0x1bc: {  	v41 =	vld.idx.msk [tilespmem:v11+s2+$0x0], $0xffff;
	v43 =	vunpack.i.l.bf16.f32 v59  }
0x1bd: {  	v37 =	vunpack.i.u.bf16.f32 v59;
	[tilespmem:s18+$0x80] =	vst v43  }
0x1be: {  	v30 =	vmul.bf16 v30, v5;
	v36 =	vadd.bf16 v9, v36;
	v60 =	vld.idx.msk [tilespmem:v25+s2+$0x0], $0xffff;
	[tilespmem:s18+$0x280] =	vst v37  }
0x1bf: {  	v61 =	vmul.bf16 v58, v28;
	v49 =	vld.idx.msk [tilespmem:v23+s2+$0x0], $0xffff  }
0x1c0: {  	v30 =	vadd.bf16 v7, v30;
	v36 =	vmul.bf16 v39, v36;
	v62 =	vld.idx.msk [tilespmem:v10+s2+$0x0], $0xffff  }
0x1c1: {  	v50 =	vmul.bf16 v41, v21;
	v63 =	vmul.bf16 v58, v31;
	v48 =	vadd.bf16 v29, v61  }
0x1c2: {  	[tilespmem:s29+$0x1C800] =	vst v40;
	v0 =	vmul.bf16 v38, v0;
	v30 =	vadd.bf16 v36, v30;
	v53 =	vmul.bf16 v41, v18  }
0x1c3: {  	s4 =	sadd.s32 $0x2, s26;
	v54 =	vadd.bf16 v19, v50;
	v51 =	vadd.bf16 v32, v63;
	v56 =	vld.idx.msk [tilespmem:v22+s2+$0x0], $0xffff;
	v52 =	vmul.bf16 v60, v48  }
0x1c4: {  	s4 =	sand.u32 $0x7, s4;
	v13 =	vld.idx.msk [tilespmem:v13+s0+$0x0], $0xffff;
	v55 =	vunpack.i.l.bf16.f32 v30;
	v30 =	vunpack.i.u.bf16.f32 v30;
	v57 =	vmul.bf16 v49, v33  }
0x1c5: {  	s4 =	sshll.u32 s4, $0x4;
	[tilespmem:s10+$0x100] =	vst v55;
	v39 =	vadd.bf16 v20, v53;
	v41 =	vmul.bf16 v62, v54;
	v36 =	vadd.bf16 v52, v51  }
0x1c6: {  	v6 =	vmul.bf16 v38, v6;
	s4 =	sadd.s32 s13, s4;
	[tilespmem:s16+$0x1C800] =	vst v30;
	v60 =	vmul.bf16 v49, v35;
	v61 =	vadd.bf16 v34, v57  }
0x1c7: {  	v0 =	vadd.bf16 v8, v0;
	s4 =	sadd.s32 $0x10, s4;
	v1 =	vld.idx.msk [tilespmem:v1+s0+$0x0], $0xffff;
	v59 =	vadd.bf16 v41, v39;
	v58 =	vunpack.i.l.bf16.f32 v36  }
0x1c8: {  	s4 =	sor.u32 $0x300, s4;
	v36 =	vunpack.i.u.bf16.f32 v36;
	[tilespmem:s19+$0x100] =	vst v58;
	v39 =	vadd.bf16 v26, v60;
	v37 =	vmul.bf16 v56, v61  }
0x1c9: {  	v12 =	vld.idx.msk [tilespmem:v12+s0+$0x0], $0xffff;
	v4 =	vadd.bf16 v4, v6;
	v0 =	vmul.bf16 v27, v0;
	[tilespmem:s4+$0x1C800] =	vst v36  }
0x1ca: {  	v63 =	vmul.bf16 v13, v15;
	v62 =	vunpack.i.l.bf16.f32 v59;
	v36 =	vld.idx.msk [tilespmem:v24+s0+$0x0], $0xffff;
	v38 =	vadd.bf16 v37, v39  }
0x1cb: {  	v0 =	vadd.bf16 v0, v4;
	v3 =	vld.idx.msk [tilespmem:v3+s0+$0x0], $0xffff;
	v13 =	vmul.bf16 v13, v14;
	v30 =	vunpack.i.u.bf16.f32 v59;
	[tilespmem:s22+$0x100] =	vst v62  }
0x1cc: {  	v2 =	vmul.bf16 v1, v2;
	v8 =	vadd.bf16 v17, v63;
	[tilespmem:s20+$0x1C800] =	vst v30;
	v40 =	vunpack.i.l.bf16.f32 v38  }
0x1cd: {  	v1 =	vmul.bf16 v1, v5;
	v13 =	vadd.bf16 v16, v13;
	v39 =	vld.idx.msk [tilespmem:v11+s0+$0x0], $0xffff;
	v41 =	vunpack.i.u.bf16.f32 v38;
	[tilespmem:s18+$0x100] =	vst v40  }
0x1ce: {  	v2 =	vadd.bf16 v9, v2;
	v8 =	vmul.bf16 v12, v8;
	v42 =	vld.idx.msk [tilespmem:v25+s0+$0x0], $0xffff;
	[tilespmem:s28+$0x1C800] =	vst v41  }
0x1cf: {  	v45 =	vunpack.i.l.bf16.f32 v0;
	v43 =	vmul.bf16 v36, v28;
	v44 =	vld.idx.msk [tilespmem:v23+s0+$0x0], $0xffff  }
0x1d0: {  	v1 =	vadd.bf16 v7, v1;
	v2 =	vmul.bf16 v3, v2;
	v8 =	vadd.bf16 v8, v13  }
0x1d1: {  	v0 =	vunpack.i.u.bf16.f32 v0;
	v47 =	vld.idx.msk [tilespmem:v10+s0+$0x0], $0xffff;
	v46 =	vmul.bf16 v36, v31;
	v5 =	vadd.bf16 v29, v43  }
0x1d2: {  	[tilespmem:s9+$0x180] =	vst v45;
	v1 =	vadd.bf16 v2, v1;
	v49 =	vunpack.i.l.bf16.f32 v8;
	v48 =	vmul.bf16 v39, v21  }
0x1d3: {  	v3 =	vadd.bf16 v32, v46;
	v51 =	vld.idx.msk [tilespmem:v22+s0+$0x0], $0xffff;
	v6 =	vmul.bf16 v39, v18;
	v4 =	vmul.bf16 v42, v5  }
0x1d4: {  	[tilespmem:s5+$0x1C800] =	vst v0;
	v52 =	vunpack.i.u.bf16.f32 v8;
	v50 =	vadd.bf16 v19, v48;
	v53 =	vmul.bf16 v44, v33  }
0x1d5: {  	s11 =	sor.u32 s21, s11;
	v54 =	vunpack.i.l.bf16.f32 v1;
	[tilespmem:s8+$0x180] =	vst v49;
	v55 =	vadd.bf16 v20, v6;
	v3 =	vadd.bf16 v4, v3  }
0x1d6: {  	s4 =	sor.u32 $0x380, s11;
	[tilespmem:s10+$0x180] =	vst v54;
	v2 =	vmul.bf16 v47, v50;
	v56 =	vmul.bf16 v44, v35;
	v57 =	vadd.bf16 v34, v53  }
0x1d7: {  	v1 =	vunpack.i.u.bf16.f32 v1;
	[tilespmem:s4+$0x1C800] =	vst v52;
	v58 =	vunpack.i.l.bf16.f32 v3  }
0x1d8: {  	s13 =	sor.u32 s24, s13;
	[tilespmem:s14+$0x1C800] =	vst v1;
	v0 =	vadd.bf16 v2, v55;
	v60 =	vadd.bf16 v26, v56;
	v59 =	vmul.bf16 v51, v57  }
0x1d9: {  	s4 =	sor.u32 $0x380, s13;
	v3 =	vunpack.i.u.bf16.f32 v3;
	[tilespmem:s19+$0x180] =	vst v58  }
0x1da: {  	[tilespmem:s4+$0x1C800] =	vst v3;
	v61 =	vunpack.i.l.bf16.f32 v0;
	v2 =	vadd.bf16 v59, v60  }
0x1db: {  	v0 =	vunpack.i.u.bf16.f32 v0;
	[tilespmem:s22+$0x180] =	vst v61  }
0x1dc: {  	s14 =	sld [smem:$0x7FA];
	[tilespmem:s12+$0x1C800] =	vst v0;
	v62 =	vunpack.i.l.bf16.f32 v2  }
0x1dd: {  	s16 =	rddreg [dreg:$0x17];
	v63 =	vunpack.i.u.bf16.f32 v2;
	[tilespmem:s18+$0x180] =	vst v62  }
0x1de: {  	s6 =	rddreg [dreg:$0x4];
	[tilespmem:s25+$0x1C800] =	vst v63  }
0x1df: {  	s15 =	sshll.u32 s14, $0xB;
	s21 =	rddreg [dreg:$0x18]  }
0x1e0: {  	s7 =	simm.s32 $0x0;
	s17 =	sor.u32 s16, s15;
	s24 =	rddreg [dreg:$0x1a]  }
0x1e1: {  	s23 =	simm.s32 $0x1CE00;
	s5 =	sshrl.u32 s17, $0x3;
	s25 =	sld [smem:$0x7FB]  }
0x1e2: {  	s19 =	simm.s32 $0x1C800;
	s5 =	sadd.s32 s6, s5;
	s3 =	rddreg [dreg:$0x1b]  }
0x1e3: {  	[hbm4b:s5+s7] =	stream.linear.scatter [tilespmem:s19], [sflag:$0x4], $0x200, $0x38;
	[tilespmem:$0x1D000] =	vst v63  }
0x1e4: {  	s20 =	simm.s32 $0x1CC00;
	s26 =	rddreg [dreg:$0x1c];
	s5 =	sadd.s32 $0x80, s5  }
0x1e5: {  	[hbm4b:s5+s7] =	stream.linear.scatter [tilespmem:s20], [sflag:$0x4], $0x200, $0x38;
	[tilespmem:$0x1D000] =	vst v63  }
0x1e6: {  	s30 =	simm.s32 $0xC000;
	s31 =	simm.s32 $0xE000;
	s20 =	sld [smem:$0x7FC]  }
0x1e7: {  	s1 =	simm.s32 $0x10000;
	s2 =	simm.s32 $0x12000;
	s28 =	rddreg [dreg:$0x1d]  }
0x1e8: {  	s22 =	simm.s32 $0x1CA00;
	s29 =	rddreg [dreg:$0x1e];
	s4 =	sor.u32 s21, s15  }
0x1e9: {  	s3 =	sadd.s32 $0x200, s3;
	s0 =	sadd.s32 $0x200, s26;
	s20 =	sadd.s32 $0x1, s20  }
0x1ea: {  	s4 =	sshrl.u32 s4, $0x3;
	[dreg:$0x1c] =	wrdreg s0;
	p0 =	sne.s32 s20, $0x20  }
.Ltmp2:
0x1eb: {  	s0 =	sadd.s32 $0x200, s28;
	s4 =	sadd.s32 s6, s4;
	(pc) =	sbr.rel @p0 .LBB2_3-.Ltmp2, $4  }
0x1ec: {  	[hbm4b:s4+s7] =	stream.linear.scatter [tilespmem:s22], [sflag:$0x4], $0x200, $0x38;
	[tilespmem:$0x1D000] =	vst v63  }
0x1ed: {  	[dreg:$0x1d] =	wrdreg s0;
	s0 =	sadd.s32 $0x200, s29;
	s4 =	sadd.s32 $0x80, s4  }
0x1ee: {  	[hbm4b:s4+s7] =	stream.linear.scatter [tilespmem:s23], [sflag:$0x4], $0x200, $0x38;
	[tilespmem:$0x1D000] =	vst v63  }
0x1ef: {  	s5 =	sadd.s32 $0x200, s24;
	[dreg:$0x1e] =	wrdreg s0;
	s7 =	sadd.s32 $0x200, s25  }
0x1f0: {  	s0 =	rddreg [dreg:$0x16]  }
0x1f1: {  	p0 =	seq.s32 s0, $0x7;
	s0 =	rddreg [dreg:$0x19]  }
0x1f2: {  	s5 =	rddreg [dreg:$0xf];
	s4 =	sor.u32 @!p0 $0x1000, s0;
	s6 =	simm.s32 @!p0 $0x80  }
0x1f3: {  	s7 =	simm.s32 @!p0 $0x400;
	s8 =	simm.s32 @!p0 $0xC000;
	s5 =	sadd.s32 @!p0 s4, s5  }
0x1f4: {  	[tilespmem:s8], [sflag:$0x1] =	stream.strided.gather @!p0 [hbm4b:s5+s6], $0x2000, s7, s6, $0x38;
	[tilespmem:$0x1D000] =	vst v63  }
0x1f5: {  	s5 =	rddreg [dreg:$0x10]  }
0x1f6: {  	s8 =	simm.s32 @!p0 $0xE000;
	s5 =	sadd.s32 @!p0 s4, s5  }
0x1f7: {  	[tilespmem:s8], [sflag:$0x1] =	stream.strided.gather @!p0 [hbm4b:s5+s6], $0x2000, s7, s6, $0x38;
	[tilespmem:$0x1D000] =	vst v63  }
0x1f8: {  	s5 =	rddreg [dreg:$0x11]  }
0x1f9: {  	s8 =	simm.s32 @!p0 $0x10000;
	s5 =	sadd.s32 @!p0 s4, s5  }
0x1fa: {  	[tilespmem:s8], [sflag:$0x1] =	stream.strided.gather @!p0 [hbm4b:s5+s6], $0x2000, s7, s6, $0x38;
	[tilespmem:$0x1D000] =	vst v63  }
0x1fb: {  	s5 =	rddreg [dreg:$0x12]  }
0x1fc: {  	s24 =	simm.s32 $0x2;
	s4 =	sadd.s32 @!p0 s4, s5;
	s5 =	simm.s32 @!p0 $0x12000  }
0x1fd: {  	[tilespmem:s5], [sflag:$0x1] =	stream.strided.gather @!p0 [hbm4b:s4+s6], $0x2000, s7, s6, $0x38;
	[tilespmem:$0x1D000] =	vst v63  }
0x1fe: {  	_ =	swait.ge [sflag:s24], $0x2000  }
0x1ff: {  	[sflag:s24] =	ssyncset.done $0x0  }
0x200: {  	[sflag:s24] =	ssyncadd.s32 $0xFFFFE000  }
0x201: {  	_ =	swait.ge [sflag:s24], $0x2000  }
0x202: {  	[sflag:s24] =	ssyncset.done $0x0  }
0x203: {  	[sflag:s24] =	ssyncadd.s32 $0xFFFFE000  }
0x204: {  	_ =	swait.ge [sflag:s24], $0x2000  }
0x205: {  	s25 =	simm.s32 $0x8110;
	[sflag:s24] =	ssyncset.done $0x0  }
0x206: {  	s26 =	simm.s32 $0x4110;
	s28 =	simm.s32 $0x110;
	[sflag:s24] =	ssyncadd.s32 $0xFFFFE000  }
0x207: {  	s29 =	simm.s32 $0x0;
	s30 =	simm.s32 $0x16000;
	_ =	swait.ge [sflag:s24], $0x2000  }
0x208: {  	s3 =	simm.s32 $0x18000;
	s1 =	simm.s32 $0x1A000;
	[smem:$0x7F6] =	sst s25  }
0x209: {  	s0 =	simm.s32 $0x14000;
	s8 =	simm.s32 $0x4010;
	[smem:$0x7F7] =	sst s26  }
0x20a: {  	s5 =	simm.s32 $0x8010;
	[sflag:s24] =	ssyncset.done $0x0;
	[smem:$0x7F8] =	sst s28  }
0x20b: {  	s6 =	simm.s32 $0x10;
	[smem:$0x7F9] =	sst s29;
	[sflag:s24] =	ssyncadd.s32 $0xFFFFE000  }
.LBB2_9:
0x20c: {  	s4 =	simm.s32 $0x3  }
0x20d: {  	_ =	swait.ge [sflag:s4], $0x400  }
0x20e: {  	[sflag:s4] =	ssyncset.done $0x0  }
0x20f: {  	[sflag:s4] =	ssyncadd.s32 $0xFFFFFC00  }
0x210: {  	_ =	swait.ge [sflag:s4], $0x400  }
0x211: {  	[sflag:s4] =	ssyncset.done $0x0  }
0x212: {  	[sflag:s4] =	ssyncadd.s32 $0xFFFFFC00  }
0x213: {  	v0 =	vld [tilespmem:s6+$0x0];
	_ =	sdelay $0x4  }
0x214: {  	v15 =	vand.u32 $0xFFFF, v0;
	_ =	sdelay $0x2  }
0x215: {  	v1 =	vld [tilespmem:s5+$0x0]  }
0x216: {  	v2 =	vld [tilespmem:s8+$0x0];
	v11 =	vshrl.u32 v0, $0x10  }
0x217: {  	v0 =	vld.idx.msk [tilespmem:v15+s0+$0x0], $0xffff;
	_ =	sdelay $0x2  }
0x218: {  	v3 =	vld [tilespmem:s6+$0xFFFFFFF0];
	v4 =	vshrl.u32 v1, $0x10;
	v5 =	vand.u32 $0xFFFF0000, v1  }
0x219: {  	v7 =	vshrl.u32 v2, $0x10;
	v8 =	vand.u32 $0xFFFF0000, v2;
	v14 =	vor.u32 v5, v4;
	v6 =	vld.idx.msk [tilespmem:v11+s0+$0x0], $0xffff  }
0x21a: {  	v4 =	vand.u32 $0xFFFF, v1;
	v1 =	vshll.u32 v1, $0x10;
	v5 =	vmul.bf16 v14, v0  }
0x21b: {  	v9 =	vand.u32 $0xFFFF, v2;
	v12 =	vor.u32 v8, v7;
	v13 =	vor.u32 v1, v4  }
0x21c: {  	v1 =	vshll.u32 v2, $0x10;
	v0 =	vmul.bf16 v0, v12;
	v2 =	vadd.bf16 v13, v5  }
0x21d: {  	v10 =	vor.u32 v1, v9  }
0x21e: {  	v26 =	vand.u32 $0xFFFF, v3;
	v0 =	vadd.bf16 v10, v0;
	v1 =	vmul.bf16 v6, v2  }
0x21f: {  	s23 =	simm.s32 $0x0  }
0x220: {  	s13 =	simm.s32 $0x10;
	s21 =	sand.u32 $0x400, s23;
	v0 =	vadd.bf16 v1, v0  }
0x221: {  	s22 =	sand.u32 $0x70, s13;
	s7 =	sor.u32 $0x1C000, s21  }
0x222: {  	s12 =	sor.u32 s22, s7;
	v1 =	vld [tilespmem:s5+$0xFFFFFFF0];
	v2 =	vunpack.i.l.bf16.f32 v0  }
0x223: {  	v4 =	vld.idx.msk [tilespmem:v26+s0+$0x0], $0xffff;
	v0 =	vunpack.i.u.bf16.f32 v0;
	[tilespmem:s12+$0x0] =	vst v2  }
0x224: {  	v2 =	vld [tilespmem:s8+$0xFFFFFFF0];
	[tilespmem:s12+$0x200] =	vst v0  }
0x225: {  	v5 =	vld.idx.msk [tilespmem:v15+s30+$0x0], $0xffff  }
0x226: {  	v27 =	vshrl.u32 v3, $0x10  }
0x227: {  	s24 =	sadd.s32 $0x20, s6;
	[smem:$0x7F4] =	sst s6;
	v0 =	vshrl.u32 v1, $0x10;
	v3 =	vand.u32 $0xFFFF0000, v1  }
0x228: {  	v16 =	vand.u32 $0xFFFF, v1;
	v1 =	vshll.u32 v1, $0x10;
	v0 =	vor.u32 v3, v0;
	v3 =	vld [tilespmem:s24+$0x0]  }
0x229: {  	v8 =	vld.idx.msk [tilespmem:v11+s30+$0x0], $0xffff;
	v7 =	vmul.bf16 v0, v4;
	v6 =	vshrl.u32 v2, $0x10;
	v9 =	vand.u32 $0xFFFF0000, v2  }
0x22a: {  	v19 =	vand.u32 $0xFFFF, v2;
	v2 =	vshll.u32 v2, $0x10;
	v17 =	vmul.bf16 v5, v14  }
0x22b: {  	v18 =	vld.idx.msk [tilespmem:v27+s0+$0x0], $0xffff;
	v6 =	vor.u32 v9, v6;
	v9 =	vor.u32 v1, v16;
	v1 =	vmul.bf16 v5, v12  }
0x22c: {  	v16 =	vmul.bf16 v4, v6;
	v4 =	vor.u32 v2, v19;
	v2 =	vld [tilespmem:s24+$0xFFFFFFF0];
	[dreg:$0x1f] =	wrdreg s5;
	v5 =	vadd.bf16 v13, v17  }
0x22d: {  	s25 =	sadd.s32 $0x20, s5;
	[smem:$0x7F5] =	sst s8;
	v23 =	vand.u32 $0xFFFF, v3  }
0x22e: {  	s26 =	sadd.s32 $0x20, s8;
	v7 =	vadd.bf16 v9, v7;
	v1 =	vadd.bf16 v10, v1;
	v17 =	vld [tilespmem:s25+$0xFFFFFFF0];
	v5 =	vmul.bf16 v8, v5  }
0x22f: {  	v8 =	vadd.bf16 v4, v16;
	v16 =	vld [tilespmem:s26+$0x0]  }
0x230: {  	v7 =	vmul.bf16 v18, v7;
	v1 =	vadd.bf16 v5, v1;
	v5 =	vld [tilespmem:s25+$0x0]  }
0x231: {  	v22 =	vshrl.u32 v3, $0x10  }
0x232: {  	v7 =	vadd.bf16 v7, v8;
	v3 =	vld.idx.msk [tilespmem:v23+s0+$0x0], $0xffff;
	v8 =	vunpack.i.l.bf16.f32 v1  }
0x233: {  	v1 =	vunpack.i.u.bf16.f32 v1;
	[tilespmem:s12+$0x80] =	vst v8  }
0x234: {  	v33 =	vand.u32 $0xFFFF, v17;
	v8 =	vunpack.i.u.bf16.f32 v7;
	[tilespmem:s12+$0x280] =	vst v1;
	v1 =	vand.u32 $0xFFFF, v2  }
0x235: {  	v25 =	vshrl.u32 v16, $0x10;
	v18 =	vld.idx.msk [tilespmem:v15+s3+$0x0], $0xffff;
	v19 =	vshrl.u32 v5, $0x10;
	v20 =	vand.u32 $0xFFFF0000, v5  }
0x236: {  	v21 =	vld.idx.msk [tilespmem:v22+s0+$0x0], $0xffff;
	v28 =	vand.u32 $0xFFFF0000, v16;
	v31 =	vand.u32 $0xFFFF, v16;
	v24 =	vor.u32 v20, v19  }
0x237: {  	v19 =	vand.u32 $0xFFFF, v5;
	v5 =	vshll.u32 v5, $0x10;
	v20 =	vmul.bf16 v24, v3  }
0x238: {  	v30 =	vld [tilespmem:s26+$0xFFFFFFF0];
	v16 =	vshll.u32 v16, $0x10;
	v28 =	vor.u32 v28, v25;
	v29 =	vor.u32 v5, v19  }
0x239: {  	v7 =	vunpack.i.l.bf16.f32 v7;
	v5 =	vld.idx.msk [tilespmem:v11+s3+$0x0], $0xffff;
	v19 =	vmul.bf16 v3, v28;
	v20 =	vadd.bf16 v29, v20  }
0x23a: {  	v25 =	vor.u32 v16, v31;
	v3 =	vshrl.u32 v2, $0x10;
	v32 =	vld.idx.msk [tilespmem:v1+s0+$0x0], $0xffff;
	v2 =	vmul.bf16 v18, v14  }
0x23b: {  	v16 =	vshrl.u32 v17, $0x10;
	v19 =	vadd.bf16 v25, v19;
	v20 =	vmul.bf16 v21, v20  }
0x23c: {  	s9 =	sand.u32 $0x60, s23;
	s4 =	simm.s32 $0x100;
	v18 =	vmul.bf16 v18, v12;
	v21 =	vand.u32 $0xFFFF0000, v17;
	v31 =	vadd.bf16 v13, v2  }
0x23d: {  	s17 =	simm.s32 $0x30;
	s9 =	sor.u32 s9, s7;
	s10 =	sand.u32 $0x400, s4;
	v17 =	vshll.u32 v17, $0x10;
	v2 =	vor.u32 v21, v16;
	v16 =	vadd.bf16 v20, v19  }
0x23e: {  	s16 =	sand.u32 $0x70, s17;
	s10 =	sor.u32 $0x1C000, s10;
	[tilespmem:s9+$0x200] =	vst v8;
	v18 =	vadd.bf16 v10, v18;
	v8 =	vor.u32 v17, v33;
	v5 =	vmul.bf16 v5, v31  }
0x23f: {  	s11 =	sand.u32 $0x7, s23;
	s20 =	sadd.s32 $0x20, s25;
	s7 =	sor.u32 s16, s10;
	[tilespmem:s9+$0x0] =	vst v7;
	v19 =	vshrl.u32 v30, $0x10;
	v7 =	vmul.bf16 v2, v32;
	v31 =	vld.idx.msk [tilespmem:v3+s0+$0x0], $0xffff;
	v21 =	vunpack.i.l.bf16.f32 v16  }
0x240: {  	s11 =	sshll.u32 s11, $0x4;
	v54 =	vld [tilespmem:s20+$0xFFFFFFF0];
	v20 =	vand.u32 $0xFFFF0000, v30;
	v16 =	vunpack.i.u.bf16.f32 v16;
	v18 =	vadd.bf16 v5, v18;
	[tilespmem:s7+$0x0] =	vst v21  }
0x241: {  	s11 =	sadd.s32 $0x0, s11;
	v5 =	vor.u32 v20, v19;
	v19 =	vand.u32 $0xFFFF, v30;
	v30 =	vshll.u32 v30, $0x10;
	[tilespmem:s7+$0x200] =	vst v16;
	v21 =	vld.idx.msk [tilespmem:v26+s30+$0x0], $0xffff  }
0x242: {  	s15 =	sadd.s32 $0x20, s24;
	s11 =	sadd.s32 $0x10, s11;
	v50 =	vadd.bf16 v8, v7;
	v16 =	vmul.bf16 v32, v5;
	v17 =	vld.idx.msk [tilespmem:v23+s30+$0x0], $0xffff;
	v20 =	vunpack.i.l.bf16.f32 v18  }
0x243: {  	s18 =	sor.u32 $0x300, s11;
	v7 =	vor.u32 v30, v19;
	v19 =	vld [tilespmem:s15+$0x0];
	v18 =	vunpack.i.u.bf16.f32 v18;
	[tilespmem:s12+$0x100] =	vst v20  }
0x244: {  	v30 =	vld.idx.msk [tilespmem:v22+s30+$0x0], $0xffff;
	v16 =	vadd.bf16 v7, v16;
	[tilespmem:s18+$0x1C000] =	vst v18;
	v18 =	vmul.bf16 v31, v50  }
0x245: {  	v20 =	vld.idx.msk [tilespmem:v15+s1+$0x0], $0xffff  }
0x246: {  	s14 =	simm.s32 $0x20;
	v31 =	vld.idx.msk [tilespmem:v27+s30+$0x0], $0xffff;
	v15 =	vadd.bf16 v18, v16;
	v18 =	vmul.bf16 v21, v0  }
0x247: {  	s19 =	sand.u32 $0x60, s14;
	v21 =	vmul.bf16 v21, v6;
	v16 =	vmul.bf16 v17, v24  }
0x248: {  	s10 =	sor.u32 s19, s10;
	v51 =	vld [tilespmem:s15+$0xFFFFFFF0];
	v17 =	vmul.bf16 v17, v28;
	v52 =	vunpack.i.l.bf16.f32 v15;
	v18 =	vadd.bf16 v9, v18  }
0x249: {  	v53 =	vld.idx.msk [tilespmem:v11+s1+$0x0], $0xffff;
	v34 =	vunpack.i.u.bf16.f32 v15;
	v15 =	vand.u32 $0xFFFF, v19;
	v16 =	vadd.bf16 v29, v16;
	[tilespmem:s10+$0x0] =	vst v52  }
0x24a: {  	v56 =	vshrl.u32 v54, $0x10;
	[tilespmem:s10+$0x200] =	vst v34;
	v11 =	vmul.bf16 v20, v14;
	v14 =	vadd.bf16 v25, v17  }
0x24b: {  	v17 =	vmul.bf16 v31, v18;
	v18 =	vadd.bf16 v4, v21;
	v21 =	vld.idx.msk [tilespmem:v1+s30+$0x0], $0xffff;
	v16 =	vmul.bf16 v30, v16  }
0x24c: {  	s24 =	sadd.s32 $0x20, s26;
	v20 =	vmul.bf16 v20, v12;
	v12 =	vshrl.u32 v19, $0x10;
	v30 =	vld [tilespmem:s20+$0x0];
	v13 =	vadd.bf16 v13, v11  }
0x24d: {  	v58 =	vand.u32 $0xFFFF0000, v54;
	v14 =	vadd.bf16 v16, v14;
	v16 =	vadd.bf16 v17, v18;
	v17 =	vld [tilespmem:s24+$0x0]  }
0x24e: {  	v11 =	vand.u32 $0xFFFF, v51;
	v18 =	vadd.bf16 v10, v20;
	v19 =	vld.idx.msk [tilespmem:v15+s0+$0x0], $0xffff;
	v13 =	vmul.bf16 v53, v13  }
0x24f: {  	v10 =	vunpack.i.l.bf16.f32 v14;
	v20 =	vunpack.i.u.bf16.f32 v16;
	v31 =	vunpack.i.l.bf16.f32 v16  }
0x250: {  	v14 =	vunpack.i.u.bf16.f32 v14;
	v55 =	vmul.bf16 v21, v2;
	v35 =	vmul.bf16 v21, v5;
	[tilespmem:s7+$0x80] =	vst v10  }
0x251: {  	v21 =	vld.idx.msk [tilespmem:v12+s0+$0x0], $0xffff;
	v34 =	vadd.bf16 v13, v18;
	[tilespmem:s7+$0x280] =	vst v14;
	v13 =	vshrl.u32 v30, $0x10;
	v14 =	vand.u32 $0xFFFF0000, v30  }
0x252: {  	v36 =	vld.idx.msk [tilespmem:v23+s3+$0x0], $0xffff;
	v16 =	vor.u32 v14, v13;
	v14 =	vand.u32 $0xFFFF, v30;
	v30 =	vshll.u32 v30, $0x10  }
0x253: {  	v40 =	vld [tilespmem:s24+$0xFFFFFFF0];
	v18 =	vshrl.u32 v17, $0x10;
	v37 =	vand.u32 $0xFFFF0000, v17;
	v39 =	vmul.bf16 v16, v19  }
0x254: {  	v41 =	vand.u32 $0xFFFF, v17;
	v13 =	vor.u32 v37, v18;
	v18 =	vor.u32 v30, v14  }
0x255: {  	v14 =	vshll.u32 v17, $0x10;
	v17 =	vmul.bf16 v19, v13;
	v19 =	vadd.bf16 v18, v39  }
0x256: {  	v62 =	vand.u32 $0xFFFF, v54;
	v10 =	vshrl.u32 v51, $0x10;
	v30 =	vld.idx.msk [tilespmem:v22+s3+$0x0], $0xffff;
	v14 =	vor.u32 v14, v41  }
0x257: {  	v38 =	vld.idx.msk [tilespmem:v11+s0+$0x0], $0xffff;
	v57 =	vmul.bf16 v36, v24;
	v17 =	vadd.bf16 v14, v17;
	v19 =	vmul.bf16 v21, v19  }
0x258: {  	s11 =	simm.s32 $0x200;
	v32 =	vshll.u32 v54, $0x10;
	[tilespmem:s9+$0x280] =	vst v20;
	v20 =	vshrl.u32 v40, $0x10;
	v33 =	vadd.bf16 v8, v55  }
0x259: {  	s21 =	simm.s32 $0x50;
	s25 =	sand.u32 $0x400, s11;
	[tilespmem:s9+$0x80] =	vst v31;
	v31 =	vmul.bf16 v36, v28;
	v59 =	vadd.bf16 v29, v57;
	v19 =	vadd.bf16 v19, v17  }
0x25a: {  	s26 =	sand.u32 $0x70, s21;
	s19 =	sor.u32 $0x1C000, s25;
	v60 =	vld.idx.msk [tilespmem:v26+s3+$0x0], $0xffff;
	v47 =	vadd.bf16 v7, v35;
	v21 =	vor.u32 v58, v56;
	v17 =	vand.u32 $0xFFFF0000, v40  }
0x25b: {  	s16 =	simm.s32 $0x2;
	s8 =	sor.u32 s26, s19;
	v61 =	vld.idx.msk [tilespmem:v10+s0+$0x0], $0xffff;
	v31 =	vadd.bf16 v25, v31;
	v30 =	vmul.bf16 v30, v59;
	v42 =	vunpack.i.l.bf16.f32 v19  }
0x25c: {  	s16 =	sand.u32 $0x7, s16;
	v43 =	vld.idx.msk [tilespmem:v3+s30+$0x0], $0xffff;
	v37 =	vmul.bf16 v21, v38;
	v17 =	vor.u32 v17, v20;
	v20 =	vunpack.i.u.bf16.f32 v19;
	[tilespmem:s8+$0x0] =	vst v42  }
0x25d: {  	s16 =	sshll.u32 s16, $0x4;
	v19 =	vor.u32 v32, v62;
	v63 =	vmul.bf16 v38, v17;
	[tilespmem:s8+$0x200] =	vst v20;
	v30 =	vadd.bf16 v30, v31  }
0x25e: {  	s16 =	sadd.s32 $0x100, s16;
	v20 =	vshll.u32 v40, $0x10;
	v37 =	vadd.bf16 v19, v37;
	v31 =	vand.u32 $0xFFFF, v40;
	v46 =	vld.idx.msk [tilespmem:v15+s30+$0x0], $0xffff  }
0x25f: {  	s16 =	sadd.s32 $0x10, s16;
	s26 =	sadd.s32 $0x20, s15;
	v44 =	vld.idx.msk [tilespmem:v27+s3+$0x0], $0xffff;
	v20 =	vor.u32 v20, v31;
	v31 =	vmul.bf16 v60, v0;
	v45 =	vunpack.i.l.bf16.f32 v30  }
0x260: {  	s16 =	sor.u32 $0x300, s16;
	v49 =	vld [tilespmem:s26+$0x0];
	v36 =	vmul.bf16 v61, v37;
	v30 =	vunpack.i.u.bf16.f32 v30;
	v32 =	vadd.bf16 v20, v63;
	[tilespmem:s7+$0x100] =	vst v45  }
0x261: {  	v35 =	vunpack.i.l.bf16.f32 v34;
	v48 =	vmul.bf16 v60, v6;
	v50 =	vld.idx.msk [tilespmem:v12+s30+$0x0], $0xffff;
	[tilespmem:s16+$0x1C000] =	vst v30;
	v30 =	vmul.bf16 v43, v33  }
0x262: {  	s15 =	sadd.s32 $0x20, s24;
	v34 =	vunpack.i.u.bf16.f32 v34;
	v31 =	vadd.bf16 v9, v31;
	v32 =	vadd.bf16 v36, v32;
	v23 =	vld.idx.msk [tilespmem:v23+s1+$0x0], $0xffff  }
0x263: {  	v51 =	vadd.bf16 v4, v48;
	v62 =	vld [tilespmem:s15+$0x0];
	v53 =	vmul.bf16 v46, v16;
	v30 =	vadd.bf16 v30, v47  }
0x264: {  	s6 =	sadd.s32 $0x20, s20;
	s18 =	simm.s32 $0x40;
	v31 =	vmul.bf16 v44, v31;
	v55 =	vmul.bf16 v46, v13;
	v52 =	vunpack.i.l.bf16.f32 v32  }
0x265: {  	v60 =	vld [tilespmem:s6+$0x0];
	s16 =	sand.u32 $0x60, s18;
	v57 =	vadd.bf16 v18, v53;
	v54 =	vunpack.i.u.bf16.f32 v30;
	v30 =	vunpack.i.l.bf16.f32 v30  }
0x266: {  	v56 =	vld [tilespmem:s26+$0xFFFFFFF0];
	s1 =	simm.s32 $0x1A000;
	s22 =	sor.u32 s16, s19;
	v32 =	vunpack.i.u.bf16.f32 v32;
	v31 =	vadd.bf16 v31, v51;
	[tilespmem:s10+$0x80] =	vst v30;
	v30 =	vadd.bf16 v14, v55  }
0x267: {  	s20 =	sand.u32 $0x3, s23;
	v22 =	vld.idx.msk [tilespmem:v22+s1+$0x0], $0xffff;
	[tilespmem:s22+$0x200] =	vst v32;
	v32 =	vmul.bf16 v50, v57;
	v58 =	vmul.bf16 v23, v24;
	v24 =	vand.u32 $0xFFFF, v49  }
0x268: {  	s5 =	sshll.u32 s20, $0x5;
	v48 =	vand.u32 $0xFFFF0000, v62;
	v47 =	vshrl.u32 v62, $0x10;
	[tilespmem:s22+$0x0] =	vst v52;
	v51 =	vld [tilespmem:s15+$0xFFFFFFF0];
	v52 =	vand.u32 $0xFFFF, v62  }
0x269: {  	s24 =	simm.s32 $0x1;
	s5 =	sadd.s32 $0x0, s5;
	v59 =	vld.idx.msk [tilespmem:v11+s30+$0x0], $0xffff;
	[tilespmem:s10+$0x280] =	vst v54;
	v42 =	vunpack.i.l.bf16.f32 v31;
	v23 =	vmul.bf16 v23, v28;
	v30 =	vadd.bf16 v32, v30  }
0x26a: {  	s16 =	sand.u32 $0x3, s24;
	s24 =	sor.u32 $0x300, s5;
	v38 =	vunpack.i.u.bf16.f32 v31;
	v31 =	vand.u32 $0xFFFF0000, v60;
	[tilespmem:s9+$0x100] =	vst v42;
	v28 =	vadd.bf16 v29, v58  }
0x26b: {  	v43 =	vld [tilespmem:s6+$0xFFFFFFF0];
	[tilespmem:s24+$0x1C000] =	vst v38;
	v61 =	vadd.bf16 v25, v23;
	v25 =	vshrl.u32 v49, $0x10;
	v54 =	vunpack.i.l.bf16.f32 v30  }
0x26c: {  	v23 =	vand.u32 $0xFFFF, v56;
	v30 =	vunpack.i.u.bf16.f32 v30;
	v28 =	vmul.bf16 v22, v28;
	[tilespmem:s8+$0x80] =	vst v54;
	v63 =	vld.idx.msk [tilespmem:v24+s0+$0x0], $0xffff  }
0x26d: {  	v57 =	vshll.u32 v62, $0x10;
	v32 =	vshll.u32 v60, $0x10;
	v38 =	vld.idx.msk [tilespmem:v26+s1+$0x0], $0xffff;
	v26 =	vand.u32 $0xFFFF, v51;
	[tilespmem:s8+$0x280] =	vst v30  }
0x26e: {  	s13 =	sor.u32 s13, s23;
	v55 =	vmul.bf16 v59, v21;
	v37 =	vmul.bf16 v59, v17;
	v44 =	vld.idx.msk [tilespmem:v15+s3+$0x0], $0xffff;
	v28 =	vadd.bf16 v28, v61  }
0x26f: {  	s13 =	sor.u32 $0x380, s13;
	s14 =	sor.u32 s14, s4;
	s4 =	sor.u32 s17, s4;
	v29 =	vld.idx.msk [tilespmem:v1+s3+$0x0], $0xffff;
	v22 =	vshrl.u32 v56, $0x10;
	v30 =	vshrl.u32 v60, $0x10;
	v54 =	vshrl.u32 v51, $0x10  }
0x270: {  	s14 =	sor.u32 $0x380, s14;
	s17 =	sor.u32 $0x380, s4;
	s4 =	simm.s32 $0x70;
	v56 =	vld.idx.msk [tilespmem:v25+s0+$0x0], $0xffff;
	v41 =	vunpack.i.l.bf16.f32 v28;
	v45 =	vunpack.i.u.bf16.f32 v28;
	v28 =	vor.u32 v31, v30  }
0x271: {  	s25 =	sor.u32 s23, s23;
	s23 =	simm.s32 $0x6;
	s20 =	simm.s32 $0x2;
	[tilespmem:s12+$0x180] =	vst v35;
	v49 =	vld.idx.msk [tilespmem:v23+s0+$0x0], $0xffff;
	v30 =	vand.u32 $0xFFFF, v60;
	v31 =	vor.u32 v48, v47;
	v50 =	vmul.bf16 v28, v63  }
0x272: {  	s20 =	sand.u32 $0x3, s20;
	[tilespmem:s13+$0x1C000] =	vst v34;
	s13 =	simm.s32 $0x300;
	s18 =	sor.u32 s18, s11;
	v47 =	vld.idx.msk [tilespmem:v12+s3+$0x0], $0xffff;
	v60 =	vshrl.u32 v43, $0x10;
	v30 =	vor.u32 v32, v30;
	v58 =	vmul.bf16 v63, v31  }
0x273: {  	s5 =	sor.u32 $0x380, s25;
	s19 =	sshll.u32 s20, $0x5;
	s12 =	sor.u32 $0x380, s18;
	v61 =	vmul.bf16 v44, v16;
	v63 =	vand.u32 $0xFFFF0000, v43;
	v59 =	vadd.bf16 v30, v50  }
0x274: {  	s18 =	simm.s32 $0x4;
	s16 =	sshll.u32 s16, $0x5;
	s19 =	sadd.s32 $0x200, s19;
	v32 =	vor.u32 v57, v52;
	v52 =	vmul.bf16 v44, v13;
	v33 =	vor.u32 v63, v60  }
0x275: {  	s29 =	sand.u32 $0x7, s18;
	s20 =	sor.u32 $0x300, s19;
	s19 =	simm.s32 $0x3;
	v39 =	vadd.bf16 v32, v58;
	v53 =	vadd.bf16 v18, v61;
	v62 =	vmul.bf16 v56, v59  }
0x276: {  	s16 =	sadd.s32 $0x100, s16;
	s29 =	sshll.u32 s29, $0x4;
	s25 =	sand.u32 $0x3, s19;
	v46 =	vadd.bf16 v19, v55;
	v36 =	vmul.bf16 v29, v2;
	v48 =	vmul.bf16 v33, v49  }
0x277: {  	s29 =	sadd.s32 $0x200, s29;
	s28 =	sshll.u32 s25, $0x5;
	s24 =	sand.u32 $0x400, s13;
	v50 =	vld.idx.msk [tilespmem:v10+s30+$0x0], $0xffff;
	v34 =	vadd.bf16 v14, v52;
	v57 =	vmul.bf16 v47, v53;
	v55 =	vadd.bf16 v62, v39  }
0x278: {  	s25 =	simm.s32 $0x60;
	s24 =	sor.u32 $0x1C000, s24;
	[tilespmem:s7+$0x180] =	vst v41;
	v41 =	vld.idx.msk [tilespmem:v22+s0+$0x0], $0xffff;
	s7 =	sand.u32 $0x70, s4;
	v58 =	vand.u32 $0xFFFF, v43;
	v43 =	vshll.u32 v43, $0x10;
	v56 =	vand.u32 $0xFFFF0000, v51  }
0x279: {  	s29 =	sadd.s32 $0x10, s29;
	[tilespmem:s17+$0x1C000] =	vst v45;
	s17 =	sand.u32 $0x60, s25;
	s7 =	sor.u32 s7, s24;
	v35 =	vor.u32 v56, v54;
	v61 =	vadd.bf16 v57, v34;
	v59 =	vunpack.i.l.bf16.f32 v55  }
0x27a: {  	v27 =	vld.idx.msk [tilespmem:v27+s1+$0x0], $0xffff;
	s24 =	sor.u32 s17, s24;
	s17 =	sadd.s32 $0x300, s28;
	s30 =	sor.u32 s25, s13;
	v34 =	vor.u32 v43, v58;
	v44 =	vmul.bf16 v49, v35;
	v60 =	vunpack.i.u.bf16.f32 v55;
	[tilespmem:s7+$0x0] =	vst v59  }
0x27b: {  	s28 =	sor.u32 $0x300, s17;
	s17 =	sor.u32 $0x380, s30;
	s30 =	simm.s32 $0x16000;
	v39 =	vld.idx.msk [tilespmem:v3+s3+$0x0], $0xffff;
	v62 =	vshll.u32 v51, $0x10;
	v45 =	vadd.bf16 v34, v48;
	v63 =	vunpack.i.l.bf16.f32 v61;
	[tilespmem:s7+$0x200] =	vst v60  }
0x27c: {  	s26 =	sadd.s32 $0x20, s26;
	s16 =	sor.u32 $0x300, s16;
	s29 =	sor.u32 $0x300, s29;
	v26 =	vor.u32 v62, v26;
	v43 =	vmul.bf16 v50, v46;
	v40 =	vunpack.i.u.bf16.f32 v61;
	[tilespmem:s8+$0x100] =	vst v63;
	v42 =	vld.idx.msk [tilespmem:v24+s30+$0x0], $0xffff  }
.LBB2_10:
0x27d: {  	v46 =	vld [tilespmem:s26+$0x0];
	v44 =	vadd.bf16 v26, v44;
	v41 =	vmul.bf16 v41, v45;
	v37 =	vadd.bf16 v20, v37;
	[tilespmem:s29+$0x1C000] =	vst v40  }
0x27e: {  	v47 =	vmul.bf16 v29, v5;
	v29 =	vadd.bf16 v8, v36;
	v48 =	vmul.bf16 v38, v0;
	v45 =	vld.idx.msk [tilespmem:v15+s1+$0x0], $0xffff  }
0x27f: {  	v6 =	vmul.bf16 v38, v6;
	v36 =	vadd.bf16 v41, v44;
	v41 =	vld.idx.msk [tilespmem:v25+s30+$0x0], $0xffff;
	v37 =	vadd.bf16 v43, v37  }
0x280: {  	v15 =	vmovc v24;
	v40 =	vadd.bf16 v7, v47;
	v29 =	vmul.bf16 v39, v29;
	v9 =	vadd.bf16 v9, v48;
	v38 =	vld [tilespmem:s26+$0xFFFFFFF0]  }
0x281: {  	v0 =	vmovc v2;
	v2 =	vmovc v21;
	v39 =	vmul.bf16 v42, v28;
	v24 =	vunpack.i.u.bf16.f32 v36;
	v36 =	vunpack.i.l.bf16.f32 v36  }
0x282: {  	v21 =	vunpack.i.u.bf16.f32 v37;
	v43 =	vadd.bf16 v29, v40;
	[tilespmem:s24+$0x0] =	vst v36;
	v36 =	vunpack.i.l.bf16.f32 v37;
	v37 =	vld.idx.msk [tilespmem:v12+s1+$0x0], $0xffff;
	v12 =	vmovc v25  }
0x283: {  	s23 =	sadd.s32 $0x2, s23;
	v9 =	vmul.bf16 v27, v9;
	v25 =	vmul.bf16 v42, v31;
	v29 =	vadd.bf16 v30, v39;
	[tilespmem:s24+$0x200] =	vst v24  }
0x284: {  	p0 =	slt.u32 s23, $0xE;
	v24 =	vand.u32 $0xFFFF, v46;
	v39 =	vunpack.i.u.bf16.f32 v43;
	v27 =	vld.idx.msk [tilespmem:v23+s30+$0x0], $0xffff;
	[tilespmem:s22+$0x80] =	vst v36;
	v36 =	vmul.bf16 v45, v16;
	v16 =	vmovc v28  }
0x285: {  	v25 =	vadd.bf16 v32, v25;
	v28 =	vmul.bf16 v41, v29;
	v44 =	vand.u32 $0xFFFF, v38;
	v40 =	vld.idx.msk [tilespmem:v22+s30+$0x0], $0xffff;
	[tilespmem:s22+$0x280] =	vst v21  }
0x286: {  	s15 =	sadd.s32 $0x20, s15;
	v42 =	vshrl.u32 v38, $0x10;
	v38 =	vmul.bf16 v45, v13;
	v13 =	vmovc v31;
	v29 =	vld.idx.msk [tilespmem:v11+s3+$0x0], $0xffff;
	v36 =	vadd.bf16 v18, v36  }
0x287: {  	s6 =	sadd.s32 $0x20, s6;
	v4 =	vadd.bf16 v4, v6;
	v31 =	vunpack.i.l.bf16.f32 v43;
	v21 =	vmovc v33;
	v28 =	vadd.bf16 v28, v25;
	v18 =	vmovc v30;
	v45 =	vld [tilespmem:s15+$0x0]  }
0x288: {  	v25 =	vshrl.u32 v46, $0x10;
	v33 =	vadd.bf16 v14, v38;
	v14 =	vmovc v32;
	v30 =	vld [tilespmem:s6+$0x0];
	v36 =	vmul.bf16 v37, v36;
	[tilespmem:s10+$0x100] =	vst v31  }
0x289: {  	v6 =	vmovc v5;
	v5 =	vmov v17;
	v4 =	vadd.bf16 v9, v4;
	v31 =	vunpack.i.l.bf16.f32 v28;
	v32 =	vld.idx.msk [tilespmem:v24+s0+$0x0], $0xffff;
	[tilespmem:s16+$0x1C000] =	vst v39;
	s16 =	smov.u32 s20;
	s20 =	smov.u32 s28  }
0x28a: {  	v17 =	vmovc v35;
	v38 =	vmul.bf16 v27, v21;
	v39 =	vunpack.i.u.bf16.f32 v28;
	v43 =	vld [tilespmem:s6+$0xFFFFFFF0];
	[tilespmem:s7+$0x80] =	vst v31;
	v28 =	vadd.bf16 v36, v33  }
0x28b: {  	v9 =	vmovc v8;
	v37 =	vmul.bf16 v27, v17;
	v27 =	vunpack.i.u.bf16.f32 v4;
	v4 =	vunpack.i.l.bf16.f32 v4;
	v46 =	vld.idx.msk [tilespmem:v44+s0+$0x0], $0xffff;
	[tilespmem:s7+$0x280] =	vst v39  }
0x28c: {  	s28 =	sor.u32 s21, s11;
	s11 =	smov.u32 s13;
	s21 =	smov.u32 s4;
	v47 =	vadd.bf16 v34, v38;
	v36 =	vmul.bf16 v29, v2;
	v35 =	vld.idx.msk [tilespmem:v15+s3+$0x0], $0xffff;
	v39 =	vunpack.i.l.bf16.f32 v28;
	[tilespmem:s9+$0x180] =	vst v4  }
0x28d: {  	v8 =	vmovc v19;
	v19 =	vmovc v34;
	s4 =	sor.u32 $0x380, s28;
	v38 =	vunpack.i.u.bf16.f32 v28;
	s9 =	smov.u32 s10;
	s10 =	smov.u32 s22;
	v41 =	vshrl.u32 v30, $0x10;
	v31 =	vand.u32 $0xFFFF0000, v30;
	v33 =	vld.idx.msk [tilespmem:v25+s0+$0x0], $0xffff;
	[tilespmem:s8+$0x180] =	vst v39  }
0x28e: {  	v34 =	vshrl.u32 v45, $0x10;
	v4 =	vmovc v7;
	v7 =	vmovc v20;
	s22 =	smov.u32 s24;
	v39 =	vand.u32 $0xFFFF0000, v45;
	s8 =	smov.u32 s7;
	v48 =	vld [tilespmem:s15+$0xFFFFFFF0];
	v28 =	vor.u32 v31, v41;
	[tilespmem:s4+$0x1C000] =	vst v38  }
0x28f: {  	v20 =	vmovc v26;
	v38 =	vand.u32 $0xFFFF, v30;
	v30 =	vshll.u32 v30, $0x10;
	v41 =	vld.idx.msk [tilespmem:v42+s0+$0x0], $0xffff;
	v49 =	vmul.bf16 v28, v32;
	[tilespmem:s5+$0x1C000] =	vst v27;
	s5 =	smov.u32 s14;
	s14 =	smov.u32 s12;
	s12 =	smov.u32 s17  }
0x290: {  	v26 =	vand.u32 $0xFFFF, v45;
	v31 =	vor.u32 v39, v34;
	v30 =	vor.u32 v30, v38;
	v34 =	vld.idx.msk [tilespmem:v12+s3+$0x0], $0xffff  }
0x291: {  	v27 =	vshll.u32 v45, $0x10;
	v45 =	vmul.bf16 v32, v31;
	v49 =	vadd.bf16 v30, v49;
	v39 =	vld.idx.msk [tilespmem:v10+s3+$0x0], $0xffff  }
0x292: {  	s19 =	sadd.s32 $0x1, s19;
	v50 =	vshrl.u32 v43, $0x10;
	v32 =	vor.u32 v27, v26;
	v26 =	vmul.bf16 v35, v16;
	v38 =	vld.idx.msk [tilespmem:v1+s1+$0x0], $0xffff;
	v1 =	vmovc v11  }
0x293: {  	s25 =	sadd.s32 $0x20, s25;
	s13 =	sadd.s32 $0x100, s13;
	s4 =	sand.u32 $0x3, s19;
	v51 =	vand.u32 $0xFFFF0000, v43;
	v45 =	vadd.bf16 v32, v45;
	v11 =	vmovc v23;
	v49 =	vmul.bf16 v33, v49;
	v27 =	vld.idx.msk [tilespmem:v3+s1+$0x0], $0xffff  }
0x294: {  	s18 =	sadd.s32 $0x2, s18;
	s24 =	sand.u32 $0x400, s13;
	s17 =	sshll.u32 s4, $0x5;
	v35 =	vmul.bf16 v35, v13;
	v23 =	vmovc v44;
	v33 =	vor.u32 v51, v50;
	v26 =	vadd.bf16 v18, v26  }
0x295: {  	s7 =	sand.u32 $0x60, s25;
	s28 =	sor.u32 $0x1C000, s24;
	s4 =	sadd.s32 $0x10, s25;
	v44 =	vshrl.u32 v48, $0x10;
	v3 =	vmovc v10;
	v10 =	vmovc v22;
	v50 =	vmul.bf16 v33, v46;
	v45 =	vadd.bf16 v49, v45  }
0x296: {  	s24 =	sor.u32 s7, s28;
	s29 =	sand.u32 $0x70, s4;
	s17 =	sadd.s32 s17, s13;
	v51 =	vadd.bf16 v14, v35;
	v22 =	vmovc v42;
	v49 =	vand.u32 $0xFFFF0000, v48;
	v26 =	vmul.bf16 v34, v26  }
.Ltmp3:
0x297: {  	s7 =	sor.u32 s29, s28;
	s28 =	sand.u32 $0x7, s18;
	v42 =	vshll.u32 v43, $0x10;
	v34 =	vand.u32 $0xFFFF, v43;
	v43 =	vunpack.i.l.bf16.f32 v45;
	(pc) =	sbr.rel @p0 .LBB2_10-.Ltmp3, $4  }
0x298: {  	s29 =	sor.u32 s25, s13;
	s30 =	sshll.u32 s28, $0x4;
	s28 =	sor.u32 $0x300, s17;
	v35 =	vor.u32 v49, v44;
	v45 =	vunpack.i.u.bf16.f32 v45;
	v49 =	vadd.bf16 v26, v51;
	[tilespmem:s7+$0x0] =	vst v43  }
0x299: {  	s17 =	sor.u32 $0x380, s29;
	s29 =	sadd.s32 s11, s30;
	s30 =	simm.s32 $0x16000;
	v34 =	vor.u32 v42, v34;
	v26 =	vand.u32 $0xFFFF, v48;
	v44 =	vmul.bf16 v46, v35;
	[tilespmem:s7+$0x200] =	vst v45  }
0x29a: {  	s29 =	sadd.s32 $0x10, s29;
	v43 =	vshll.u32 v48, $0x10;
	v45 =	vadd.bf16 v34, v50;
	v46 =	vunpack.i.l.bf16.f32 v49;
	v42 =	vld.idx.msk [tilespmem:v24+s30+$0x0], $0xffff  }
0x29b: {  	s26 =	sadd.s32 $0x20, s26;
	s29 =	sor.u32 $0x300, s29;
	v26 =	vor.u32 v43, v26;
	v43 =	vmul.bf16 v40, v47;
	v40 =	vunpack.i.u.bf16.f32 v49;
	[tilespmem:s8+$0x100] =	vst v46  }
0x29c: {  	v44 =	vadd.bf16 v26, v44;
	v41 =	vmul.bf16 v41, v45;
	_ =	sdelay $0x1  }
0x29d: {  	v41 =	vadd.bf16 v41, v44;
	_ =	sdelay $0x1  }
0x29e: {  	v44 =	vunpack.i.l.bf16.f32 v41  }
0x29f: {  	v55 =	vld.idx.msk [tilespmem:v25+s30+$0x0], $0xffff;
	v41 =	vunpack.i.u.bf16.f32 v41;
	[tilespmem:s24+$0x0] =	vst v44  }
0x2a0: {  	v56 =	vmul.bf16 v42, v28;
	[tilespmem:s24+$0x200] =	vst v41  }
0x2a1: {  	v57 =	vld.idx.msk [tilespmem:v23+s30+$0x0], $0xffff  }
0x2a2: {  	v58 =	vmul.bf16 v42, v31;
	v41 =	vadd.bf16 v30, v56  }
0x2a3: {  	v37 =	vadd.bf16 v20, v37  }
0x2a4: {  	v42 =	vadd.bf16 v32, v58;
	v41 =	vmul.bf16 v55, v41  }
0x2a5: {  	v37 =	vadd.bf16 v43, v37;
	v46 =	vld.idx.msk [tilespmem:v22+s30+$0x0], $0xffff  }
0x2a6: {  	v41 =	vadd.bf16 v41, v42;
	v59 =	vmul.bf16 v57, v33  }
0x2a7: {  	v63 =	vunpack.i.l.bf16.f32 v37  }
0x2a8: {  	[tilespmem:s22+$0x80] =	vst v63;
	v60 =	vmul.bf16 v57, v35;
	v61 =	vunpack.i.l.bf16.f32 v41;
	v44 =	vadd.bf16 v34, v59  }
0x2a9: {  	v41 =	vunpack.i.u.bf16.f32 v41;
	[tilespmem:s7+$0x80] =	vst v61  }
0x2aa: {  	v37 =	vunpack.i.u.bf16.f32 v37;
	[tilespmem:s7+$0x280] =	vst v41;
	v42 =	vadd.bf16 v26, v60;
	v62 =	vmul.bf16 v46, v44  }
0x2ab: {  	[tilespmem:s22+$0x280] =	vst v37;
	v41 =	vld.idx.msk [tilespmem:v24+s3+$0x0], $0xffff  }
0x2ac: {  	v37 =	vld.idx.msk [tilespmem:v11+s3+$0x0], $0xffff;
	v42 =	vadd.bf16 v62, v42  }
0x2ad: {  	v29 =	vmul.bf16 v29, v5;
	v36 =	vadd.bf16 v8, v36  }
0x2ae: {  	v43 =	vunpack.i.l.bf16.f32 v42  }
0x2af: {  	v29 =	vadd.bf16 v7, v29;
	v36 =	vmul.bf16 v39, v36;
	v48 =	vld.idx.msk [tilespmem:v25+s3+$0x0], $0xffff;
	v42 =	vunpack.i.u.bf16.f32 v42;
	[tilespmem:s24+$0x80] =	vst v43  }
0x2b0: {  	v51 =	vld.idx.msk [tilespmem:v10+s3+$0x0], $0xffff;
	v49 =	vmul.bf16 v41, v28;
	[tilespmem:s24+$0x280] =	vst v42  }
0x2b1: {  	v29 =	vadd.bf16 v36, v29;
	v52 =	vmul.bf16 v37, v21;
	v50 =	vld.idx.msk [tilespmem:v23+s3+$0x0], $0xffff  }
0x2b2: {  	v0 =	vmul.bf16 v38, v0;
	v41 =	vmul.bf16 v41, v31;
	v42 =	vadd.bf16 v30, v49  }
0x2b3: {  	[tilespmem:s29+$0x1C000] =	vst v40;
	v37 =	vmul.bf16 v37, v17;
	v57 =	vunpack.i.u.bf16.f32 v29;
	v55 =	vadd.bf16 v19, v52  }
0x2b4: {  	s6 =	sadd.s32 $0x2, s18;
	v15 =	vld.idx.msk [tilespmem:v15+s1+$0x0], $0xffff;
	v29 =	vunpack.i.l.bf16.f32 v29;
	v53 =	vadd.bf16 v32, v41;
	v54 =	vmul.bf16 v48, v42  }
0x2b5: {  	s6 =	sand.u32 $0x7, s6;
	[tilespmem:s10+$0x100] =	vst v29;
	v59 =	vadd.bf16 v20, v37;
	v60 =	vmul.bf16 v51, v55;
	v56 =	vld.idx.msk [tilespmem:v22+s3+$0x0], $0xffff  }
0x2b6: {  	s6 =	sshll.u32 s6, $0x4;
	[tilespmem:s16+$0x1C000] =	vst v57;
	v29 =	vadd.bf16 v54, v53;
	v58 =	vmul.bf16 v50, v33  }
0x2b7: {  	v6 =	vmul.bf16 v38, v6;
	v0 =	vadd.bf16 v9, v0;
	s6 =	sadd.s32 s13, s6;
	v1 =	vld.idx.msk [tilespmem:v1+s1+$0x0], $0xffff;
	v36 =	vadd.bf16 v60, v59  }
0x2b8: {  	v12 =	vld.idx.msk [tilespmem:v12+s1+$0x0], $0xffff;
	s6 =	sadd.s32 $0x10, s6;
	v61 =	vmul.bf16 v50, v35;
	v9 =	vunpack.i.l.bf16.f32 v29;
	v62 =	vadd.bf16 v34, v58  }
0x2b9: {  	v0 =	vmul.bf16 v27, v0;
	s6 =	sor.u32 $0x300, s6;
	v16 =	vmul.bf16 v15, v16;
	v29 =	vunpack.i.u.bf16.f32 v29;
	[tilespmem:s7+$0x100] =	vst v9  }
0x2ba: {  	v9 =	vadd.bf16 v26, v61;
	[tilespmem:s6+$0x1C000] =	vst v29;
	v29 =	vunpack.i.l.bf16.f32 v36;
	v63 =	vmul.bf16 v56, v62  }
0x2bb: {  	v13 =	vmul.bf16 v15, v13;
	v15 =	vadd.bf16 v18, v16;
	v3 =	vld.idx.msk [tilespmem:v3+s1+$0x0], $0xffff;
	v27 =	vunpack.i.u.bf16.f32 v36;
	[tilespmem:s22+$0x100] =	vst v29  }
0x2bc: {  	v2 =	vmul.bf16 v1, v2;
	v24 =	vld.idx.msk [tilespmem:v24+s1+$0x0], $0xffff;
	[tilespmem:s20+$0x1C000] =	vst v27;
	v9 =	vadd.bf16 v63, v9  }
0x2bd: {  	v4 =	vadd.bf16 v4, v6;
	v13 =	vadd.bf16 v14, v13;
	v12 =	vmul.bf16 v12, v15;
	v6 =	vld.idx.msk [tilespmem:v11+s1+$0x0], $0xffff  }
0x2be: {  	v1 =	vmul.bf16 v1, v5;
	v2 =	vadd.bf16 v8, v2;
	v11 =	vunpack.i.l.bf16.f32 v9  }
0x2bf: {  	v0 =	vadd.bf16 v0, v4;
	v8 =	vadd.bf16 v12, v13;
	v4 =	vld.idx.msk [tilespmem:v25+s1+$0x0], $0xffff;
	v9 =	vunpack.i.u.bf16.f32 v9;
	[tilespmem:s24+$0x100] =	vst v11  }
0x2c0: {  	v1 =	vadd.bf16 v7, v1;
	v2 =	vmul.bf16 v3, v2;
	v10 =	vld.idx.msk [tilespmem:v10+s1+$0x0], $0xffff;
	[tilespmem:s28+$0x1C000] =	vst v9  }
0x2c1: {  	v5 =	vmul.bf16 v24, v28;
	v9 =	vld.idx.msk [tilespmem:v23+s1+$0x0], $0xffff  }
0x2c2: {  	v12 =	vunpack.i.l.bf16.f32 v8;
	v1 =	vadd.bf16 v2, v1;
	v7 =	vmul.bf16 v6, v21  }
0x2c3: {  	v3 =	vmul.bf16 v24, v31;
	v11 =	vunpack.i.l.bf16.f32 v0;
	v5 =	vadd.bf16 v30, v5  }
0x2c4: {  	[tilespmem:s8+$0x180] =	vst v12;
	v0 =	vunpack.i.u.bf16.f32 v0;
	v6 =	vmul.bf16 v6, v17;
	v2 =	vadd.bf16 v19, v7  }
0x2c5: {  	s21 =	sor.u32 s21, s11;
	[tilespmem:s9+$0x180] =	vst v11;
	v3 =	vadd.bf16 v32, v3;
	v4 =	vmul.bf16 v4, v5;
	v5 =	vld.idx.msk [tilespmem:v22+s1+$0x0], $0xffff;
	v7 =	vunpack.i.u.bf16.f32 v8  }
0x2c6: {  	s6 =	sor.u32 $0x380, s21;
	[tilespmem:s5+$0x1C000] =	vst v0;
	v0 =	vadd.bf16 v20, v6;
	v2 =	vmul.bf16 v10, v2;
	v8 =	vmul.bf16 v9, v33  }
0x2c7: {  	[tilespmem:s6+$0x1C000] =	vst v7;
	v3 =	vadd.bf16 v4, v3;
	v4 =	vunpack.i.l.bf16.f32 v1;
	v1 =	vunpack.i.u.bf16.f32 v1  }
0x2c8: {  	[tilespmem:s10+$0x180] =	vst v4;
	v6 =	vmul.bf16 v9, v35;
	v0 =	vadd.bf16 v2, v0;
	v7 =	vadd.bf16 v34, v8  }
0x2c9: {  	[tilespmem:s14+$0x1C000] =	vst v1;
	v8 =	vunpack.i.l.bf16.f32 v3  }
0x2ca: {  	s4 =	sor.u32 s4, s13;
	v4 =	vadd.bf16 v26, v6;
	v1 =	vunpack.i.l.bf16.f32 v0;
	[tilespmem:s7+$0x180] =	vst v8;
	v2 =	vmul.bf16 v5, v7  }
0x2cb: {  	s4 =	sor.u32 $0x380, s4;
	v3 =	vunpack.i.u.bf16.f32 v3;
	[tilespmem:s22+$0x180] =	vst v1  }
0x2cc: {  	[tilespmem:s4+$0x1C000] =	vst v3;
	v2 =	vadd.bf16 v2, v4  }
0x2cd: {  	v0 =	vunpack.i.u.bf16.f32 v0;
	s23 =	sld [smem:$0x7F9]  }
0x2ce: {  	[tilespmem:s12+$0x1C000] =	vst v0;
	v0 =	vunpack.i.l.bf16.f32 v2  }
0x2cf: {  	s5 =	rddreg [dreg:$0x17];
	v1 =	vunpack.i.u.bf16.f32 v2;
	[tilespmem:s24+$0x180] =	vst v0  }
0x2d0: {  	s22 =	sshll.u32 s23, $0xC;
	[tilespmem:s17+$0x1C000] =	vst v1  }
0x2d1: {  	s5 =	sor.u32 s5, s22;
	s6 =	rddreg [dreg:$0x13]  }
0x2d2: {  	s25 =	simm.s32 $0x1C000;
	s5 =	sshrl.u32 s5, $0x3;
	s7 =	rddreg [dreg:$0x18]  }
0x2d3: {  	s12 =	simm.s32 $0x0;
	s5 =	sadd.s32 s5, s6;
	s4 =	sor.u32 s7, s22  }
0x2d4: {  	[hbm4b:s5+s12] =	stream.linear.scatter [tilespmem:s25], [sflag:$0x3], $0x200, $0x38;
	[tilespmem:$0x1D000] =	vst v63  }
0x2d5: {  	s26 =	simm.s32 $0x1C400;
	s5 =	sadd.s32 $0x80, s5;
	s4 =	sshrl.u32 s4, $0x3  }
0x2d6: {  	[hbm4b:s5+s12] =	stream.linear.scatter [tilespmem:s26], [sflag:$0x3], $0x200, $0x38;
	[tilespmem:$0x1D000] =	vst v63  }
0x2d7: {  	s8 =	simm.s32 $0x1C200;
	s4 =	sadd.s32 s4, s6  }
0x2d8: {  	[hbm4b:s4+s12] =	stream.linear.scatter [tilespmem:s8], [sflag:$0x3], $0x200, $0x38;
	[tilespmem:$0x1D000] =	vst v63  }
0x2d9: {  	s9 =	simm.s32 $0x1C600;
	s10 =	simm.s32 $0x4;
	s4 =	sadd.s32 $0x80, s4  }
0x2da: {  	[hbm4b:s4+s12] =	stream.linear.scatter [tilespmem:s9], [sflag:$0x3], $0x200, $0x38;
	[tilespmem:$0x1D000] =	vst v63  }
0x2db: {  	_ =	swait.ge [sflag:s10], $0x400  }
0x2dc: {  	[sflag:s10] =	ssyncset.done $0x0  }
0x2dd: {  	[sflag:s10] =	ssyncadd.s32 $0xFFFFFC00  }
0x2de: {  	_ =	swait.ge [sflag:s10], $0x400  }
0x2df: {  	s11 =	sld [smem:$0x7F8]  }
0x2e0: {  	[sflag:s10] =	ssyncset.done $0x0  }
0x2e1: {  	[sflag:s10] =	ssyncadd.s32 $0xFFFFFC00  }
0x2e2: {  	v0 =	vld [tilespmem:s11+$0x0];
	_ =	sdelay $0x4  }
0x2e3: {  	s14 =	sld [smem:$0x7F6];
	v13 =	vand.u32 $0xFFFF, v0  }
0x2e4: {  	s15 =	sld [smem:$0x7F7];
	_ =	sdelay $0x1  }
0x2e5: {  	v1 =	vld [tilespmem:s14+$0x0]  }
0x2e6: {  	v2 =	vld [tilespmem:s15+$0x0];
	v11 =	vshrl.u32 v0, $0x10  }
0x2e7: {  	v0 =	vld.idx.msk [tilespmem:v13+s0+$0x0], $0xffff;
	_ =	sdelay $0x2  }
0x2e8: {  	v4 =	vshrl.u32 v1, $0x10;
	v5 =	vand.u32 $0xFFFF0000, v1  }
0x2e9: {  	v7 =	vshrl.u32 v2, $0x10;
	v8 =	vand.u32 $0xFFFF0000, v2;
	v15 =	vor.u32 v5, v4;
	v6 =	vld.idx.msk [tilespmem:v11+s0+$0x0], $0xffff  }
0x2ea: {  	v4 =	vand.u32 $0xFFFF, v1;
	v1 =	vshll.u32 v1, $0x10;
	v5 =	vmul.bf16 v15, v0  }
0x2eb: {  	v9 =	vand.u32 $0xFFFF, v2;
	v12 =	vor.u32 v8, v7;
	v14 =	vor.u32 v1, v4  }
0x2ec: {  	v3 =	vld [tilespmem:s11+$0xFFFFFFF0];
	v1 =	vshll.u32 v2, $0x10;
	v0 =	vmul.bf16 v0, v12;
	v2 =	vadd.bf16 v14, v5  }
0x2ed: {  	v10 =	vor.u32 v1, v9  }
0x2ee: {  	v0 =	vadd.bf16 v10, v0;
	v1 =	vmul.bf16 v6, v2;
	_ =	sdelay $0x1  }
0x2ef: {  	s20 =	simm.s32 $0x10;
	s16 =	sand.u32 $0x400, s12;
	v0 =	vadd.bf16 v1, v0  }
0x2f0: {  	s17 =	sand.u32 $0x70, s20;
	s4 =	sor.u32 $0x1C800, s16;
	v26 =	vand.u32 $0xFFFF, v3  }
0x2f1: {  	s13 =	sor.u32 s17, s4;
	v1 =	vld [tilespmem:s14+$0xFFFFFFF0];
	v2 =	vunpack.i.l.bf16.f32 v0  }
0x2f2: {  	v0 =	vunpack.i.u.bf16.f32 v0;
	[tilespmem:s13+$0x0] =	vst v2  }
0x2f3: {  	v2 =	vld [tilespmem:s15+$0xFFFFFFF0];
	[tilespmem:s13+$0x200] =	vst v0  }
0x2f4: {  	v5 =	vld.idx.msk [tilespmem:v13+s30+$0x0], $0xffff  }
0x2f5: {  	v27 =	vshrl.u32 v3, $0x10;
	v4 =	vld.idx.msk [tilespmem:v26+s0+$0x0], $0xffff  }
0x2f6: {  	s6 =	sadd.s32 $0x20, s11;
	v0 =	vshrl.u32 v1, $0x10;
	v3 =	vand.u32 $0xFFFF0000, v1  }
0x2f7: {  	v0 =	vor.u32 v3, v0;
	v3 =	vld [tilespmem:s6+$0x0]  }
0x2f8: {  	v9 =	vld.idx.msk [tilespmem:v11+s30+$0x0], $0xffff;
	v16 =	vand.u32 $0xFFFF, v1;
	v1 =	vshll.u32 v1, $0x10  }
0x2f9: {  	v6 =	vshrl.u32 v2, $0x10;
	v8 =	vand.u32 $0xFFFF0000, v2;
	v17 =	vmul.bf16 v5, v15  }
0x2fa: {  	v18 =	vld.idx.msk [tilespmem:v27+s0+$0x0], $0xffff;
	v7 =	vmul.bf16 v0, v4;
	v19 =	vand.u32 $0xFFFF, v2;
	v6 =	vor.u32 v8, v6  }
0x2fb: {  	v8 =	vor.u32 v1, v16;
	v1 =	vmul.bf16 v5, v12;
	v5 =	vadd.bf16 v14, v17  }
0x2fc: {  	v2 =	vshll.u32 v2, $0x10;
	v16 =	vmul.bf16 v4, v6;
	v23 =	vand.u32 $0xFFFF, v3  }
0x2fd: {  	v7 =	vadd.bf16 v8, v7;
	v1 =	vadd.bf16 v10, v1;
	v5 =	vmul.bf16 v9, v5  }
0x2fe: {  	s18 =	sadd.s32 $0x20, s14;
	v4 =	vor.u32 v2, v19;
	v2 =	vld [tilespmem:s6+$0xFFFFFFF0];
	v22 =	vshrl.u32 v3, $0x10  }
0x2ff: {  	s8 =	sadd.s32 $0x20, s15;
	v7 =	vmul.bf16 v18, v7;
	v9 =	vadd.bf16 v4, v16;
	v1 =	vadd.bf16 v5, v1;
	v5 =	vld [tilespmem:s18+$0x0]  }
0x300: {  	v16 =	vld [tilespmem:s8+$0x0]  }
0x301: {  	v7 =	vadd.bf16 v7, v9;
	v3 =	vld.idx.msk [tilespmem:v23+s0+$0x0], $0xffff  }
0x302: {  	v9 =	vunpack.i.l.bf16.f32 v1  }
0x303: {  	v1 =	vunpack.i.u.bf16.f32 v1;
	[tilespmem:s13+$0x80] =	vst v9;
	v9 =	vunpack.i.u.bf16.f32 v7  }
0x304: {  	v21 =	vld.idx.msk [tilespmem:v22+s0+$0x0], $0xffff;
	[tilespmem:s13+$0x280] =	vst v1;
	v1 =	vand.u32 $0xFFFF, v2;
	v19 =	vshrl.u32 v5, $0x10;
	v20 =	vand.u32 $0xFFFF0000, v5  }
0x305: {  	v25 =	vshrl.u32 v16, $0x10;
	v28 =	vand.u32 $0xFFFF0000, v16;
	v18 =	vld.idx.msk [tilespmem:v13+s3+$0x0], $0xffff;
	v24 =	vor.u32 v20, v19  }
0x306: {  	v17 =	vld [tilespmem:s18+$0xFFFFFFF0];
	v19 =	vand.u32 $0xFFFF, v5;
	v5 =	vshll.u32 v5, $0x10;
	v20 =	vmul.bf16 v24, v3  }
0x307: {  	v31 =	vand.u32 $0xFFFF, v16;
	v28 =	vor.u32 v28, v25;
	v29 =	vor.u32 v5, v19  }
0x308: {  	v16 =	vshll.u32 v16, $0x10;
	v19 =	vmul.bf16 v3, v28;
	v20 =	vadd.bf16 v29, v20  }
0x309: {  	v7 =	vunpack.i.l.bf16.f32 v7;
	v25 =	vor.u32 v16, v31;
	v5 =	vld.idx.msk [tilespmem:v11+s3+$0x0], $0xffff;
	v3 =	vshrl.u32 v2, $0x10  }
0x30a: {  	v30 =	vld [tilespmem:s8+$0xFFFFFFF0];
	v2 =	vmul.bf16 v18, v15;
	v19 =	vadd.bf16 v25, v19;
	v20 =	vmul.bf16 v21, v20  }
0x30b: {  	s19 =	sand.u32 $0x60, s12;
	s7 =	simm.s32 $0x100;
	v16 =	vshrl.u32 v17, $0x10;
	v38 =	vld.idx.msk [tilespmem:v1+s0+$0x0], $0xffff;
	v18 =	vmul.bf16 v18, v12;
	v21 =	vand.u32 $0xFFFF0000, v17  }
0x30c: {  	s21 =	sand.u32 $0x400, s7;
	s17 =	simm.s32 $0x30;
	s9 =	sor.u32 s19, s4;
	v31 =	vadd.bf16 v14, v2;
	v2 =	vor.u32 v21, v16;
	v16 =	vadd.bf16 v20, v19  }
0x30d: {  	s22 =	sand.u32 $0x70, s17;
	s10 =	sor.u32 $0x1C800, s21;
	v39 =	vand.u32 $0xFFFF, v17;
	[tilespmem:s9+$0x0] =	vst v7;
	v18 =	vadd.bf16 v10, v18  }
0x30e: {  	s4 =	sor.u32 s22, s10;
	[tilespmem:s9+$0x200] =	vst v9;
	v17 =	vshll.u32 v17, $0x10;
	v5 =	vmul.bf16 v5, v31;
	v21 =	vunpack.i.l.bf16.f32 v16  }
0x30f: {  	s24 =	sand.u32 $0x7, s12;
	v9 =	vor.u32 v17, v39;
	v19 =	vshrl.u32 v30, $0x10;
	v31 =	vld.idx.msk [tilespmem:v3+s0+$0x0], $0xffff;
	v16 =	vunpack.i.u.bf16.f32 v16;
	[tilespmem:s4+$0x0] =	vst v21  }
0x310: {  	s11 =	sshll.u32 s24, $0x4;
	v7 =	vmul.bf16 v2, v38;
	v20 =	vand.u32 $0xFFFF0000, v30;
	v18 =	vadd.bf16 v5, v18;
	[tilespmem:s4+$0x200] =	vst v16  }
0x311: {  	s11 =	sadd.s32 $0x0, s11;
	v5 =	vor.u32 v20, v19;
	v19 =	vand.u32 $0xFFFF, v30;
	v30 =	vshll.u32 v30, $0x10;
	v17 =	vld.idx.msk [tilespmem:v23+s30+$0x0], $0xffff  }
0x312: {  	s11 =	sadd.s32 $0x10, s11;
	s15 =	sadd.s32 $0x20, s6;
	v40 =	vadd.bf16 v9, v7;
	v16 =	vmul.bf16 v38, v5;
	v21 =	vld.idx.msk [tilespmem:v26+s30+$0x0], $0xffff;
	v20 =	vunpack.i.l.bf16.f32 v18  }
0x313: {  	s25 =	sor.u32 $0x300, s11;
	v7 =	vor.u32 v30, v19;
	v19 =	vld [tilespmem:s15+$0x0];
	v18 =	vunpack.i.u.bf16.f32 v18;
	[tilespmem:s13+$0x100] =	vst v20  }
0x314: {  	v30 =	vld.idx.msk [tilespmem:v22+s30+$0x0], $0xffff;
	v16 =	vadd.bf16 v7, v16;
	[tilespmem:s25+$0x1C800] =	vst v18;
	v18 =	vmul.bf16 v31, v40  }
0x315: {  	v20 =	vld.idx.msk [tilespmem:v13+s1+$0x0], $0xffff  }
0x316: {  	s14 =	simm.s32 $0x20;
	v31 =	vld.idx.msk [tilespmem:v27+s30+$0x0], $0xffff;
	v13 =	vadd.bf16 v18, v16;
	v16 =	vmul.bf16 v17, v24  }
0x317: {  	s26 =	sand.u32 $0x60, s14;
	v18 =	vmul.bf16 v21, v0;
	v21 =	vmul.bf16 v21, v6  }
0x318: {  	s10 =	sor.u32 s26, s10;
	v41 =	vld [tilespmem:s15+$0xFFFFFFF0];
	v17 =	vmul.bf16 v17, v28;
	v42 =	vunpack.i.l.bf16.f32 v13;
	v16 =	vadd.bf16 v29, v16  }
0x319: {  	v44 =	vld.idx.msk [tilespmem:v11+s1+$0x0], $0xffff;
	v18 =	vadd.bf16 v8, v18;
	v43 =	vunpack.i.u.bf16.f32 v13;
	v13 =	vand.u32 $0xFFFF, v19;
	[tilespmem:s10+$0x0] =	vst v42  }
0x31a: {  	[tilespmem:s10+$0x200] =	vst v43;
	v11 =	vmul.bf16 v20, v15;
	v15 =	vadd.bf16 v25, v17;
	v16 =	vmul.bf16 v30, v16  }
0x31b: {  	s5 =	sadd.s32 $0x20, s18;
	v17 =	vmul.bf16 v31, v18;
	v18 =	vadd.bf16 v4, v21;
	v21 =	vld.idx.msk [tilespmem:v1+s30+$0x0], $0xffff;
	v20 =	vmul.bf16 v20, v12  }
0x31c: {  	s24 =	sadd.s32 $0x20, s8;
	v12 =	vshrl.u32 v19, $0x10;
	v14 =	vadd.bf16 v14, v11;
	v15 =	vadd.bf16 v16, v15;
	v16 =	vld [tilespmem:s5+$0x0]  }
0x31d: {  	v17 =	vadd.bf16 v17, v18;
	v18 =	vld [tilespmem:s24+$0x0]  }
0x31e: {  	v11 =	vand.u32 $0xFFFF, v41;
	v19 =	vadd.bf16 v10, v20;
	v20 =	vld.idx.msk [tilespmem:v13+s0+$0x0], $0xffff;
	v14 =	vmul.bf16 v44, v14  }
0x31f: {  	v30 =	vunpack.i.u.bf16.f32 v17;
	v31 =	vunpack.i.l.bf16.f32 v17;
	v10 =	vunpack.i.l.bf16.f32 v15  }
0x320: {  	v45 =	vld [tilespmem:s5+$0xFFFFFFF0];
	v15 =	vunpack.i.u.bf16.f32 v15;
	v46 =	vmul.bf16 v21, v2;
	v47 =	vmul.bf16 v21, v5;
	[tilespmem:s4+$0x80] =	vst v10  }
0x321: {  	v21 =	vld.idx.msk [tilespmem:v12+s0+$0x0], $0xffff;
	v34 =	vadd.bf16 v14, v19;
	[tilespmem:s4+$0x280] =	vst v15;
	v14 =	vshrl.u32 v16, $0x10;
	v15 =	vand.u32 $0xFFFF0000, v16  }
0x322: {  	v19 =	vld.idx.msk [tilespmem:v23+s3+$0x0], $0xffff;
	v17 =	vshrl.u32 v18, $0x10;
	v48 =	vand.u32 $0xFFFF0000, v18;
	v15 =	vor.u32 v15, v14  }
0x323: {  	v50 =	vand.u32 $0xFFFF, v16;
	v16 =	vshll.u32 v16, $0x10;
	v51 =	vmul.bf16 v15, v20  }
0x324: {  	v53 =	vand.u32 $0xFFFF, v18;
	v14 =	vor.u32 v48, v17;
	v17 =	vor.u32 v16, v50  }
0x325: {  	v52 =	vld [tilespmem:s24+$0xFFFFFFF0];
	v16 =	vshll.u32 v18, $0x10;
	v18 =	vmul.bf16 v20, v14;
	v20 =	vadd.bf16 v17, v51  }
0x326: {  	v55 =	vshrl.u32 v45, $0x10;
	v10 =	vshrl.u32 v41, $0x10;
	v54 =	vld.idx.msk [tilespmem:v22+s3+$0x0], $0xffff;
	v16 =	vor.u32 v16, v53  }
0x327: {  	v56 =	vmul.bf16 v19, v24;
	v18 =	vadd.bf16 v16, v18;
	v20 =	vmul.bf16 v21, v20  }
0x328: {  	s11 =	simm.s32 $0x200;
	v57 =	vand.u32 $0xFFFF0000, v45;
	v60 =	vand.u32 $0xFFFF, v45;
	v32 =	vshll.u32 v45, $0x10;
	v49 =	vld.idx.msk [tilespmem:v11+s0+$0x0], $0xffff  }
0x329: {  	s21 =	simm.s32 $0x50;
	s25 =	sand.u32 $0x400, s11;
	[tilespmem:s9+$0x80] =	vst v31;
	v19 =	vmul.bf16 v19, v28;
	v31 =	vadd.bf16 v29, v56;
	v20 =	vadd.bf16 v20, v18  }
0x32a: {  	s18 =	sand.u32 $0x70, s21;
	s19 =	sor.u32 $0x1C800, s25;
	v62 =	vld.idx.msk [tilespmem:v3+s30+$0x0], $0xffff;
	[tilespmem:s9+$0x280] =	vst v30;
	v30 =	vshrl.u32 v52, $0x10;
	v33 =	vadd.bf16 v9, v46;
	v47 =	vadd.bf16 v7, v47  }
0x32b: {  	s26 =	simm.s32 $0x2;
	s8 =	sor.u32 s18, s19;
	v58 =	vld.idx.msk [tilespmem:v26+s3+$0x0], $0xffff;
	v19 =	vadd.bf16 v25, v19;
	v31 =	vmul.bf16 v54, v31;
	v61 =	vunpack.i.l.bf16.f32 v20  }
0x32c: {  	s16 =	sand.u32 $0x7, s26;
	v59 =	vld.idx.msk [tilespmem:v10+s0+$0x0], $0xffff;
	v21 =	vor.u32 v57, v55;
	v18 =	vand.u32 $0xFFFF0000, v52;
	v20 =	vunpack.i.u.bf16.f32 v20;
	[tilespmem:s8+$0x0] =	vst v61  }
0x32d: {  	s16 =	sshll.u32 s16, $0x4;
	v38 =	vmul.bf16 v21, v49;
	v18 =	vor.u32 v18, v30;
	v30 =	vadd.bf16 v31, v19;
	[tilespmem:s8+$0x200] =	vst v20  }
0x32e: {  	s16 =	sadd.s32 $0x100, s16;
	v31 =	vand.u32 $0xFFFF, v52;
	v19 =	vor.u32 v32, v60;
	v63 =	vmul.bf16 v49, v18;
	v46 =	vld.idx.msk [tilespmem:v13+s30+$0x0], $0xffff  }
0x32f: {  	s26 =	sadd.s32 $0x20, s15;
	s16 =	sadd.s32 $0x10, s16;
	v44 =	vld.idx.msk [tilespmem:v27+s3+$0x0], $0xffff;
	v20 =	vshll.u32 v52, $0x10;
	v38 =	vadd.bf16 v19, v38;
	v45 =	vunpack.i.l.bf16.f32 v30  }
0x330: {  	s16 =	sor.u32 $0x300, s16;
	v49 =	vld [tilespmem:s26+$0x0];
	v20 =	vor.u32 v20, v31;
	v30 =	vunpack.i.u.bf16.f32 v30;
	v31 =	vmul.bf16 v58, v0;
	[tilespmem:s4+$0x100] =	vst v45  }
0x331: {  	v50 =	vld.idx.msk [tilespmem:v12+s30+$0x0], $0xffff;
	v32 =	vadd.bf16 v20, v63;
	v36 =	vmul.bf16 v59, v38;
	[tilespmem:s16+$0x1C800] =	vst v30  }
0x332: {  	s6 =	sadd.s32 $0x20, s24;
	v48 =	vmul.bf16 v58, v6;
	v30 =	vmul.bf16 v62, v33;
	v31 =	vadd.bf16 v8, v31;
	v23 =	vld.idx.msk [tilespmem:v23+s1+$0x0], $0xffff  }
0x333: {  	s18 =	simm.s32 $0x40;
	v35 =	vunpack.i.l.bf16.f32 v34;
	v62 =	vld [tilespmem:s6+$0x0];
	v32 =	vadd.bf16 v36, v32;
	v53 =	vmul.bf16 v46, v15  }
0x334: {  	s22 =	sand.u32 $0x60, s18;
	v51 =	vadd.bf16 v4, v48;
	v30 =	vadd.bf16 v30, v47;
	v31 =	vmul.bf16 v44, v31  }
0x335: {  	s22 =	sor.u32 s22, s19;
	v56 =	vld [tilespmem:s26+$0xFFFFFFF0];
	v52 =	vunpack.i.l.bf16.f32 v32;
	v55 =	vmul.bf16 v46, v14;
	v57 =	vadd.bf16 v17, v53  }
0x336: {  	s15 =	sadd.s32 $0x20, s5;
	v22 =	vld.idx.msk [tilespmem:v22+s1+$0x0], $0xffff;
	v32 =	vunpack.i.u.bf16.f32 v32;
	[tilespmem:s22+$0x0] =	vst v52;
	v54 =	vunpack.i.u.bf16.f32 v30;
	v30 =	vunpack.i.l.bf16.f32 v30  }
0x337: {  	v60 =	vld [tilespmem:s15+$0x0];
	[tilespmem:s22+$0x200] =	vst v32;
	v39 =	vadd.bf16 v16, v55;
	v58 =	vmul.bf16 v23, v24;
	v32 =	vmul.bf16 v50, v57  }
0x338: {  	v31 =	vadd.bf16 v31, v51;
	v59 =	vld.idx.msk [tilespmem:v11+s30+$0x0], $0xffff;
	[tilespmem:s10+$0x80] =	vst v30;
	v47 =	vshrl.u32 v62, $0x10;
	v24 =	vand.u32 $0xFFFF, v49  }
0x339: {  	[tilespmem:s10+$0x280] =	vst v54;
	v23 =	vmul.bf16 v23, v28;
	v28 =	vadd.bf16 v29, v58;
	v29 =	vadd.bf16 v32, v39  }
0x33a: {  	v48 =	vand.u32 $0xFFFF0000, v62;
	v52 =	vand.u32 $0xFFFF, v62;
	v41 =	vunpack.i.u.bf16.f32 v31;
	v30 =	vld.idx.msk [tilespmem:v1+s3+$0x0], $0xffff  }
0x33b: {  	v61 =	vadd.bf16 v25, v23;
	v23 =	vand.u32 $0xFFFF, v56;
	v54 =	vunpack.i.l.bf16.f32 v29  }
0x33c: {  	s25 =	sshllo.u32 s23, $0x1;
	v25 =	vshrl.u32 v49, $0x10;
	v32 =	vshll.u32 v60, $0x10;
	v28 =	vmul.bf16 v22, v28;
	[tilespmem:s8+$0x80] =	vst v54  }
0x33d: {  	s14 =	sor.u32 s14, s7;
	v22 =	vshrl.u32 v56, $0x10;
	v55 =	vmul.bf16 v59, v21;
	v63 =	vld.idx.msk [tilespmem:v24+s0+$0x0], $0xffff;
	v29 =	vunpack.i.u.bf16.f32 v29;
	[smem:$0x7F3] =	sst s25  }
0x33e: {  	s7 =	sor.u32 s17, s7;
	s14 =	sor.u32 $0x380, s14;
	s24 =	sand.u32 $0x3, s12;
	v56 =	vunpack.i.l.bf16.f32 v31;
	v37 =	vmul.bf16 v59, v18;
	v28 =	vadd.bf16 v28, v61;
	v43 =	vld [tilespmem:s15+$0xFFFFFFF0];
	[tilespmem:s8+$0x280] =	vst v29  }
0x33f: {  	s7 =	sor.u32 $0x380, s7;
	s23 =	sor.u32 s12, s12;
	s5 =	sshll.u32 s24, $0x5;
	v31 =	vand.u32 $0xFFFF0000, v60;
	v59 =	vshll.u32 v62, $0x10;
	v36 =	vmul.bf16 v30, v2;
	v57 =	vld.idx.msk [tilespmem:v13+s3+$0x0], $0xffff  }
0x340: {  	s18 =	sor.u32 s18, s11;
	s19 =	simm.s32 $0x1;
	s5 =	sadd.s32 $0x0, s5;
	v40 =	vadd.bf16 v19, v55;
	v44 =	vunpack.i.l.bf16.f32 v28;
	v29 =	vshrl.u32 v60, $0x10;
	v51 =	vld [tilespmem:s6+$0xFFFFFFF0]  }
0x341: {  	s12 =	sor.u32 s20, s12;
	s24 =	sor.u32 $0x300, s5;
	s5 =	sor.u32 $0x380, s23;
	v46 =	vunpack.i.u.bf16.f32 v28;
	v58 =	vld.idx.msk [tilespmem:v25+s0+$0x0], $0xffff;
	v28 =	vor.u32 v31, v29;
	v31 =	vor.u32 v48, v47  }
0x342: {  	s26 =	sadd.s32 $0x20, s26;
	s16 =	sand.u32 $0x3, s19;
	s25 =	simm.s32 $0x2;
	v49 =	vld.idx.msk [tilespmem:v23+s0+$0x0], $0xffff;
	[tilespmem:s13+$0x180] =	vst v35;
	v29 =	vand.u32 $0xFFFF, v60;
	v50 =	vmul.bf16 v28, v63;
	v38 =	vmul.bf16 v63, v31  }
0x343: {  	v34 =	vunpack.i.u.bf16.f32 v34;
	s16 =	sshll.u32 s16, $0x5;
	s23 =	sand.u32 $0x3, s25;
	s25 =	sor.u32 $0x380, s12;
	[tilespmem:s9+$0x100] =	vst v56;
	v47 =	vld.idx.msk [tilespmem:v12+s3+$0x0], $0xffff;
	v29 =	vor.u32 v32, v29;
	v32 =	vor.u32 v59, v52  }
0x344: {  	s12 =	sor.u32 $0x380, s18;
	s13 =	simm.s32 $0x300;
	s18 =	simm.s32 $0x4;
	[tilespmem:s25+$0x1C800] =	vst v34;
	v60 =	vadd.bf16 v29, v50;
	v38 =	vadd.bf16 v32, v38;
	v62 =	vmul.bf16 v57, v15  }
0x345: {  	s19 =	sshll.u32 s23, $0x5;
	[tilespmem:s24+$0x1C800] =	vst v41;
	s28 =	sand.u32 $0x400, s13;
	s24 =	simm.s32 $0x70;
	v61 =	vshrl.u32 v43, $0x10;
	v52 =	vand.u32 $0xFFFF0000, v43;
	v55 =	vshrl.u32 v51, $0x10  }
0x346: {  	[tilespmem:s4+$0x180] =	vst v44;
	s29 =	sand.u32 $0x7, s18;
	s19 =	sadd.s32 $0x200, s19;
	s4 =	sor.u32 $0x1C800, s28;
	v63 =	vmul.bf16 v58, v60;
	v53 =	vmul.bf16 v57, v14;
	v54 =	vadd.bf16 v17, v62  }
0x347: {  	s28 =	sand.u32 $0x70, s24;
	[tilespmem:s7+$0x1C800] =	vst v46;
	s20 =	sor.u32 $0x300, s19;
	s19 =	simm.s32 $0x3;
	v59 =	vand.u32 $0xFFFF, v43;
	v33 =	vor.u32 v52, v61;
	v58 =	vand.u32 $0xFFFF0000, v51  }
0x348: {  	s7 =	sor.u32 s28, s4;
	s28 =	sshll.u32 s29, $0x4;
	s25 =	sand.u32 $0x3, s19;
	v57 =	vld.idx.msk [tilespmem:v10+s30+$0x0], $0xffff;
	v38 =	vadd.bf16 v63, v38;
	v34 =	vadd.bf16 v16, v53;
	v47 =	vmul.bf16 v47, v54  }
0x349: {  	v41 =	vld.idx.msk [tilespmem:v22+s0+$0x0], $0xffff;
	s29 =	sadd.s32 $0x200, s28;
	s17 =	sshll.u32 s25, $0x5;
	s25 =	simm.s32 $0x60;
	v43 =	vshll.u32 v43, $0x10;
	v56 =	vmul.bf16 v33, v49;
	v35 =	vor.u32 v58, v55  }
0x34a: {  	s16 =	sadd.s32 $0x100, s16;
	s29 =	sadd.s32 $0x10, s29;
	s30 =	sand.u32 $0x60, s25;
	v60 =	vunpack.i.l.bf16.f32 v38;
	v61 =	vunpack.i.u.bf16.f32 v38;
	v38 =	vld.idx.msk [tilespmem:v26+s1+$0x0], $0xffff;
	v62 =	vadd.bf16 v47, v34  }
0x34b: {  	v39 =	vld.idx.msk [tilespmem:v3+s3+$0x0], $0xffff;
	s17 =	sadd.s32 $0x300, s17;
	s4 =	sor.u32 s30, s4;
	s30 =	sor.u32 s25, s13;
	v44 =	vmul.bf16 v49, v35;
	v63 =	vshll.u32 v51, $0x10;
	[tilespmem:s7+$0x0] =	vst v60;
	v34 =	vor.u32 v43, v59  }
0x34c: {  	v27 =	vld.idx.msk [tilespmem:v27+s1+$0x0], $0xffff;
	s28 =	sor.u32 $0x300, s17;
	s17 =	sor.u32 $0x380, s30;
	s30 =	simm.s32 $0x16000;
	v26 =	vand.u32 $0xFFFF, v51;
	[tilespmem:s7+$0x200] =	vst v61;
	v45 =	vadd.bf16 v34, v56;
	v47 =	vunpack.i.l.bf16.f32 v62  }
0x34d: {  	s16 =	sor.u32 $0x300, s16;
	s23 =	simm.s32 $0x6;
	s29 =	sor.u32 $0x300, s29;
	v26 =	vor.u32 v63, v26;
	v42 =	vld.idx.msk [tilespmem:v24+s30+$0x0], $0xffff;
	v43 =	vmul.bf16 v57, v40;
	v40 =	vunpack.i.u.bf16.f32 v62;
	[tilespmem:s8+$0x100] =	vst v47  }
.LBB2_12:
0x34e: {  	v46 =	vld [tilespmem:s26+$0x0];
	v44 =	vadd.bf16 v26, v44;
	v41 =	vmul.bf16 v41, v45;
	v37 =	vadd.bf16 v20, v37;
	[tilespmem:s29+$0x1C800] =	vst v40  }
0x34f: {  	v47 =	vmul.bf16 v30, v5;
	v30 =	vadd.bf16 v9, v36;
	v48 =	vmul.bf16 v38, v0;
	v45 =	vld.idx.msk [tilespmem:v13+s1+$0x0], $0xffff  }
0x350: {  	v6 =	vmul.bf16 v38, v6;
	v36 =	vadd.bf16 v41, v44;
	v41 =	vld.idx.msk [tilespmem:v25+s30+$0x0], $0xffff;
	v37 =	vadd.bf16 v43, v37  }
0x351: {  	v13 =	vmovc v24;
	v40 =	vadd.bf16 v7, v47;
	v30 =	vmul.bf16 v39, v30;
	v8 =	vadd.bf16 v8, v48;
	v38 =	vld [tilespmem:s26+$0xFFFFFFF0]  }
0x352: {  	v0 =	vmovc v2;
	v2 =	vmovc v21;
	v39 =	vmul.bf16 v42, v28;
	v24 =	vunpack.i.u.bf16.f32 v36;
	v36 =	vunpack.i.l.bf16.f32 v36  }
0x353: {  	v21 =	vunpack.i.u.bf16.f32 v37;
	v43 =	vadd.bf16 v30, v40;
	[tilespmem:s4+$0x0] =	vst v36;
	v36 =	vunpack.i.l.bf16.f32 v37;
	v37 =	vld.idx.msk [tilespmem:v12+s1+$0x0], $0xffff;
	v12 =	vmovc v25  }
0x354: {  	s23 =	sadd.s32 $0x2, s23;
	v8 =	vmul.bf16 v27, v8;
	v25 =	vmul.bf16 v42, v31;
	v30 =	vadd.bf16 v29, v39;
	[tilespmem:s4+$0x200] =	vst v24  }
0x355: {  	p0 =	slt.u32 s23, $0xE;
	v24 =	vand.u32 $0xFFFF, v46;
	v39 =	vunpack.i.u.bf16.f32 v43;
	v27 =	vld.idx.msk [tilespmem:v23+s30+$0x0], $0xffff;
	[tilespmem:s22+$0x80] =	vst v36;
	v36 =	vmul.bf16 v45, v15;
	v15 =	vmovc v28  }
0x356: {  	v25 =	vadd.bf16 v32, v25;
	v28 =	vmul.bf16 v41, v30;
	v44 =	vand.u32 $0xFFFF, v38;
	v40 =	vld.idx.msk [tilespmem:v22+s30+$0x0], $0xffff;
	[tilespmem:s22+$0x280] =	vst v21  }
0x357: {  	s6 =	sadd.s32 $0x20, s6;
	v42 =	vshrl.u32 v38, $0x10;
	v38 =	vmul.bf16 v45, v14;
	v14 =	vmovc v31;
	v30 =	vld.idx.msk [tilespmem:v11+s3+$0x0], $0xffff;
	v36 =	vadd.bf16 v17, v36  }
0x358: {  	s15 =	sadd.s32 $0x20, s15;
	v4 =	vadd.bf16 v4, v6;
	v31 =	vunpack.i.l.bf16.f32 v43;
	v21 =	vmovc v33;
	v28 =	vadd.bf16 v28, v25;
	v17 =	vmovc v29;
	v45 =	vld [tilespmem:s6+$0x0]  }
0x359: {  	v25 =	vshrl.u32 v46, $0x10;
	v33 =	vadd.bf16 v16, v38;
	v16 =	vmovc v32;
	v29 =	vld [tilespmem:s15+$0x0];
	v36 =	vmul.bf16 v37, v36;
	[tilespmem:s10+$0x100] =	vst v31  }
0x35a: {  	v6 =	vmovc v5;
	v5 =	vmov v18;
	v4 =	vadd.bf16 v8, v4;
	v31 =	vunpack.i.l.bf16.f32 v28;
	v32 =	vld.idx.msk [tilespmem:v24+s0+$0x0], $0xffff;
	[tilespmem:s16+$0x1C800] =	vst v39;
	s16 =	smov.u32 s20;
	s20 =	smov.u32 s28  }
0x35b: {  	v18 =	vmovc v35;
	v38 =	vmul.bf16 v27, v21;
	v39 =	vunpack.i.u.bf16.f32 v28;
	v43 =	vld [tilespmem:s15+$0xFFFFFFF0];
	[tilespmem:s7+$0x80] =	vst v31;
	v28 =	vadd.bf16 v36, v33  }
0x35c: {  	v8 =	vmovc v9;
	v37 =	vmul.bf16 v27, v18;
	v27 =	vunpack.i.u.bf16.f32 v4;
	v4 =	vunpack.i.l.bf16.f32 v4;
	v46 =	vld.idx.msk [tilespmem:v44+s0+$0x0], $0xffff;
	[tilespmem:s7+$0x280] =	vst v39  }
0x35d: {  	s28 =	sor.u32 s21, s11;
	s11 =	smov.u32 s13;
	s21 =	smov.u32 s24;
	v47 =	vadd.bf16 v34, v38;
	v36 =	vmul.bf16 v30, v2;
	v35 =	vld.idx.msk [tilespmem:v13+s3+$0x0], $0xffff;
	v39 =	vunpack.i.l.bf16.f32 v28;
	[tilespmem:s9+$0x180] =	vst v4  }
0x35e: {  	v9 =	vmovc v19;
	v19 =	vmovc v34;
	v38 =	vunpack.i.u.bf16.f32 v28;
	s9 =	smov.u32 s10;
	s10 =	smov.u32 s22;
	v41 =	vshrl.u32 v29, $0x10;
	v31 =	vand.u32 $0xFFFF0000, v29;
	v33 =	vld.idx.msk [tilespmem:v25+s0+$0x0], $0xffff;
	[tilespmem:s8+$0x180] =	vst v39;
	s8 =	sor.u32 $0x380, s28  }
0x35f: {  	v34 =	vshrl.u32 v45, $0x10;
	v4 =	vmovc v7;
	v7 =	vmovc v20;
	s22 =	smov.u32 s4;
	v39 =	vand.u32 $0xFFFF0000, v45;
	v48 =	vld [tilespmem:s6+$0xFFFFFFF0];
	v28 =	vor.u32 v31, v41;
	[tilespmem:s8+$0x1C800] =	vst v38;
	s8 =	smov.u32 s7  }
0x360: {  	v20 =	vmovc v26;
	v38 =	vand.u32 $0xFFFF, v29;
	v29 =	vshll.u32 v29, $0x10;
	v41 =	vld.idx.msk [tilespmem:v42+s0+$0x0], $0xffff;
	v49 =	vmul.bf16 v28, v32;
	[tilespmem:s5+$0x1C800] =	vst v27;
	s5 =	smov.u32 s14;
	s14 =	smov.u32 s12;
	s12 =	smov.u32 s17  }
0x361: {  	v26 =	vand.u32 $0xFFFF, v45;
	v31 =	vor.u32 v39, v34;
	v29 =	vor.u32 v29, v38;
	v34 =	vld.idx.msk [tilespmem:v12+s3+$0x0], $0xffff  }
0x362: {  	v27 =	vshll.u32 v45, $0x10;
	v45 =	vmul.bf16 v32, v31;
	v49 =	vadd.bf16 v29, v49;
	v39 =	vld.idx.msk [tilespmem:v10+s3+$0x0], $0xffff  }
0x363: {  	s19 =	sadd.s32 $0x1, s19;
	v50 =	vshrl.u32 v43, $0x10;
	v32 =	vor.u32 v27, v26;
	v26 =	vmul.bf16 v35, v15;
	v38 =	vld.idx.msk [tilespmem:v1+s1+$0x0], $0xffff;
	v1 =	vmovc v11  }
0x364: {  	s25 =	sadd.s32 $0x20, s25;
	s13 =	sadd.s32 $0x100, s13;
	s4 =	sand.u32 $0x3, s19;
	v51 =	vand.u32 $0xFFFF0000, v43;
	v45 =	vadd.bf16 v32, v45;
	v11 =	vmovc v23;
	v49 =	vmul.bf16 v33, v49;
	v27 =	vld.idx.msk [tilespmem:v3+s1+$0x0], $0xffff  }
0x365: {  	s24 =	sadd.s32 $0x10, s25;
	s7 =	sand.u32 $0x400, s13;
	s17 =	sshll.u32 s4, $0x5;
	v35 =	vmul.bf16 v35, v14;
	v23 =	vmovc v44;
	v33 =	vor.u32 v51, v50;
	v26 =	vadd.bf16 v17, v26  }
0x366: {  	s28 =	sand.u32 $0x70, s24;
	s4 =	sand.u32 $0x60, s25;
	s7 =	sor.u32 $0x1C800, s7;
	v44 =	vshrl.u32 v48, $0x10;
	v3 =	vmovc v10;
	v10 =	vmovc v22;
	v50 =	vmul.bf16 v33, v46;
	v45 =	vadd.bf16 v49, v45  }
0x367: {  	s18 =	sadd.s32 $0x2, s18;
	s4 =	sor.u32 s4, s7;
	s7 =	sor.u32 s28, s7;
	v51 =	vadd.bf16 v16, v35;
	v22 =	vmovc v42;
	v49 =	vand.u32 $0xFFFF0000, v48;
	v26 =	vmul.bf16 v34, v26  }
.Ltmp4:
0x368: {  	s28 =	sand.u32 $0x7, s18;
	s17 =	sadd.s32 s17, s13;
	v42 =	vshll.u32 v43, $0x10;
	v34 =	vand.u32 $0xFFFF, v43;
	v43 =	vunpack.i.l.bf16.f32 v45;
	(pc) =	sbr.rel @p0 .LBB2_12-.Ltmp4, $4  }
0x369: {  	s29 =	sor.u32 s25, s13;
	s30 =	sshll.u32 s28, $0x4;
	s28 =	sor.u32 $0x300, s17;
	v35 =	vor.u32 v49, v44;
	v45 =	vunpack.i.u.bf16.f32 v45;
	v49 =	vadd.bf16 v26, v51;
	[tilespmem:s7+$0x0] =	vst v43  }
0x36a: {  	s17 =	sor.u32 $0x380, s29;
	s29 =	sadd.s32 s11, s30;
	s30 =	simm.s32 $0x16000;
	v34 =	vor.u32 v42, v34;
	v26 =	vand.u32 $0xFFFF, v48;
	v44 =	vmul.bf16 v46, v35;
	[tilespmem:s7+$0x200] =	vst v45  }
0x36b: {  	s29 =	sadd.s32 $0x10, s29;
	v43 =	vshll.u32 v48, $0x10;
	v45 =	vadd.bf16 v34, v50;
	v46 =	vunpack.i.l.bf16.f32 v49;
	v42 =	vld.idx.msk [tilespmem:v24+s30+$0x0], $0xffff  }
0x36c: {  	s26 =	sadd.s32 $0x20, s26;
	s29 =	sor.u32 $0x300, s29;
	v26 =	vor.u32 v43, v26;
	v43 =	vmul.bf16 v40, v47;
	v40 =	vunpack.i.u.bf16.f32 v49;
	[tilespmem:s8+$0x100] =	vst v46  }
0x36d: {  	v44 =	vadd.bf16 v26, v44;
	v41 =	vmul.bf16 v41, v45;
	_ =	sdelay $0x1  }
0x36e: {  	v41 =	vadd.bf16 v41, v44;
	_ =	sdelay $0x1  }
0x36f: {  	v48 =	vunpack.i.l.bf16.f32 v41  }
0x370: {  	v41 =	vunpack.i.u.bf16.f32 v41;
	[tilespmem:s4+$0x0] =	vst v48  }
0x371: {  	v63 =	vld.idx.msk [tilespmem:v25+s30+$0x0], $0xffff;
	[tilespmem:s4+$0x200] =	vst v41  }
0x372: {  	v49 =	vmul.bf16 v42, v28;
	v52 =	vld.idx.msk [tilespmem:v23+s30+$0x0], $0xffff;
	_ =	sdelay $0x1  }
0x373: {  	v50 =	vmul.bf16 v42, v31;
	v51 =	vadd.bf16 v29, v49;
	_ =	sdelay $0x1  }
0x374: {  	v41 =	vadd.bf16 v32, v50;
	v53 =	vld.idx.msk [tilespmem:v22+s30+$0x0], $0xffff;
	v42 =	vmul.bf16 v63, v51  }
0x375: {  	v54 =	vmul.bf16 v52, v33  }
0x376: {  	v37 =	vadd.bf16 v20, v37;
	v41 =	vadd.bf16 v42, v41  }
0x377: {  	v56 =	vmul.bf16 v52, v35;
	v42 =	vadd.bf16 v34, v54  }
0x378: {  	v37 =	vadd.bf16 v43, v37;
	v55 =	vunpack.i.l.bf16.f32 v41  }
0x379: {  	v41 =	vunpack.i.u.bf16.f32 v41;
	[tilespmem:s7+$0x80] =	vst v55;
	v43 =	vadd.bf16 v26, v56;
	v42 =	vmul.bf16 v53, v42  }
0x37a: {  	v57 =	vunpack.i.l.bf16.f32 v37;
	[tilespmem:s7+$0x280] =	vst v41  }
0x37b: {  	v37 =	vunpack.i.u.bf16.f32 v37;
	[tilespmem:s22+$0x80] =	vst v57;
	v58 =	vld.idx.msk [tilespmem:v24+s3+$0x0], $0xffff;
	v59 =	vadd.bf16 v42, v43  }
0x37c: {  	[tilespmem:s22+$0x280] =	vst v37  }
0x37d: {  	v41 =	vld.idx.msk [tilespmem:v11+s3+$0x0], $0xffff;
	v43 =	vunpack.i.l.bf16.f32 v59  }
0x37e: {  	v37 =	vunpack.i.u.bf16.f32 v59;
	[tilespmem:s4+$0x80] =	vst v43  }
0x37f: {  	v30 =	vmul.bf16 v30, v5;
	v36 =	vadd.bf16 v9, v36;
	v60 =	vld.idx.msk [tilespmem:v25+s3+$0x0], $0xffff;
	[tilespmem:s4+$0x280] =	vst v37  }
0x380: {  	v61 =	vmul.bf16 v58, v28;
	v49 =	vld.idx.msk [tilespmem:v23+s3+$0x0], $0xffff  }
0x381: {  	v30 =	vadd.bf16 v7, v30;
	v36 =	vmul.bf16 v39, v36;
	v62 =	vld.idx.msk [tilespmem:v10+s3+$0x0], $0xffff  }
0x382: {  	v50 =	vmul.bf16 v41, v21;
	v63 =	vmul.bf16 v58, v31;
	v48 =	vadd.bf16 v29, v61  }
0x383: {  	[tilespmem:s29+$0x1C800] =	vst v40;
	v0 =	vmul.bf16 v38, v0;
	v30 =	vadd.bf16 v36, v30;
	v53 =	vmul.bf16 v41, v18  }
0x384: {  	s6 =	sadd.s32 $0x2, s18;
	v54 =	vadd.bf16 v19, v50;
	v51 =	vadd.bf16 v32, v63;
	v56 =	vld.idx.msk [tilespmem:v22+s3+$0x0], $0xffff;
	v52 =	vmul.bf16 v60, v48  }
0x385: {  	s6 =	sand.u32 $0x7, s6;
	v13 =	vld.idx.msk [tilespmem:v13+s1+$0x0], $0xffff;
	v55 =	vunpack.i.l.bf16.f32 v30;
	v30 =	vunpack.i.u.bf16.f32 v30;
	v57 =	vmul.bf16 v49, v33  }
0x386: {  	s6 =	sshll.u32 s6, $0x4;
	[tilespmem:s10+$0x100] =	vst v55;
	v39 =	vadd.bf16 v20, v53;
	v41 =	vmul.bf16 v62, v54;
	v36 =	vadd.bf16 v52, v51  }
0x387: {  	v6 =	vmul.bf16 v38, v6;
	s6 =	sadd.s32 s13, s6;
	[tilespmem:s16+$0x1C800] =	vst v30;
	v60 =	vmul.bf16 v49, v35;
	v61 =	vadd.bf16 v34, v57  }
0x388: {  	v0 =	vadd.bf16 v8, v0;
	s6 =	sadd.s32 $0x10, s6;
	v1 =	vld.idx.msk [tilespmem:v1+s1+$0x0], $0xffff;
	v59 =	vadd.bf16 v41, v39;
	v58 =	vunpack.i.l.bf16.f32 v36  }
0x389: {  	s6 =	sor.u32 $0x300, s6;
	v36 =	vunpack.i.u.bf16.f32 v36;
	[tilespmem:s7+$0x100] =	vst v58;
	v39 =	vadd.bf16 v26, v60;
	v37 =	vmul.bf16 v56, v61  }
0x38a: {  	v12 =	vld.idx.msk [tilespmem:v12+s1+$0x0], $0xffff;
	v4 =	vadd.bf16 v4, v6;
	v0 =	vmul.bf16 v27, v0;
	[tilespmem:s6+$0x1C800] =	vst v36  }
0x38b: {  	v63 =	vmul.bf16 v13, v15;
	v62 =	vunpack.i.l.bf16.f32 v59;
	v36 =	vld.idx.msk [tilespmem:v24+s1+$0x0], $0xffff;
	v38 =	vadd.bf16 v37, v39  }
0x38c: {  	v0 =	vadd.bf16 v0, v4;
	v3 =	vld.idx.msk [tilespmem:v3+s1+$0x0], $0xffff;
	v13 =	vmul.bf16 v13, v14;
	v30 =	vunpack.i.u.bf16.f32 v59;
	[tilespmem:s22+$0x100] =	vst v62  }
0x38d: {  	v2 =	vmul.bf16 v1, v2;
	v8 =	vadd.bf16 v17, v63;
	[tilespmem:s20+$0x1C800] =	vst v30;
	v40 =	vunpack.i.l.bf16.f32 v38  }
0x38e: {  	v1 =	vmul.bf16 v1, v5;
	v13 =	vadd.bf16 v16, v13;
	v39 =	vld.idx.msk [tilespmem:v11+s1+$0x0], $0xffff;
	v41 =	vunpack.i.u.bf16.f32 v38;
	[tilespmem:s4+$0x100] =	vst v40  }
0x38f: {  	v2 =	vadd.bf16 v9, v2;
	v8 =	vmul.bf16 v12, v8;
	v42 =	vld.idx.msk [tilespmem:v25+s1+$0x0], $0xffff;
	[tilespmem:s28+$0x1C800] =	vst v41  }
0x390: {  	v45 =	vunpack.i.l.bf16.f32 v0;
	v43 =	vmul.bf16 v36, v28;
	v44 =	vld.idx.msk [tilespmem:v23+s1+$0x0], $0xffff  }
0x391: {  	v1 =	vadd.bf16 v7, v1;
	v2 =	vmul.bf16 v3, v2;
	v8 =	vadd.bf16 v8, v13  }
0x392: {  	v0 =	vunpack.i.u.bf16.f32 v0;
	v47 =	vld.idx.msk [tilespmem:v10+s1+$0x0], $0xffff;
	v46 =	vmul.bf16 v36, v31;
	v5 =	vadd.bf16 v29, v43  }
0x393: {  	[tilespmem:s9+$0x180] =	vst v45;
	v1 =	vadd.bf16 v2, v1;
	v49 =	vunpack.i.l.bf16.f32 v8;
	v48 =	vmul.bf16 v39, v21  }
0x394: {  	v3 =	vadd.bf16 v32, v46;
	v51 =	vld.idx.msk [tilespmem:v22+s1+$0x0], $0xffff;
	v6 =	vmul.bf16 v39, v18;
	v4 =	vmul.bf16 v42, v5  }
0x395: {  	[tilespmem:s5+$0x1C800] =	vst v0;
	v52 =	vunpack.i.u.bf16.f32 v8;
	v50 =	vadd.bf16 v19, v48;
	v53 =	vmul.bf16 v44, v33  }
0x396: {  	s29 =	sor.u32 s21, s11;
	v54 =	vunpack.i.l.bf16.f32 v1;
	[tilespmem:s8+$0x180] =	vst v49;
	v55 =	vadd.bf16 v20, v6;
	v3 =	vadd.bf16 v4, v3  }
0x397: {  	s6 =	sor.u32 $0x380, s29;
	[tilespmem:s10+$0x180] =	vst v54;
	v2 =	vmul.bf16 v47, v50;
	v56 =	vmul.bf16 v44, v35;
	v57 =	vadd.bf16 v34, v53  }
0x398: {  	v1 =	vunpack.i.u.bf16.f32 v1;
	[tilespmem:s6+$0x1C800] =	vst v52;
	v58 =	vunpack.i.l.bf16.f32 v3  }
0x399: {  	s9 =	sor.u32 s24, s13;
	[tilespmem:s14+$0x1C800] =	vst v1;
	v0 =	vadd.bf16 v2, v55;
	v60 =	vadd.bf16 v26, v56;
	v59 =	vmul.bf16 v51, v57  }
0x39a: {  	s5 =	sor.u32 $0x380, s9;
	v3 =	vunpack.i.u.bf16.f32 v3;
	[tilespmem:s7+$0x180] =	vst v58  }
0x39b: {  	[tilespmem:s5+$0x1C800] =	vst v3;
	v61 =	vunpack.i.l.bf16.f32 v0;
	v2 =	vadd.bf16 v59, v60  }
0x39c: {  	v0 =	vunpack.i.u.bf16.f32 v0;
	[tilespmem:s22+$0x180] =	vst v61  }
0x39d: {  	s10 =	sld [smem:$0x7F3];
	[tilespmem:s12+$0x1C800] =	vst v0;
	v62 =	vunpack.i.l.bf16.f32 v2  }
0x39e: {  	s13 =	rddreg [dreg:$0x17];
	v63 =	vunpack.i.u.bf16.f32 v2;
	[tilespmem:s4+$0x180] =	vst v62  }
0x39f: {  	[tilespmem:s17+$0x1C800] =	vst v63  }
0x3a0: {  	s7 =	rddreg [dreg:$0x13]  }
0x3a1: {  	s19 =	rddreg [dreg:$0x18]  }
0x3a2: {  	s23 =	sld [smem:$0x7F9]  }
0x3a3: {  	s24 =	rddreg [dreg:$0x1f]  }
0x3a4: {  	s18 =	simm.s32 $0x1CC00;
	s21 =	simm.s32 $0x1CA00;
	s8 =	sld [smem:$0x7F5]  }
0x3a5: {  	s16 =	simm.s32 $0x0;
	s11 =	sshll.u32 s10, $0xB;
	s25 =	sld [smem:$0x7F4]  }
0x3a6: {  	s22 =	simm.s32 $0x1CE00;
	s14 =	sor.u32 s13, s11;
	s26 =	sld [smem:$0x7F6]  }
0x3a7: {  	s15 =	sshrl.u32 s14, $0x3;
	s17 =	simm.s32 $0x1C800;
	s28 =	sld [smem:$0x7F7]  }
0x3a8: {  	s29 =	sld [smem:$0x7F8];
	s4 =	sadd.s32 s15, s7;
	s20 =	sor.u32 s19, s11  }
0x3a9: {  	[hbm4b:s4+s16] =	stream.linear.scatter [tilespmem:s17], [sflag:$0x4], $0x200, $0x38;
	[tilespmem:$0x1D000] =	vst v63  }
0x3aa: {  	s5 =	sadd.s32 $0x200, s24;
	s4 =	sadd.s32 $0x80, s4;
	s1 =	sadd.s32 $0x1, s23  }
0x3ab: {  	[hbm4b:s4+s16] =	stream.linear.scatter [tilespmem:s18], [sflag:$0x4], $0x200, $0x38;
	[tilespmem:$0x1D000] =	vst v63  }
0x3ac: {  	s8 =	sadd.s32 $0x200, s8;
	s4 =	sshrl.u32 s20, $0x3;
	[smem:$0x7F9] =	sst s1  }
0x3ad: {  	p0 =	sne.s32 s1, $0x20;
	s1 =	sadd.s32 $0x200, s26;
	s4 =	sadd.s32 s4, s7  }
.Ltmp5:
0x3ae: {  	[smem:$0x7F6] =	sst s1;
	s1 =	sadd.s32 $0x200, s28;
	(pc) =	sbr.rel @p0 .LBB2_9-.Ltmp5, $4  }
0x3af: {  	[hbm4b:s4+s16] =	stream.linear.scatter [tilespmem:s21], [sflag:$0x4], $0x200, $0x38;
	[tilespmem:$0x1D000] =	vst v63  }
0x3b0: {  	s6 =	sadd.s32 $0x200, s25;
	[smem:$0x7F7] =	sst s1;
	s1 =	sadd.s32 $0x200, s29  }
0x3b1: {  	s4 =	sadd.s32 $0x80, s4;
	[smem:$0x7F8] =	sst s1;
	s1 =	simm.s32 $0x1A000  }
0x3b2: {  	[hbm4b:s4+s16] =	stream.linear.scatter [tilespmem:s22], [sflag:$0x4], $0x200, $0x38;
	[tilespmem:$0x1D000] =	vst v63  }
0x3b3: {  	s4 =	rddreg [dreg:$0x16]  }
0x3b4: {  	s4 =	sadd.s32 $0x1, s4  }
0x3b5: {  	p0 =	sne.s32 s4, $0x8  }
.Ltmp6:
0x3b6: {  	_ = 	snop;
	(pc) =	sbr.rel @p0 .LBB2_2-.Ltmp6, $2  }
0x3b7: {  	_ =	sdelay $0x2  }
0x3b8: {  	s8 =	simm.s32 $0x16000;
	s30 =	simm.s32 $0xC000;
	s3 =	simm.s32 $0x18000  }
0x3b9: {  	s4 =	simm.s32 $0x3  }
0x3ba: {  	_ =	swait.ge [sflag:s4], $0x400  }
0x3bb: {  	[sflag:s4] =	ssyncset.done $0x0  }
0x3bc: {  	[sflag:s4] =	ssyncadd.s32 $0xFFFFFC00  }
0x3bd: {  	_ =	swait.ge [sflag:s4], $0x400  }
0x3be: {  	[sflag:s4] =	ssyncset.done $0x0  }
0x3bf: {  	s5 =	simm.s32 $0x4;
	[sflag:s4] =	ssyncadd.s32 $0xFFFFFC00  }
0x3c0: {  	_ =	swait.ge [sflag:s5], $0x400  }
0x3c1: {  	[sflag:s5] =	ssyncset.done $0x0  }
0x3c2: {  	[sflag:s5] =	ssyncadd.s32 $0xFFFFFC00  }
0x3c3: {  	_ =	swait.ge [sflag:s5], $0x400  }
0x3c4: {  	s6 =	rddreg [dreg:$0x15]  }
0x3c5: {  	s29 =	rddreg [dreg:$0x14];
	s6 =	sadd.s32 $0x1, s6  }
0x3c6: {  	p0 =	sne.s32 s6, s29  }
.Ltmp7:
0x3c7: {  	_ = 	snop;
	(pc) =	sbr.rel @p0 .LBB2_1-.Ltmp7, $3  }
0x3c8: {  	_ =	sdelay $0x1  }
0x3c9: {  	[sflag:s5] =	ssyncset.done $0x0  }
0x3ca: {  	[sflag:s5] =	ssyncadd.s32 $0xFFFFFC00  }
0x3cb: {  	_ =	sfence.sel $0x180000  }
0x3cc: {  	[bflag:$0x0] =	sbarrier.arrive $0xFFFF  }
0x3cd: {  	_ =	strace $0x90000047  }
0x3ce: {  	s0 =	stileid.u32;
	[bflag:$0x2] =	sbarrier.arrive $0xFFFF  }
0x3cf: {  	p0 =	sne.s32 s0, $0x0;
	s0 =	rddreg [dreg:$0x5]  }
0x3d0: {  	s0 =	sadd.s32 @!p0 $0x100000, s0  }
0x3d1: {  	[sflag:s0] =	ssyncadd.tile.s32 @!p0 $0x1;
	_ =	shalt  }
.Lfunc_end2:
_tile_overlayer_lowered:
.L_overlay_start_2:
0x3d2: {  	(tag) =	ssettag $0x2  }
0x3d3: {  	s0 =	rddreg [dreg:$0x0];
	s2 =	stileid.u32  }
0x3d4: {  	s1 =	rddreg [dreg:$0x1];
	p0 =	sne.s32 s2, $0x0  }
0x3d5: {  	s3 =	rddreg [dreg:$0x2];
	[bflag:$0x3] =	sbarrier.arrive $0xFFFF;
	s2 =	simm.s32 @!p0 $0x1C05  }
0x3d6: {  	[timem:s3], [sflag:s2] =	dma.local @!p0 [hbm:s0], s1  }
0x3d7: {  	s0 =	simm.s32 @!p0 $0x5  }
0x3d8: {  	_ =	swait.ge @!p0 [sflag:s0], s1  }
0x3d9: {  	s1 =	ssub.s32 @!p0 $0x0, s1;
	[sflag:s0] =	ssyncset.done @!p0 $0x0  }
0x3da: {  	[sflag:s0] =	ssyncadd.s32 @!p0 s1  }
0x3db: {  	[bflag:$0x3] =	sbarrier.arrive $0xFFFF  }
0x3dc: {  	_ =	shalt  }

</sc_bundles>
